<compile_context>
chip_gen: v7x
topology: tpu7x:2x2x1
jax: 0.10.2.dev20260603
libtpu: 0.0.44.dev20260713+nightly
codegen_flags: <defaults>
</compile_context>

<pallas_src>
import functools

import jax
import jax.numpy as jnp
from jax import lax
from jax.experimental import pallas as pl
from jax.experimental.pallas import tpu as pltpu
from jax.experimental.pallas import tpu_sc as plsc

_L = 16
_NW = 32
_P = 128


def _warp_body(B, H, W, C,
               wx_hbm, wy_hbm, feat_hbm, mask_hbm, out_hbm,
               wxv, wyv, mv,
               idx0, wt0, buf0, idx1, wt1, buf1,
               ob0, ob1, sem0, sem1, semo0, semo1):
    HW = H * W
    N = B * HW
    npw = N // _NW
    nchunks = npw // _P
    rows_pw = npw // W
    cpr = W // _P

    cid = lax.axis_index("c")
    sid = lax.axis_index("s")
    wid = sid * 2 + cid
    wbase = wid * npw
    b = wid // 16
    bimg = b * HW
    row0 = wid * rows_pw - b * H

    def prep(k, idxs, wts):
        base = wbase + k * _P
        q = (k * 21846) >> 16
        r = k - q * cpr
        row = row0 + q
        colbase = r * _P
        lpix = row * W + colbase
        pltpu.sync_copy(wx_hbm.at[pl.ds(base, _P)], wxv)
        pltpu.sync_copy(wy_hbm.at[pl.ds(base, _P)], wyv)
        pltpu.sync_copy(mask_hbm.at[pl.ds(lpix, _P)], mv)

        def sub(t, _):
            off = t * _L
            col = colbase + off + lax.iota(jnp.int32, _L)
            jf = col.astype(jnp.float32)
            iff = jnp.full((_L,), row, jnp.int32).astype(jnp.float32)
            wx = wxv[pl.ds(off, _L)]
            wy = wyv[pl.ds(off, _L)]
            tgx = jf + wx
            tgy = iff + wy
            xs = 2.0 * tgx / float(W - 1) - 1.0
            ys = 2.0 * tgy / float(H - 1) - 1.0
            x = 0.5 * (xs + 1.0) * float(W)
            y = 0.5 * (ys + 1.0) * float(H)
            tx = x.astype(jnp.int32)
            ty = y.astype(jnp.int32)
            x0 = jnp.where(tx.astype(jnp.float32) > x, tx - 1, tx)
            y0 = jnp.where(ty.astype(jnp.float32) > y, ty - 1, ty)
            x0c = jnp.minimum(jnp.maximum(x0, 0), W - 1)
            x1c = jnp.minimum(jnp.maximum(x0 + 1, 0), W - 1)
            y0c = jnp.minimum(jnp.maximum(y0, 0), H - 1)
            y1c = jnp.minimum(jnp.maximum(y0 + 1, 0), H - 1)
            ry0 = bimg + y0c * W
            ry1 = bimg + y1c * W
            idxs[0, pl.ds(off, _L)] = ry0 + x0c
            idxs[1, pl.ds(off, _L)] = ry1 + x0c
            idxs[2, pl.ds(off, _L)] = ry0 + x1c
            idxs[3, pl.ds(off, _L)] = ry1 + x1c
            x0f = x0c.astype(jnp.float32)
            x1f = x1c.astype(jnp.float32)
            y0f = y0c.astype(jnp.float32)
            y1f = y1c.astype(jnp.float32)
            mk = mv[pl.ds(off, _L)]
            wts[0, pl.ds(off, _L)] = (x1f - x) * (y1f - y) * mk
            wts[1, pl.ds(off, _L)] = (x1f - x) * (y - y0f) * mk
            wts[2, pl.ds(off, _L)] = (x - x0f) * (y1f - y) * mk
            wts[3, pl.ds(off, _L)] = (x - x0f) * (y - y0f) * mk
            return 0

        lax.fori_loop(0, _P // _L, sub, 0)

    def fire(idxs, bufs, sem):
        for c4 in range(4):
            pltpu.make_async_copy(
                feat_hbm.at[idxs.at[c4]], bufs.at[c4], sem).start()

    def wait(idxs, bufs, sem):
        for c4 in range(4):
            pltpu.make_async_copy(
                feat_hbm.at[idxs.at[c4]], bufs.at[c4], sem).wait()

    def combine(wts, bufs, obuf):
        def px(p, _):
            pi = jnp.full((_L,), p, jnp.int32)
            wa = plsc.load_gather(wts.at[0], [pi])
            wb = plsc.load_gather(wts.at[1], [pi])
            wc = plsc.load_gather(wts.at[2], [pi])
            wd = plsc.load_gather(wts.at[3], [pi])
            for cc in range(C // _L):
                off = cc * _L
                va = bufs[0, p, pl.ds(off, _L)]
                vb = bufs[1, p, pl.ds(off, _L)]
                vc = bufs[2, p, pl.ds(off, _L)]
                vd = bufs[3, p, pl.ds(off, _L)]
                obuf[p, pl.ds(off, _L)] = (wa * va + wb * vb) + (wc * vc + wd * vd)
            return 0

        lax.fori_loop(0, _P, px, 0)

    def store(k, obuf, semo):
        base = wbase + k * _P
        pltpu.make_async_copy(obuf, out_hbm.at[pl.ds(base, _P)], semo).start()

    def drain(k, obuf, semo):
        base = wbase + k * _P
        pltpu.make_async_copy(obuf, out_hbm.at[pl.ds(base, _P)], semo).wait()

    prep(0, idx0, wt0)
    fire(idx0, buf0, sem0)

    def loop(kk, _):
        k0 = 2 * kk
        k1 = 2 * kk + 1

        prep(k1, idx1, wt1)
        fire(idx1, buf1, sem1)
        wait(idx0, buf0, sem0)

        @pl.when(kk > 0)
        def _():
            drain(k0 - 2, ob0, semo0)

        combine(wt0, buf0, ob0)
        store(k0, ob0, semo0)

        @pl.when(k0 + 2 < nchunks)
        def _():
            prep(k0 + 2, idx0, wt0)
            fire(idx0, buf0, sem0)

        wait(idx1, buf1, sem1)

        @pl.when(kk > 0)
        def _():
            drain(k1 - 2, ob1, semo1)

        combine(wt1, buf1, ob1)
        store(k1, ob1, semo1)
        return 0

    lax.fori_loop(0, nchunks // 2, loop, 0)
    drain(nchunks - 2, ob0, semo0)
    drain(nchunks - 1, ob1, semo1)


def kernel(w, feature, view_gp_mask):
    B, H, W, C = feature.shape
    N = B * H * W
    wflat = w.reshape(N, 2)
    wx = wflat[:, 0]
    wy = wflat[:, 1]
    feat = feature.reshape(N, C)
    mask = view_gp_mask.reshape(H * W)

    mesh = plsc.VectorSubcoreMesh(core_axis_name="c", subcore_axis_name="s")
    body = functools.partial(_warp_body, B, H, W, C)
    out = pl.kernel(
        body,
        out_type=jax.ShapeDtypeStruct((N, C), jnp.float32),
        mesh=mesh,
        compiler_params=pltpu.CompilerParams(
            needs_layout_passes=False, use_tc_tiling_on_sc=False),
        scratch_types=[
            pltpu.VMEM((_P,), jnp.float32),
            pltpu.VMEM((_P,), jnp.float32),
            pltpu.VMEM((_P,), jnp.float32),
            pltpu.VMEM((4, _P), jnp.int32),
            pltpu.VMEM((4, _P), jnp.float32),
            pltpu.VMEM((4, _P, C), jnp.float32),
            pltpu.VMEM((4, _P), jnp.int32),
            pltpu.VMEM((4, _P), jnp.float32),
            pltpu.VMEM((4, _P, C), jnp.float32),
            pltpu.VMEM((_P, C), jnp.float32),
            pltpu.VMEM((_P, C), jnp.float32),
            pltpu.SemaphoreType.DMA,
            pltpu.SemaphoreType.DMA,
            pltpu.SemaphoreType.DMA,
            pltpu.SemaphoreType.DMA,
        ],
    )(wx, wy, feat, mask)
    return out.reshape(B, H, W, C)

# --- scband reference (transcript-rebuilt; emitter-appended) ---
"""Pipeline reference for scband-optical-flow-warping-35003983462493 (READ-ONLY COPY).

The authoritative reference and input builder live on the scoring server;
editing this copy changes nothing except your own understanding.
"""

import jax, jax.numpy as jnp
import numpy as np

def setup_inputs(seed: int = 0) -> dict:
    key = jax.random.key(seed)
    k1, k2, k3 = jax.random.split(key, 3)
    B, H, W, C = 2, 384, 384, 96
    w = jax.random.normal(k1, (B, H, W, 2), dtype=jnp.float32)
    feature = jax.random.normal(k2, (B, H, W, C), dtype=jnp.float32)
    view_gp_mask = jax.random.uniform(k3, (H, W), dtype=jnp.float32)
    return {"w": w, "feature": feature, "view_gp_mask": view_gp_mask}

def reference(w, feature, view_gp_mask):
    B, H, W, C = feature.shape
    # _meshgrid: x coords then y coords concatenated, reshaped to (2, H*W)
    x_lin = jnp.linspace(0.0, W - 1, W)
    y_lin = jnp.linspace(0.0, H - 1, H)
    xc, yc = jnp.meshgrid(x_lin, y_lin)
    grid = jnp.concatenate([xc.reshape(-1), yc.reshape(-1)], axis=0)
    grid = jnp.tile(grid, (B,)).reshape(B, 2, -1)
    # flow: (B, H*W, 2) -> (B, 2, H*W)
    flow = w.reshape(B, -1, 2).transpose(0, 2, 1)
    tg = grid + flow
    x_s = 2.0 * tg[:, 0, :] / max(W - 1, 1) - 1.0
    y_s = 2.0 * tg[:, 1, :] / max(H - 1, 1) - 1.0
    x = x_s.reshape(-1)
    y = y_s.reshape(-1)
    # _interpolate
    x = 0.5 * (x + 1.0) * float(W)
    y = 0.5 * (y + 1.0) * float(H)
    x0 = jnp.floor(x).astype(jnp.int32)
    x1 = x0 + 1
    y0 = jnp.floor(y).astype(jnp.int32)
    y1 = y0 + 1
    x0 = jnp.clip(x0, 0, W - 1)
    x1 = jnp.clip(x1, 0, W - 1)
    y0 = jnp.clip(y0, 0, H - 1)
    y1 = jnp.clip(y1, 0, H - 1)
    base = jnp.repeat(jnp.arange(B, dtype=jnp.int32) * (H * W), H * W)
    base_y0 = base + y0 * W
    base_y1 = base + y1 * W
    idx_a = base_y0 + x0
    idx_b = base_y1 + x0
    idx_c = base_y0 + x1
    idx_d = base_y1 + x1
    flat = feature.reshape(-1, C)
    pa = jnp.take(flat, idx_a, axis=0)
    pb = jnp.take(flat, idx_b, axis=0)
    pc = jnp.take(flat, idx_c, axis=0)
    pd = jnp.take(flat, idx_d, axis=0)
    x0f = x0.astype(jnp.float32)
    x1f = x1.astype(jnp.float32)
    y0f = y0.astype(jnp.float32)
    y1f = y1.astype(jnp.float32)
    area_a = ((x1f - x) * (y1f - y))[:, None]
    area_b = ((x1f - x) * (y - y0f))[:, None]
    area_c = ((x - x0f) * (y1f - y))[:, None]
    area_d = ((x - x0f) * (y - y0f))[:, None]
    out = area_a * pa + area_b * pb + area_c * pc + area_d * pd
    out = out.reshape(B, H, W, C)
    mask = jnp.tile(view_gp_mask[None, :, :, None], (B, 1, 1, C))
    return out * mask

if __name__ == "__main__":
    import jax
    _d = setup_inputs()
    print(jax.jit(kernel)(*tuple(_d.values())))

</pallas_src>

<mosaic_0001>
#map = affine_map<(d0, d1) -> (0)>
#map1 = affine_map<(d0, d1) -> (0, 0)>
module attributes {stable_mosaic.version = 14 : i64} {
  func.func @_warp_body(%arg0: i32, %arg1: i32, %arg2: memref<294912xf32, #tpu.memory_space<hbm>>, %arg3: memref<294912xf32, #tpu.memory_space<hbm>>, %arg4: memref<294912x96xf32, #tpu.memory_space<hbm>>, %arg5: memref<147456xf32, #tpu.memory_space<hbm>>, %arg6: memref<294912x96xf32, #tpu.memory_space<hbm>>, %arg7: memref<128xf32, #tpu.memory_space<vmem>>, %arg8: memref<128xf32, #tpu.memory_space<vmem>>, %arg9: memref<128xf32, #tpu.memory_space<vmem>>, %arg10: memref<4x128xi32, #tpu.memory_space<vmem>>, %arg11: memref<4x128xf32, #tpu.memory_space<vmem>>, %arg12: memref<4x128x96xf32, #tpu.memory_space<vmem>>, %arg13: memref<4x128xi32, #tpu.memory_space<vmem>>, %arg14: memref<4x128xf32, #tpu.memory_space<vmem>>, %arg15: memref<4x128x96xf32, #tpu.memory_space<vmem>>, %arg16: memref<128x96xf32, #tpu.memory_space<vmem>>, %arg17: memref<128x96xf32, #tpu.memory_space<vmem>>, %arg18: memref<!tpu.dma_semaphore, #tpu.memory_space<semaphore_mem>>, %arg19: memref<!tpu.dma_semaphore, #tpu.memory_space<semaphore_mem>>, %arg20: memref<!tpu.dma_semaphore, #tpu.memory_space<semaphore_mem>>, %arg21: memref<!tpu.dma_semaphore, #tpu.memory_space<semaphore_mem>>) attributes {dimension_semantics = [#tpu.dimension_semantics<core_parallel>, #tpu.dimension_semantics<subcore_parallel>], iteration_bounds = array<i64: 2, 16>, scalar_prefetch = 0 : i64, scratch_operands = 15 : i64, tpu.core_type = #tpu.core_type<sc_vector_subcore>, window_params = [{transform_indices = #map}, {transform_indices = #map}, {transform_indices = #map1}, {transform_indices = #map}, {transform_indices = #map1}]} {
    %mul3A = arith.constant 2 : i32
    %mul3A_0 = arith.muli %arg1, %mul3A : i32
    %add3A = arith.addi %mul3A_0, %arg0 : i32
    %mul3A_1 = arith.constant 9216 : i32
    %mul3A_2 = arith.muli %add3A, %mul3A_1 : i32
    %jit3A = arith.constant 16 : i32
    %div3A = arith.divsi %add3A, %jit3A : i32
    %sign3A = arith.constant 0 : i32
    %sign3A_3 = arith.cmpi sgt, %add3A, %sign3A : i32
    %sign3A_4 = arith.extui %sign3A_3 : i1 to i32
    %sign3A_5 = arith.constant 0 : i32
    %sign3A_6 = arith.cmpi slt, %add3A, %sign3A_5 : i32
    %sign3A_7 = arith.extui %sign3A_6 : i1 to i32
    %sign3A_8 = arith.subi %sign3A_4, %sign3A_7 : i32
    %sign3A_9 = arith.constant 0 : i32
    %sign3A_10 = arith.cmpi sgt, %jit3A, %sign3A_9 : i32
    %sign3A_11 = arith.extui %sign3A_10 : i1 to i32
    %sign3A_12 = arith.constant 0 : i32
    %sign3A_13 = arith.cmpi slt, %jit3A, %sign3A_12 : i32
    %sign3A_14 = arith.extui %sign3A_13 : i1 to i32
    %sign3A_15 = arith.subi %sign3A_11, %sign3A_14 : i32
    %ne3A = arith.cmpi ne, %sign3A_8, %sign3A_15 : i32
    %rem3A = arith.remsi %add3A, %jit3A : i32
    %ne3A_16 = arith.constant 0 : i32
    %ne3A_17 = arith.cmpi ne, %rem3A, %ne3A_16 : i32
    %and3A = arith.andi %ne3A, %ne3A_17 : i1
    %sub3A = arith.constant 1 : i32
    %sub3A_18 = arith.subi %div3A, %sub3A : i32
    %select_n3A = arith.select %and3A, %sub3A_18, %div3A : i32
    %mul3A_19 = arith.constant 147456 : i32
    %mul3A_20 = arith.muli %select_n3A, %mul3A_19 : i32
    %mul3A_21 = arith.constant 24 : i32
    %mul3A_22 = arith.muli %add3A, %mul3A_21 : i32
    %mul3A_23 = arith.constant 384 : i32
    %mul3A_24 = arith.muli %select_n3A, %mul3A_23 : i32
    %sub3A_25 = arith.subi %mul3A_22, %mul3A_24 : i32
    %add3A_26 = arith.constant 0 : i32
    %add3A_27 = arith.addi %mul3A_2, %add3A_26 : i32
    %add3A_28 = arith.constant 0 : i32
    %add3A_29 = arith.addi %sub3A_25, %add3A_28 : i32
    %mul3A_30 = arith.constant 384 : i32
    %mul3A_31 = arith.muli %add3A_29, %mul3A_30 : i32
    %add3A_32 = arith.constant 0 : i32
    %add3A_33 = arith.addi %mul3A_31, %add3A_32 : i32
    "tpu.region"() ({
      %run_scoped3A = tpu.sem_alloc : memref<!tpu.dma_semaphore, #tpu.memory_space<semaphore_mem>>
      %dma_start3A_105 = tpu.memref_slice %arg2[%add3A_27] : memref<294912xf32, #tpu.memory_space<hbm>> -> memref<128xf32, #tpu.memory_space<hbm>>
      %dma_start3A_106 = tpu.memref_slice %arg2[%add3A_27] : memref<294912xf32, #tpu.memory_space<hbm>> -> memref<128xf32, #tpu.memory_space<hbm>>
      tpu.enqueue_dma source(%dma_start3A_106 : memref<128xf32, #tpu.memory_space<hbm>>) target(%arg7 : memref<128xf32, #tpu.memory_space<vmem>>) target_semaphore(%run_scoped3A : memref<!tpu.dma_semaphore, #tpu.memory_space<semaphore_mem>>)
      %dma_wait3A_107 = tpu.memref_slice %arg2[%add3A_27] : memref<294912xf32, #tpu.memory_space<hbm>> -> memref<128xf32, #tpu.memory_space<hbm>>
      %dma_wait3A_108 = tpu.memref_slice %arg2[%add3A_27] : memref<294912xf32, #tpu.memory_space<hbm>> -> memref<128xf32, #tpu.memory_space<hbm>>
      tpu.wait_dma2 semaphore(%run_scoped3A : memref<!tpu.dma_semaphore, #tpu.memory_space<semaphore_mem>>) src(%dma_wait3A_108 : memref<128xf32, #tpu.memory_space<hbm>>) dst(%arg7 : memref<128xf32, #tpu.memory_space<vmem>>)
      tpu.yield
    }) : () -> ()
    "tpu.region"() ({
      %run_scoped3A = tpu.sem_alloc : memref<!tpu.dma_semaphore, #tpu.memory_space<semaphore_mem>>
      %dma_start3A_105 = tpu.memref_slice %arg3[%add3A_27] : memref<294912xf32, #tpu.memory_space<hbm>> -> memref<128xf32, #tpu.memory_space<hbm>>
      %dma_start3A_106 = tpu.memref_slice %arg3[%add3A_27] : memref<294912xf32, #tpu.memory_space<hbm>> -> memref<128xf32, #tpu.memory_space<hbm>>
      tpu.enqueue_dma source(%dma_start3A_106 : memref<128xf32, #tpu.memory_space<hbm>>) target(%arg8 : memref<128xf32, #tpu.memory_space<vmem>>) target_semaphore(%run_scoped3A : memref<!tpu.dma_semaphore, #tpu.memory_space<semaphore_mem>>)
      %dma_wait3A_107 = tpu.memref_slice %arg3[%add3A_27] : memref<294912xf32, #tpu.memory_space<hbm>> -> memref<128xf32, #tpu.memory_space<hbm>>
      %dma_wait3A_108 = tpu.memref_slice %arg3[%add3A_27] : memref<294912xf32, #tpu.memory_space<hbm>> -> memref<128xf32, #tpu.memory_space<hbm>>
      tpu.wait_dma2 semaphore(%run_scoped3A : memref<!tpu.dma_semaphore, #tpu.memory_space<semaphore_mem>>) src(%dma_wait3A_108 : memref<128xf32, #tpu.memory_space<hbm>>) dst(%arg8 : memref<128xf32, #tpu.memory_space<vmem>>)
      tpu.yield
    }) : () -> ()
    "tpu.region"() ({
      %run_scoped3A = tpu.sem_alloc : memref<!tpu.dma_semaphore, #tpu.memory_space<semaphore_mem>>
      %dma_start3A_105 = tpu.memref_slice %arg5[%add3A_33] : memref<147456xf32, #tpu.memory_space<hbm>> -> memref<128xf32, #tpu.memory_space<hbm>>
      %dma_start3A_106 = tpu.memref_slice %arg5[%add3A_33] : memref<147456xf32, #tpu.memory_space<hbm>> -> memref<128xf32, #tpu.memory_space<hbm>>
      tpu.enqueue_dma source(%dma_start3A_106 : memref<128xf32, #tpu.memory_space<hbm>>) target(%arg9 : memref<128xf32, #tpu.memory_space<vmem>>) target_semaphore(%run_scoped3A : memref<!tpu.dma_semaphore, #tpu.memory_space<semaphore_mem>>)
      %dma_wait3A_107 = tpu.memref_slice %arg5[%add3A_33] : memref<147456xf32, #tpu.memory_space<hbm>> -> memref<128xf32, #tpu.memory_space<hbm>>
      %dma_wait3A_108 = tpu.memref_slice %arg5[%add3A_33] : memref<147456xf32, #tpu.memory_space<hbm>> -> memref<128xf32, #tpu.memory_space<hbm>>
      tpu.wait_dma2 semaphore(%run_scoped3A : memref<!tpu.dma_semaphore, #tpu.memory_space<semaphore_mem>>) src(%dma_wait3A_108 : memref<128xf32, #tpu.memory_space<hbm>>) dst(%arg9 : memref<128xf32, #tpu.memory_space<vmem>>)
      tpu.yield
    }) : () -> ()
    %scan3A = arith.constant 0 : i32
    %scan3A_34 = arith.constant 0 : i32
    %scan3A_35 = arith.constant 8 : i32
    %scan3A_36 = arith.addi %scan3A_34, %scan3A_35 : i32
    %scan3A_37 = arith.constant 1 : i32
    %scan3A_38 = scf.for %scan3A_105 = %scan3A_34 to %scan3A_36 step %scan3A_37 iter_args(%scan3A_106 = %scan3A) -> (i32)  : i32 {
      %mul3A_107 = arith.constant 16 : i32
      %mul3A_108 = arith.muli %scan3A_105, %mul3A_107 : i32
      %add3A_109 = arith.constant 0 : i32
      %add3A_110 = arith.addi %add3A_109, %mul3A_108 : i32
      %iota3A = tpu.iota {dimensions = array<i32: 0>} : vector<16xi32>
      %add3A_111 = vector.broadcast %add3A_110 : i32 to vector<16xi32>
      %add3A_112 = arith.addi %add3A_111, %iota3A : vector<16xi32>
      %convert_element_type3A = arith.sitofp %add3A_112 : vector<16xi32> to vector<16xf32>
      %broadcast_in_dim3A = vector.broadcast %add3A_29 : i32 to vector<16xi32>
      %convert_element_type3A_113 = arith.sitofp %broadcast_in_dim3A : vector<16xi32> to vector<16xf32>
      %get3A = arith.index_cast %mul3A_108 : i32 to index
      %get3A_114 = tpu.vector_load %arg7[%get3A] {strides = array<i32>} : memref<128xf32, #tpu.memory_space<vmem>>, vector<16xf32>,
      %get3A_115 = arith.index_cast %mul3A_108 : i32 to index
      %get3A_116 = tpu.vector_load %arg8[%get3A_115] {strides = array<i32>} : memref<128xf32, #tpu.memory_space<vmem>>, vector<16xf32>,
      %add3A_117 = arith.addf %convert_element_type3A, %get3A_114 : vector<16xf32>
      %add3A_118 = arith.addf %convert_element_type3A_113, %get3A_116 : vector<16xf32>
      %mul3A_119 = arith.constant 2.000000e+00 : f32
      %mul3A_120 = vector.broadcast %mul3A_119 : f32 to vector<16xf32>
      %mul3A_121 = arith.mulf %mul3A_120, %add3A_117 : vector<16xf32>
      %div3A_122 = arith.constant 3.830000e+02 : f32
      %div3A_123 = vector.broadcast %div3A_122 : f32 to vector<16xf32>
      %div3A_124 = arith.divf %mul3A_121, %div3A_123 : vector<16xf32>
      %sub3A_125 = arith.constant 1.000000e+00 : f32
      %sub3A_126 = vector.broadcast %sub3A_125 : f32 to vector<16xf32>
      %sub3A_127 = arith.subf %div3A_124, %sub3A_126 : vector<16xf32>
      %mul3A_128 = arith.constant 2.000000e+00 : f32
      %mul3A_129 = vector.broadcast %mul3A_128 : f32 to vector<16xf32>
      %mul3A_130 = arith.mulf %mul3A_129, %add3A_118 : vector<16xf32>
      %div3A_131 = arith.constant 3.830000e+02 : f32
      %div3A_132 = vector.broadcast %div3A_131 : f32 to vector<16xf32>
      %div3A_133 = arith.divf %mul3A_130, %div3A_132 : vector<16xf32>
      %sub3A_134 = arith.constant 1.000000e+00 : f32
      %sub3A_135 = vector.broadcast %sub3A_134 : f32 to vector<16xf32>
      %sub3A_136 = arith.subf %div3A_133, %sub3A_135 : vector<16xf32>
      %add3A_137 = arith.constant 1.000000e+00 : f32
      %add3A_138 = vector.broadcast %add3A_137 : f32 to vector<16xf32>
      %add3A_139 = arith.addf %sub3A_127, %add3A_138 : vector<16xf32>
      %mul3A_140 = arith.constant 5.000000e-01 : f32
      %mul3A_141 = vector.broadcast %mul3A_140 : f32 to vector<16xf32>
      %mul3A_142 = arith.mulf %mul3A_141, %add3A_139 : vector<16xf32>
      %mul3A_143 = arith.constant 3.840000e+02 : f32
      %mul3A_144 = vector.broadcast %mul3A_143 : f32 to vector<16xf32>
      %mul3A_145 = arith.mulf %mul3A_142, %mul3A_144 : vector<16xf32>
      %add3A_146 = arith.constant 1.000000e+00 : f32
      %add3A_147 = vector.broadcast %add3A_146 : f32 to vector<16xf32>
      %add3A_148 = arith.addf %sub3A_136, %add3A_147 : vector<16xf32>
      %mul3A_149 = arith.constant 5.000000e-01 : f32
      %mul3A_150 = vector.broadcast %mul3A_149 : f32 to vector<16xf32>
      %mul3A_151 = arith.mulf %mul3A_150, %add3A_148 : vector<16xf32>
      %mul3A_152 = arith.constant 3.840000e+02 : f32
      %mul3A_153 = vector.broadcast %mul3A_152 : f32 to vector<16xf32>
      %mul3A_154 = arith.mulf %mul3A_151, %mul3A_153 : vector<16xf32>
      %convert_element_type3A_155 = arith.fptosi %mul3A_145 : vector<16xf32> to vector<16xi32>
      %convert_element_type3A_156 = arith.fptosi %mul3A_154 : vector<16xf32> to vector<16xi32>
      %convert_element_type3A_157 = arith.sitofp %convert_element_type3A_155 : vector<16xi32> to vector<16xf32>
      %gt3A = arith.cmpf ogt, %convert_element_type3A_157, %mul3A_145 : vector<16xf32>
      %sub3A_158 = arith.constant 1 : i32
      %sub3A_159 = vector.broadcast %sub3A_158 : i32 to vector<16xi32>
      %sub3A_160 = arith.subi %convert_element_type3A_155, %sub3A_159 : vector<16xi32>
      %select_n3A_161 = arith.select %gt3A, %sub3A_160, %convert_element_type3A_155 : vector<16xi1>, vector<16xi32>
      %convert_element_type3A_162 = arith.sitofp %convert_element_type3A_156 : vector<16xi32> to vector<16xf32>
      %gt3A_163 = arith.cmpf ogt, %convert_element_type3A_162, %mul3A_154 : vector<16xf32>
      %sub3A_164 = arith.constant 1 : i32
      %sub3A_165 = vector.broadcast %sub3A_164 : i32 to vector<16xi32>
      %sub3A_166 = arith.subi %convert_element_type3A_156, %sub3A_165 : vector<16xi32>
      %select_n3A_167 = arith.select %gt3A_163, %sub3A_166, %convert_element_type3A_156 : vector<16xi1>, vector<16xi32>
      %max3A = arith.constant 0 : i32
      %max3A_168 = vector.broadcast %max3A : i32 to vector<16xi32>
      %max3A_169 = arith.maxsi %select_n3A_161, %max3A_168 : vector<16xi32>
      %min3A = arith.constant 383 : i32
      %min3A_170 = vector.broadcast %min3A : i32 to vector<16xi32>
      %min3A_171 = arith.minsi %max3A_169, %min3A_170 : vector<16xi32>
      %add3A_172 = arith.constant 1 : i32
      %add3A_173 = vector.broadcast %add3A_172 : i32 to vector<16xi32>
      %add3A_174 = arith.addi %select_n3A_161, %add3A_173 : vector<16xi32>
      %max3A_175 = arith.constant 0 : i32
      %max3A_176 = vector.broadcast %max3A_175 : i32 to vector<16xi32>
      %max3A_177 = arith.maxsi %add3A_174, %max3A_176 : vector<16xi32>
      %min3A_178 = arith.constant 383 : i32
      %min3A_179 = vector.broadcast %min3A_178 : i32 to vector<16xi32>
      %min3A_180 = arith.minsi %max3A_177, %min3A_179 : vector<16xi32>
      %max3A_181 = arith.constant 0 : i32
      %max3A_182 = vector.broadcast %max3A_181 : i32 to vector<16xi32>
      %max3A_183 = arith.maxsi %select_n3A_167, %max3A_182 : vector<16xi32>
      %min3A_184 = arith.constant 383 : i32
      %min3A_185 = vector.broadcast %min3A_184 : i32 to vector<16xi32>
      %min3A_186 = arith.minsi %max3A_183, %min3A_185 : vector<16xi32>
      %add3A_187 = arith.constant 1 : i32
      %add3A_188 = vector.broadcast %add3A_187 : i32 to vector<16xi32>
      %add3A_189 = arith.addi %select_n3A_167, %add3A_188 : vector<16xi32>
      %max3A_190 = arith.constant 0 : i32
      %max3A_191 = vector.broadcast %max3A_190 : i32 to vector<16xi32>
      %max3A_192 = arith.maxsi %add3A_189, %max3A_191 : vector<16xi32>
      %min3A_193 = arith.constant 383 : i32
      %min3A_194 = vector.broadcast %min3A_193 : i32 to vector<16xi32>
      %min3A_195 = arith.minsi %max3A_192, %min3A_194 : vector<16xi32>
      %mul3A_196 = arith.constant 384 : i32
      %mul3A_197 = vector.broadcast %mul3A_196 : i32 to vector<16xi32>
      %mul3A_198 = arith.muli %min3A_186, %mul3A_197 : vector<16xi32>
      %add3A_199 = vector.broadcast %mul3A_20 : i32 to vector<16xi32>
      %add3A_200 = arith.addi %add3A_199, %mul3A_198 : vector<16xi32>
      %mul3A_201 = arith.constant 384 : i32
      %mul3A_202 = vector.broadcast %mul3A_201 : i32 to vector<16xi32>
      %mul3A_203 = arith.muli %min3A_195, %mul3A_202 : vector<16xi32>
      %add3A_204 = vector.broadcast %mul3A_20 : i32 to vector<16xi32>
      %add3A_205 = arith.addi %add3A_204, %mul3A_203 : vector<16xi32>
      %add3A_206 = arith.addi %add3A_200, %min3A_171 : vector<16xi32>
      %swap3A = arith.constant 0 : i32
      %swap3A_207 = arith.index_cast %swap3A : i32 to index
      %swap3A_208 = arith.index_cast %mul3A_108 : i32 to index
      %swap3A_209 = tpu.vector_load %arg10[%swap3A_207, %swap3A_208] {strides = array<i32>} : memref<4x128xi32, #tpu.memory_space<vmem>>, vector<16xi32>,
      tpu.vector_store %arg10[%swap3A_207, %swap3A_208], %add3A_206 {strides = array<i32>} : memref<4x128xi32, #tpu.memory_space<vmem>>, vector<16xi32>,
      %add3A_210 = arith.addi %add3A_205, %min3A_171 : vector<16xi32>
      %swap3A_211 = arith.constant 1 : i32
      %swap3A_212 = arith.index_cast %swap3A_211 : i32 to index
      %swap3A_213 = arith.index_cast %mul3A_108 : i32 to index
      %swap3A_214 = tpu.vector_load %arg10[%swap3A_212, %swap3A_213] {strides = array<i32>} : memref<4x128xi32, #tpu.memory_space<vmem>>, vector<16xi32>,
      tpu.vector_store %arg10[%swap3A_212, %swap3A_213], %add3A_210 {strides = array<i32>} : memref<4x128xi32, #tpu.memory_space<vmem>>, vector<16xi32>,
      %add3A_215 = arith.addi %add3A_200, %min3A_180 : vector<16xi32>
      %swap3A_216 = arith.constant 2 : i32
      %swap3A_217 = arith.index_cast %swap3A_216 : i32 to index
      %swap3A_218 = arith.index_cast %mul3A_108 : i32 to index
      %swap3A_219 = tpu.vector_load %arg10[%swap3A_217, %swap3A_218] {strides = array<i32>} : memref<4x128xi32, #tpu.memory_space<vmem>>, vector<16xi32>,
      tpu.vector_store %arg10[%swap3A_217, %swap3A_218], %add3A_215 {strides = array<i32>} : memref<4x128xi32, #tpu.memory_space<vmem>>, vector<16xi32>,
      %add3A_220 = arith.addi %add3A_205, %min3A_180 : vector<16xi32>
      %swap3A_221 = arith.constant 3 : i32
      %swap3A_222 = arith.index_cast %swap3A_221 : i32 to index
      %swap3A_223 = arith.index_cast %mul3A_108 : i32 to index
      %swap3A_224 = tpu.vector_load %arg10[%swap3A_222, %swap3A_223] {strides = array<i32>} : memref<4x128xi32, #tpu.memory_space<vmem>>, vector<16xi32>,
      tpu.vector_store %arg10[%swap3A_222, %swap3A_223], %add3A_220 {strides = array<i32>} : memref<4x128xi32, #tpu.memory_space<vmem>>, vector<16xi32>,
      %convert_element_type3A_225 = arith.sitofp %min3A_171 : vector<16xi32> to vector<16xf32>
      %convert_element_type3A_226 = arith.sitofp %min3A_180 : vector<16xi32> to vector<16xf32>
      %convert_element_type3A_227 = arith.sitofp %min3A_186 : vector<16xi32> to vector<16xf32>
      %convert_element_type3A_228 = arith.sitofp %min3A_195 : vector<16xi32> to vector<16xf32>
      %get3A_229 = arith.index_cast %mul3A_108 : i32 to index
      %get3A_230 = tpu.vector_load %arg9[%get3A_229] {strides = array<i32>} : memref<128xf32, #tpu.memory_space<vmem>>, vector<16xf32>,
      %sub3A_231 = arith.subf %convert_element_type3A_226, %mul3A_145 : vector<16xf32>
      %sub3A_232 = arith.subf %convert_element_type3A_228, %mul3A_154 : vector<16xf32>
      %mul3A_233 = arith.mulf %sub3A_231, %sub3A_232 : vector<16xf32>
      %mul3A_234 = arith.mulf %mul3A_233, %get3A_230 : vector<16xf32>
      %swap3A_235 = arith.constant 0 : i32
      %swap3A_236 = arith.index_cast %swap3A_235 : i32 to index
      %swap3A_237 = arith.index_cast %mul3A_108 : i32 to index
      %swap3A_238 = tpu.vector_load %arg11[%swap3A_236, %swap3A_237] {strides = array<i32>} : memref<4x128xf32, #tpu.memory_space<vmem>>, vector<16xf32>,
      tpu.vector_store %arg11[%swap3A_236, %swap3A_237], %mul3A_234 {strides = array<i32>} : memref<4x128xf32, #tpu.memory_space<vmem>>, vector<16xf32>,
      %sub3A_239 = arith.subf %convert_element_type3A_226, %mul3A_145 : vector<16xf32>
      %sub3A_240 = arith.subf %mul3A_154, %convert_element_type3A_227 : vector<16xf32>
      %mul3A_241 = arith.mulf %sub3A_239, %sub3A_240 : vector<16xf32>
      %mul3A_242 = arith.mulf %mul3A_241, %get3A_230 : vector<16xf32>
      %swap3A_243 = arith.constant 1 : i32
      %swap3A_244 = arith.index_cast %swap3A_243 : i32 to index
      %swap3A_245 = arith.index_cast %mul3A_108 : i32 to index
      %swap3A_246 = tpu.vector_load %arg11[%swap3A_244, %swap3A_245] {strides = array<i32>} : memref<4x128xf32, #tpu.memory_space<vmem>>, vector<16xf32>,
      tpu.vector_store %arg11[%swap3A_244, %swap3A_245], %mul3A_242 {strides = array<i32>} : memref<4x128xf32, #tpu.memory_space<vmem>>, vector<16xf32>,
      %sub3A_247 = arith.subf %mul3A_145, %convert_element_type3A_225 : vector<16xf32>
      %sub3A_248 = arith.subf %convert_element_type3A_228, %mul3A_154 : vector<16xf32>
      %mul3A_249 = arith.mulf %sub3A_247, %sub3A_248 : vector<16xf32>
      %mul3A_250 = arith.mulf %mul3A_249, %get3A_230 : vector<16xf32>
      %swap3A_251 = arith.constant 2 : i32
      %swap3A_252 = arith.index_cast %swap3A_251 : i32 to index
      %swap3A_253 = arith.index_cast %mul3A_108 : i32 to index
      %swap3A_254 = tpu.vector_load %arg11[%swap3A_252, %swap3A_253] {strides = array<i32>} : memref<4x128xf32, #tpu.memory_space<vmem>>, vector<16xf32>,
      tpu.vector_store %arg11[%swap3A_252, %swap3A_253], %mul3A_250 {strides = array<i32>} : memref<4x128xf32, #tpu.memory_space<vmem>>, vector<16xf32>,
      %sub3A_255 = arith.subf %mul3A_145, %convert_element_type3A_225 : vector<16xf32>
      %sub3A_256 = arith.subf %mul3A_154, %convert_element_type3A_227 : vector<16xf32>
      %mul3A_257 = arith.mulf %sub3A_255, %sub3A_256 : vector<16xf32>
      %mul3A_258 = arith.mulf %mul3A_257, %get3A_230 : vector<16xf32>
      %swap3A_259 = arith.constant 3 : i32
      %swap3A_260 = arith.index_cast %swap3A_259 : i32 to index
      %swap3A_261 = arith.index_cast %mul3A_108 : i32 to index
      %swap3A_262 = tpu.vector_load %arg11[%swap3A_260, %swap3A_261] {strides = array<i32>} : memref<4x128xf32, #tpu.memory_space<vmem>>, vector<16xf32>,
      tpu.vector_store %arg11[%swap3A_260, %swap3A_261], %mul3A_258 {strides = array<i32>} : memref<4x128xf32, #tpu.memory_space<vmem>>, vector<16xf32>,
      %scan3A_263 = arith.constant 0 : i32
      scf.yield %scan3A_263 : i32
    }
    %scan3A_39 = arith.constant 8 : i32
    %dma_start3A = arith.constant 0 : i32
    %dma_start3A_40 = arith.constant 0 : i32
    %dma_start3A_41 = arith.constant 0 : i32
    %dma_start3A_42 = arith.constant 0 : i32
    %dma_start3A_43 = tpu.memref_slice %arg12[%dma_start3A_40, %dma_start3A_41, %dma_start3A_42] : memref<4x128x96xf32, #tpu.memory_space<vmem>> -> memref<1x128x96xf32, #tpu.memory_space<vmem>>
    %dma_start3A_44 = tpu.memref_squeeze %dma_start3A_43 : memref<1x128x96xf32, #tpu.memory_space<vmem>> -> memref<128x96xf32, #tpu.memory_space<vmem>>
    %dma_start3A_45 = arith.constant 0 : i32
    %dma_start3A_46 = tpu.memref_slice %arg10[%dma_start3A, %dma_start3A_45] : memref<4x128xi32, #tpu.memory_space<vmem>> -> memref<1x128xi32, #tpu.memory_space<vmem>>
    %dma_start3A_47 = tpu.memref_squeeze %dma_start3A_46 : memref<1x128xi32, #tpu.memory_space<vmem>> -> memref<128xi32, #tpu.memory_space<vmem>>
    %dma_start3A_48 = arith.constant 0 : i32
    %dma_start3A_49 = arith.constant 0 : i32
    %dma_start3A_50 = tpu.memref_slice %arg4[%dma_start3A_48, %dma_start3A_49] : memref<294912x96xf32, #tpu.memory_space<hbm>> -> memref<294912x96xf32, #tpu.memory_space<hbm>>
    tpu.enqueue_indirect_dma source(%dma_start3A_50 : memref<294912x96xf32, #tpu.memory_space<hbm>>) target(%dma_start3A_44 : memref<128x96xf32, #tpu.memory_space<vmem>>) offsets(%dma_start3A_47 : memref<128xi32, #tpu.memory_space<vmem>>) semaphore(%arg18 : memref<!tpu.dma_semaphore, #tpu.memory_space<semaphore_mem>>)
    %dma_start3A_51 = arith.constant 1 : i32
    %dma_start3A_52 = arith.constant 1 : i32
    %dma_start3A_53 = arith.constant 0 : i32
    %dma_start3A_54 = arith.constant 0 : i32
    %dma_start3A_55 = tpu.memref_slice %arg12[%dma_start3A_52, %dma_start3A_53, %dma_start3A_54] : memref<4x128x96xf32, #tpu.memory_space<vmem>> -> memref<1x128x96xf32, #tpu.memory_space<vmem>>
    %dma_start3A_56 = tpu.memref_squeeze %dma_start3A_55 : memref<1x128x96xf32, #tpu.memory_space<vmem>> -> memref<128x96xf32, #tpu.memory_space<vmem>>
    %dma_start3A_57 = arith.constant 0 : i32
    %dma_start3A_58 = tpu.memref_slice %arg10[%dma_start3A_51, %dma_start3A_57] : memref<4x128xi32, #tpu.memory_space<vmem>> -> memref<1x128xi32, #tpu.memory_space<vmem>>
    %dma_start3A_59 = tpu.memref_squeeze %dma_start3A_58 : memref<1x128xi32, #tpu.memory_space<vmem>> -> memref<128xi32, #tpu.memory_space<vmem>>
    %dma_start3A_60 = arith.constant 0 : i32
    %dma_start3A_61 = arith.constant 0 : i32
    %dma_start3A_62 = tpu.memref_slice %arg4[%dma_start3A_60, %dma_start3A_61] : memref<294912x96xf32, #tpu.memory_space<hbm>> -> memref<294912x96xf32, #tpu.memory_space<hbm>>
    tpu.enqueue_indirect_dma source(%dma_start3A_62 : memref<294912x96xf32, #tpu.memory_space<hbm>>) target(%dma_start3A_56 : memref<128x96xf32, #tpu.memory_space<vmem>>) offsets(%dma_start3A_59 : memref<128xi32, #tpu.memory_space<vmem>>) semaphore(%arg18 : memref<!tpu.dma_semaphore, #tpu.memory_space<semaphore_mem>>)
    %dma_start3A_63 = arith.constant 2 : i32
    %dma_start3A_64 = arith.constant 2 : i32
    %dma_start3A_65 = arith.constant 0 : i32
    %dma_start3A_66 = arith.constant 0 : i32
    %dma_start3A_67 = tpu.memref_slice %arg12[%dma_start3A_64, %dma_start3A_65, %dma_start3A_66] : memref<4x128x96xf32, #tpu.memory_space<vmem>> -> memref<1x128x96xf32, #tpu.memory_space<vmem>>
    %dma_start3A_68 = tpu.memref_squeeze %dma_start3A_67 : memref<1x128x96xf32, #tpu.memory_space<vmem>> -> memref<128x96xf32, #tpu.memory_space<vmem>>
    %dma_start3A_69 = arith.constant 0 : i32
    %dma_start3A_70 = tpu.memref_slice %arg10[%dma_start3A_63, %dma_start3A_69] : memref<4x128xi32, #tpu.memory_space<vmem>> -> memref<1x128xi32, #tpu.memory_space<vmem>>
    %dma_start3A_71 = tpu.memref_squeeze %dma_start3A_70 : memref<1x128xi32, #tpu.memory_space<vmem>> -> memref<128xi32, #tpu.memory_space<vmem>>
    %dma_start3A_72 = arith.constant 0 : i32
    %dma_start3A_73 = arith.constant 0 : i32
    %dma_start3A_74 = tpu.memref_slice %arg4[%dma_start3A_72, %dma_start3A_73] : memref<294912x96xf32, #tpu.memory_space<hbm>> -> memref<294912x96xf32, #tpu.memory_space<hbm>>
    tpu.enqueue_indirect_dma source(%dma_start3A_74 : memref<294912x96xf32, #tpu.memory_space<hbm>>) target(%dma_start3A_68 : memref<128x96xf32, #tpu.memory_space<vmem>>) offsets(%dma_start3A_71 : memref<128xi32, #tpu.memory_space<vmem>>) semaphore(%arg18 : memref<!tpu.dma_semaphore, #tpu.memory_space<semaphore_mem>>)
    %dma_start3A_75 = arith.constant 3 : i32
    %dma_start3A_76 = arith.constant 3 : i32
    %dma_start3A_77 = arith.constant 0 : i32
    %dma_start3A_78 = arith.constant 0 : i32
    %dma_start3A_79 = tpu.memref_slice %arg12[%dma_start3A_76, %dma_start3A_77, %dma_start3A_78] : memref<4x128x96xf32, #tpu.memory_space<vmem>> -> memref<1x128x96xf32, #tpu.memory_space<vmem>>
    %dma_start3A_80 = tpu.memref_squeeze %dma_start3A_79 : memref<1x128x96xf32, #tpu.memory_space<vmem>> -> memref<128x96xf32, #tpu.memory_space<vmem>>
    %dma_start3A_81 = arith.constant 0 : i32
    %dma_start3A_82 = tpu.memref_slice %arg10[%dma_start3A_75, %dma_start3A_81] : memref<4x128xi32, #tpu.memory_space<vmem>> -> memref<1x128xi32, #tpu.memory_space<vmem>>
    %dma_start3A_83 = tpu.memref_squeeze %dma_start3A_82 : memref<1x128xi32, #tpu.memory_space<vmem>> -> memref<128xi32, #tpu.memory_space<vmem>>
    %dma_start3A_84 = arith.constant 0 : i32
    %dma_start3A_85 = arith.constant 0 : i32
    %dma_start3A_86 = tpu.memref_slice %arg4[%dma_start3A_84, %dma_start3A_85] : memref<294912x96xf32, #tpu.memory_space<hbm>> -> memref<294912x96xf32, #tpu.memory_space<hbm>>
    tpu.enqueue_indirect_dma source(%dma_start3A_86 : memref<294912x96xf32, #tpu.memory_space<hbm>>) target(%dma_start3A_80 : memref<128x96xf32, #tpu.memory_space<vmem>>) offsets(%dma_start3A_83 : memref<128xi32, #tpu.memory_space<vmem>>) semaphore(%arg18 : memref<!tpu.dma_semaphore, #tpu.memory_space<semaphore_mem>>)
    %scan3A_87 = arith.constant 0 : i32
    %scan3A_88 = arith.constant 0 : i32
    %scan3A_89 = arith.constant 36 : i32
    %scan3A_90 = arith.addi %scan3A_88, %scan3A_89 : i32
    %scan3A_91 = arith.constant 1 : i32
    %scan3A_92 = scf.for %scan3A_105 = %scan3A_88 to %scan3A_90 step %scan3A_91 iter_args(%scan3A_106 = %scan3A_87) -> (i32)  : i32 {
      %mul3A_107 = arith.constant 2 : i32
      %mul3A_108 = arith.muli %mul3A_107, %scan3A_105 : i32
      %mul3A_109 = arith.constant 2 : i32
      %mul3A_110 = arith.muli %mul3A_109, %scan3A_105 : i32
      %add3A_111 = arith.constant 1 : i32
      %add3A_112 = arith.addi %mul3A_110, %add3A_111 : i32
      %mul3A_113 = arith.constant 128 : i32
      %mul3A_114 = arith.muli %add3A_112, %mul3A_113 : i32
      %add3A_115 = arith.addi %mul3A_2, %mul3A_114 : i32
      %mul3A_116 = arith.constant 21846 : i32
      %mul3A_117 = arith.muli %add3A_112, %mul3A_116 : i32
      %shift_right_arithmetic3A = arith.constant 16 : i32
      %shift_right_arithmetic3A_118 = arith.shrsi %mul3A_117, %shift_right_arithmetic3A : i32
      %mul3A_119 = arith.constant 3 : i32
      %mul3A_120 = arith.muli %shift_right_arithmetic3A_118, %mul3A_119 : i32
      %sub3A_121 = arith.subi %add3A_112, %mul3A_120 : i32
      %add3A_122 = arith.addi %sub3A_25, %shift_right_arithmetic3A_118 : i32
      %mul3A_123 = arith.constant 128 : i32
      %mul3A_124 = arith.muli %sub3A_121, %mul3A_123 : i32
      %mul3A_125 = arith.constant 384 : i32
      %mul3A_126 = arith.muli %add3A_122, %mul3A_125 : i32
      %add3A_127 = arith.addi %mul3A_126, %mul3A_124 : i32
      "tpu.region"() ({
        %run_scoped3A = tpu.sem_alloc : memref<!tpu.dma_semaphore, #tpu.memory_space<semaphore_mem>>
        %dma_start3A_321 = tpu.memref_slice %arg2[%add3A_115] : memref<294912xf32, #tpu.memory_space<hbm>> -> memref<128xf32, #tpu.memory_space<hbm>>
        %dma_start3A_322 = tpu.memref_slice %arg2[%add3A_115] : memref<294912xf32, #tpu.memory_space<hbm>> -> memref<128xf32, #tpu.memory_space<hbm>>
        tpu.enqueue_dma source(%dma_start3A_322 : memref<128xf32, #tpu.memory_space<hbm>>) target(%arg7 : memref<128xf32, #tpu.memory_space<vmem>>) target_semaphore(%run_scoped3A : memref<!tpu.dma_semaphore, #tpu.memory_space<semaphore_mem>>)
        %dma_wait3A_323 = tpu.memref_slice %arg2[%add3A_115] : memref<294912xf32, #tpu.memory_space<hbm>> -> memref<128xf32, #tpu.memory_space<hbm>>
        %dma_wait3A_324 = tpu.memref_slice %arg2[%add3A_115] : memref<294912xf32, #tpu.memory_space<hbm>> -> memref<128xf32, #tpu.memory_space<hbm>>
        tpu.wait_dma2 semaphore(%run_scoped3A : memref<!tpu.dma_semaphore, #tpu.memory_space<semaphore_mem>>) src(%dma_wait3A_324 : memref<128xf32, #tpu.memory_space<hbm>>) dst(%arg7 : memref<128xf32, #tpu.memory_space<vmem>>)
        tpu.yield
      }) : () -> ()
      "tpu.region"() ({
        %run_scoped3A = tpu.sem_alloc : memref<!tpu.dma_semaphore, #tpu.memory_space<semaphore_mem>>
        %dma_start3A_321 = tpu.memref_slice %arg3[%add3A_115] : memref<294912xf32, #tpu.memory_space<hbm>> -> memref<128xf32, #tpu.memory_space<hbm>>
        %dma_start3A_322 = tpu.memref_slice %arg3[%add3A_115] : memref<294912xf32, #tpu.memory_space<hbm>> -> memref<128xf32, #tpu.memory_space<hbm>>
        tpu.enqueue_dma source(%dma_start3A_322 : memref<128xf32, #tpu.memory_space<hbm>>) target(%arg8 : memref<128xf32, #tpu.memory_space<vmem>>) target_semaphore(%run_scoped3A : memref<!tpu.dma_semaphore, #tpu.memory_space<semaphore_mem>>)
        %dma_wait3A_323 = tpu.memref_slice %arg3[%add3A_115] : memref<294912xf32, #tpu.memory_space<hbm>> -> memref<128xf32, #tpu.memory_space<hbm>>
        %dma_wait3A_324 = tpu.memref_slice %arg3[%add3A_115] : memref<294912xf32, #tpu.memory_space<hbm>> -> memref<128xf32, #tpu.memory_space<hbm>>
        tpu.wait_dma2 semaphore(%run_scoped3A : memref<!tpu.dma_semaphore, #tpu.memory_space<semaphore_mem>>) src(%dma_wait3A_324 : memref<128xf32, #tpu.memory_space<hbm>>) dst(%arg8 : memref<128xf32, #tpu.memory_space<vmem>>)
        tpu.yield
      }) : () -> ()
      "tpu.region"() ({
        %run_scoped3A = tpu.sem_alloc : memref<!tpu.dma_semaphore, #tpu.memory_space<semaphore_mem>>
        %dma_start3A_321 = tpu.memref_slice %arg5[%add3A_127] : memref<147456xf32, #tpu.memory_space<hbm>> -> memref<128xf32, #tpu.memory_space<hbm>>
        %dma_start3A_322 = tpu.memref_slice %arg5[%add3A_127] : memref<147456xf32, #tpu.memory_space<hbm>> -> memref<128xf32, #tpu.memory_space<hbm>>
        tpu.enqueue_dma source(%dma_start3A_322 : memref<128xf32, #tpu.memory_space<hbm>>) target(%arg9 : memref<128xf32, #tpu.memory_space<vmem>>) target_semaphore(%run_scoped3A : memref<!tpu.dma_semaphore, #tpu.memory_space<semaphore_mem>>)
        %dma_wait3A_323 = tpu.memref_slice %arg5[%add3A_127] : memref<147456xf32, #tpu.memory_space<hbm>> -> memref<128xf32, #tpu.memory_space<hbm>>
        %dma_wait3A_324 = tpu.memref_slice %arg5[%add3A_127] : memref<147456xf32, #tpu.memory_space<hbm>> -> memref<128xf32, #tpu.memory_space<hbm>>
        tpu.wait_dma2 semaphore(%run_scoped3A : memref<!tpu.dma_semaphore, #tpu.memory_space<semaphore_mem>>) src(%dma_wait3A_324 : memref<128xf32, #tpu.memory_space<hbm>>) dst(%arg9 : memref<128xf32, #tpu.memory_space<vmem>>)
        tpu.yield
      }) : () -> ()
      %scan3A_128 = arith.constant 0 : i32
      %scan3A_129 = arith.constant 0 : i32
      %scan3A_130 = arith.constant 8 : i32
      %scan3A_131 = arith.addi %scan3A_129, %scan3A_130 : i32
      %scan3A_132 = arith.constant 1 : i32
      %scan3A_133 = scf.for %scan3A_321 = %scan3A_129 to %scan3A_131 step %scan3A_132 iter_args(%scan3A_322 = %scan3A_128) -> (i32)  : i32 {
        %mul3A_323 = arith.constant 16 : i32
        %mul3A_324 = arith.muli %scan3A_321, %mul3A_323 : i32
        %add3A_325 = arith.addi %mul3A_124, %mul3A_324 : i32
        %iota3A = tpu.iota {dimensions = array<i32: 0>} : vector<16xi32>
        %add3A_326 = vector.broadcast %add3A_325 : i32 to vector<16xi32>
        %add3A_327 = arith.addi %add3A_326, %iota3A : vector<16xi32>
        %convert_element_type3A_328 = arith.sitofp %add3A_327 : vector<16xi32> to vector<16xf32>
        %broadcast_in_dim3A = vector.broadcast %add3A_122 : i32 to vector<16xi32>
        %convert_element_type3A_329 = arith.sitofp %broadcast_in_dim3A : vector<16xi32> to vector<16xf32>
        %get3A = arith.index_cast %mul3A_324 : i32 to index
        %get3A_330 = tpu.vector_load %arg7[%get3A] {strides = array<i32>} : memref<128xf32, #tpu.memory_space<vmem>>, vector<16xf32>,
        %get3A_331 = arith.index_cast %mul3A_324 : i32 to index
        %get3A_332 = tpu.vector_load %arg8[%get3A_331] {strides = array<i32>} : memref<128xf32, #tpu.memory_space<vmem>>, vector<16xf32>,
        %add3A_333 = arith.addf %convert_element_type3A_328, %get3A_330 : vector<16xf32>
        %add3A_334 = arith.addf %convert_element_type3A_329, %get3A_332 : vector<16xf32>
        %mul3A_335 = arith.constant 2.000000e+00 : f32
        %mul3A_336 = vector.broadcast %mul3A_335 : f32 to vector<16xf32>
        %mul3A_337 = arith.mulf %mul3A_336, %add3A_333 : vector<16xf32>
        %div3A_338 = arith.constant 3.830000e+02 : f32
        %div3A_339 = vector.broadcast %div3A_338 : f32 to vector<16xf32>
        %div3A_340 = arith.divf %mul3A_337, %div3A_339 : vector<16xf32>
        %sub3A_341 = arith.constant 1.000000e+00 : f32
        %sub3A_342 = vector.broadcast %sub3A_341 : f32 to vector<16xf32>
        %sub3A_343 = arith.subf %div3A_340, %sub3A_342 : vector<16xf32>
        %mul3A_344 = arith.constant 2.000000e+00 : f32
        %mul3A_345 = vector.broadcast %mul3A_344 : f32 to vector<16xf32>
        %mul3A_346 = arith.mulf %mul3A_345, %add3A_334 : vector<16xf32>
        %div3A_347 = arith.constant 3.830000e+02 : f32
        %div3A_348 = vector.broadcast %div3A_347 : f32 to vector<16xf32>
        %div3A_349 = arith.divf %mul3A_346, %div3A_348 : vector<16xf32>
        %sub3A_350 = arith.constant 1.000000e+00 : f32
        %sub3A_351 = vector.broadcast %sub3A_350 : f32 to vector<16xf32>
        %sub3A_352 = arith.subf %div3A_349, %sub3A_351 : vector<16xf32>
        %add3A_353 = arith.constant 1.000000e+00 : f32
        %add3A_354 = vector.broadcast %add3A_353 : f32 to vector<16xf32>
        %add3A_355 = arith.addf %sub3A_343, %add3A_354 : vector<16xf32>
        %mul3A_356 = arith.constant 5.000000e-01 : f32
        %mul3A_357 = vector.broadcast %mul3A_356 : f32 to vector<16xf32>
        %mul3A_358 = arith.mulf %mul3A_357, %add3A_355 : vector<16xf32>
        %mul3A_359 = arith.constant 3.840000e+02 : f32
        %mul3A_360 = vector.broadcast %mul3A_359 : f32 to vector<16xf32>
        %mul3A_361 = arith.mulf %mul3A_358, %mul3A_360 : vector<16xf32>
        %add3A_362 = arith.constant 1.000000e+00 : f32
        %add3A_363 = vector.broadcast %add3A_362 : f32 to vector<16xf32>
        %add3A_364 = arith.addf %sub3A_352, %add3A_363 : vector<16xf32>
        %mul3A_365 = arith.constant 5.000000e-01 : f32
        %mul3A_366 = vector.broadcast %mul3A_365 : f32 to vector<16xf32>
        %mul3A_367 = arith.mulf %mul3A_366, %add3A_364 : vector<16xf32>
        %mul3A_368 = arith.constant 3.840000e+02 : f32
        %mul3A_369 = vector.broadcast %mul3A_368 : f32 to vector<16xf32>
        %mul3A_370 = arith.mulf %mul3A_367, %mul3A_369 : vector<16xf32>
        %convert_element_type3A_371 = arith.fptosi %mul3A_361 : vector<16xf32> to vector<16xi32>
        %convert_element_type3A_372 = arith.fptosi %mul3A_370 : vector<16xf32> to vector<16xi32>
        %convert_element_type3A_373 = arith.sitofp %convert_element_type3A_371 : vector<16xi32> to vector<16xf32>
        %gt3A_374 = arith.cmpf ogt, %convert_element_type3A_373, %mul3A_361 : vector<16xf32>
        %sub3A_375 = arith.constant 1 : i32
        %sub3A_376 = vector.broadcast %sub3A_375 : i32 to vector<16xi32>
        %sub3A_377 = arith.subi %convert_element_type3A_371, %sub3A_376 : vector<16xi32>
        %select_n3A_378 = arith.select %gt3A_374, %sub3A_377, %convert_element_type3A_371 : vector<16xi1>, vector<16xi32>
        %convert_element_type3A_379 = arith.sitofp %convert_element_type3A_372 : vector<16xi32> to vector<16xf32>
        %gt3A_380 = arith.cmpf ogt, %convert_element_type3A_379, %mul3A_370 : vector<16xf32>
        %sub3A_381 = arith.constant 1 : i32
        %sub3A_382 = vector.broadcast %sub3A_381 : i32 to vector<16xi32>
        %sub3A_383 = arith.subi %convert_element_type3A_372, %sub3A_382 : vector<16xi32>
        %select_n3A_384 = arith.select %gt3A_380, %sub3A_383, %convert_element_type3A_372 : vector<16xi1>, vector<16xi32>
        %max3A = arith.constant 0 : i32
        %max3A_385 = vector.broadcast %max3A : i32 to vector<16xi32>
        %max3A_386 = arith.maxsi %select_n3A_378, %max3A_385 : vector<16xi32>
        %min3A = arith.constant 383 : i32
        %min3A_387 = vector.broadcast %min3A : i32 to vector<16xi32>
        %min3A_388 = arith.minsi %max3A_386, %min3A_387 : vector<16xi32>
        %add3A_389 = arith.constant 1 : i32
        %add3A_390 = vector.broadcast %add3A_389 : i32 to vector<16xi32>
        %add3A_391 = arith.addi %select_n3A_378, %add3A_390 : vector<16xi32>
        %max3A_392 = arith.constant 0 : i32
        %max3A_393 = vector.broadcast %max3A_392 : i32 to vector<16xi32>
        %max3A_394 = arith.maxsi %add3A_391, %max3A_393 : vector<16xi32>
        %min3A_395 = arith.constant 383 : i32
        %min3A_396 = vector.broadcast %min3A_395 : i32 to vector<16xi32>
        %min3A_397 = arith.minsi %max3A_394, %min3A_396 : vector<16xi32>
        %max3A_398 = arith.constant 0 : i32
        %max3A_399 = vector.broadcast %max3A_398 : i32 to vector<16xi32>
        %max3A_400 = arith.maxsi %select_n3A_384, %max3A_399 : vector<16xi32>
        %min3A_401 = arith.constant 383 : i32
        %min3A_402 = vector.broadcast %min3A_401 : i32 to vector<16xi32>
        %min3A_403 = arith.minsi %max3A_400, %min3A_402 : vector<16xi32>
        %add3A_404 = arith.constant 1 : i32
        %add3A_405 = vector.broadcast %add3A_404 : i32 to vector<16xi32>
        %add3A_406 = arith.addi %select_n3A_384, %add3A_405 : vector<16xi32>
        %max3A_407 = arith.constant 0 : i32
        %max3A_408 = vector.broadcast %max3A_407 : i32 to vector<16xi32>
        %max3A_409 = arith.maxsi %add3A_406, %max3A_408 : vector<16xi32>
        %min3A_410 = arith.constant 383 : i32
        %min3A_411 = vector.broadcast %min3A_410 : i32 to vector<16xi32>
        %min3A_412 = arith.minsi %max3A_409, %min3A_411 : vector<16xi32>
        %mul3A_413 = arith.constant 384 : i32
        %mul3A_414 = vector.broadcast %mul3A_413 : i32 to vector<16xi32>
        %mul3A_415 = arith.muli %min3A_403, %mul3A_414 : vector<16xi32>
        %add3A_416 = vector.broadcast %mul3A_20 : i32 to vector<16xi32>
        %add3A_417 = arith.addi %add3A_416, %mul3A_415 : vector<16xi32>
        %mul3A_418 = arith.constant 384 : i32
        %mul3A_419 = vector.broadcast %mul3A_418 : i32 to vector<16xi32>
        %mul3A_420 = arith.muli %min3A_412, %mul3A_419 : vector<16xi32>
        %add3A_421 = vector.broadcast %mul3A_20 : i32 to vector<16xi32>
        %add3A_422 = arith.addi %add3A_421, %mul3A_420 : vector<16xi32>
        %add3A_423 = arith.addi %add3A_417, %min3A_388 : vector<16xi32>
        %swap3A = arith.constant 0 : i32
        %swap3A_424 = arith.index_cast %swap3A : i32 to index
        %swap3A_425 = arith.index_cast %mul3A_324 : i32 to index
        %swap3A_426 = tpu.vector_load %arg13[%swap3A_424, %swap3A_425] {strides = array<i32>} : memref<4x128xi32, #tpu.memory_space<vmem>>, vector<16xi32>,
        tpu.vector_store %arg13[%swap3A_424, %swap3A_425], %add3A_423 {strides = array<i32>} : memref<4x128xi32, #tpu.memory_space<vmem>>, vector<16xi32>,
        %add3A_427 = arith.addi %add3A_422, %min3A_388 : vector<16xi32>
        %swap3A_428 = arith.constant 1 : i32
        %swap3A_429 = arith.index_cast %swap3A_428 : i32 to index
        %swap3A_430 = arith.index_cast %mul3A_324 : i32 to index
        %swap3A_431 = tpu.vector_load %arg13[%swap3A_429, %swap3A_430] {strides = array<i32>} : memref<4x128xi32, #tpu.memory_space<vmem>>, vector<16xi32>,
        tpu.vector_store %arg13[%swap3A_429, %swap3A_430], %add3A_427 {strides = array<i32>} : memref<4x128xi32, #tpu.memory_space<vmem>>, vector<16xi32>,
        %add3A_432 = arith.addi %add3A_417, %min3A_397 : vector<16xi32>
        %swap3A_433 = arith.constant 2 : i32
        %swap3A_434 = arith.index_cast %swap3A_433 : i32 to index
        %swap3A_435 = arith.index_cast %mul3A_324 : i32 to index
        %swap3A_436 = tpu.vector_load %arg13[%swap3A_434, %swap3A_435] {strides = array<i32>} : memref<4x128xi32, #tpu.memory_space<vmem>>, vector<16xi32>,
        tpu.vector_store %arg13[%swap3A_434, %swap3A_435], %add3A_432 {strides = array<i32>} : memref<4x128xi32, #tpu.memory_space<vmem>>, vector<16xi32>,
        %add3A_437 = arith.addi %add3A_422, %min3A_397 : vector<16xi32>
        %swap3A_438 = arith.constant 3 : i32
        %swap3A_439 = arith.index_cast %swap3A_438 : i32 to index
        %swap3A_440 = arith.index_cast %mul3A_324 : i32 to index
        %swap3A_441 = tpu.vector_load %arg13[%swap3A_439, %swap3A_440] {strides = array<i32>} : memref<4x128xi32, #tpu.memory_space<vmem>>, vector<16xi32>,
        tpu.vector_store %arg13[%swap3A_439, %swap3A_440], %add3A_437 {strides = array<i32>} : memref<4x128xi32, #tpu.memory_space<vmem>>, vector<16xi32>,
        %convert_element_type3A_442 = arith.sitofp %min3A_388 : vector<16xi32> to vector<16xf32>
        %convert_element_type3A_443 = arith.sitofp %min3A_397 : vector<16xi32> to vector<16xf32>
        %convert_element_type3A_444 = arith.sitofp %min3A_403 : vector<16xi32> to vector<16xf32>
        %convert_element_type3A_445 = arith.sitofp %min3A_412 : vector<16xi32> to vector<16xf32>
        %get3A_446 = arith.index_cast %mul3A_324 : i32 to index
        %get3A_447 = tpu.vector_load %arg9[%get3A_446] {strides = array<i32>} : memref<128xf32, #tpu.memory_space<vmem>>, vector<16xf32>,
        %sub3A_448 = arith.subf %convert_element_type3A_443, %mul3A_361 : vector<16xf32>
        %sub3A_449 = arith.subf %convert_element_type3A_445, %mul3A_370 : vector<16xf32>
        %mul3A_450 = arith.mulf %sub3A_448, %sub3A_449 : vector<16xf32>
        %mul3A_451 = arith.mulf %mul3A_450, %get3A_447 : vector<16xf32>
        %swap3A_452 = arith.constant 0 : i32
        %swap3A_453 = arith.index_cast %swap3A_452 : i32 to index
        %swap3A_454 = arith.index_cast %mul3A_324 : i32 to index
        %swap3A_455 = tpu.vector_load %arg14[%swap3A_453, %swap3A_454] {strides = array<i32>} : memref<4x128xf32, #tpu.memory_space<vmem>>, vector<16xf32>,
        tpu.vector_store %arg14[%swap3A_453, %swap3A_454], %mul3A_451 {strides = array<i32>} : memref<4x128xf32, #tpu.memory_space<vmem>>, vector<16xf32>,
        %sub3A_456 = arith.subf %convert_element_type3A_443, %mul3A_361 : vector<16xf32>
        %sub3A_457 = arith.subf %mul3A_370, %convert_element_type3A_444 : vector<16xf32>
        %mul3A_458 = arith.mulf %sub3A_456, %sub3A_457 : vector<16xf32>
        %mul3A_459 = arith.mulf %mul3A_458, %get3A_447 : vector<16xf32>
        %swap3A_460 = arith.constant 1 : i32
        %swap3A_461 = arith.index_cast %swap3A_460 : i32 to index
        %swap3A_462 = arith.index_cast %mul3A_324 : i32 to index
        %swap3A_463 = tpu.vector_load %arg14[%swap3A_461, %swap3A_462] {strides = array<i32>} : memref<4x128xf32, #tpu.memory_space<vmem>>, vector<16xf32>,
        tpu.vector_store %arg14[%swap3A_461, %swap3A_462], %mul3A_459 {strides = array<i32>} : memref<4x128xf32, #tpu.memory_space<vmem>>, vector<16xf32>,
        %sub3A_464 = arith.subf %mul3A_361, %convert_element_type3A_442 : vector<16xf32>
        %sub3A_465 = arith.subf %convert_element_type3A_445, %mul3A_370 : vector<16xf32>
        %mul3A_466 = arith.mulf %sub3A_464, %sub3A_465 : vector<16xf32>
        %mul3A_467 = arith.mulf %mul3A_466, %get3A_447 : vector<16xf32>
        %swap3A_468 = arith.constant 2 : i32
        %swap3A_469 = arith.index_cast %swap3A_468 : i32 to index
        %swap3A_470 = arith.index_cast %mul3A_324 : i32 to index
        %swap3A_471 = tpu.vector_load %arg14[%swap3A_469, %swap3A_470] {strides = array<i32>} : memref<4x128xf32, #tpu.memory_space<vmem>>, vector<16xf32>,
        tpu.vector_store %arg14[%swap3A_469, %swap3A_470], %mul3A_467 {strides = array<i32>} : memref<4x128xf32, #tpu.memory_space<vmem>>, vector<16xf32>,
        %sub3A_472 = arith.subf %mul3A_361, %convert_element_type3A_442 : vector<16xf32>
        %sub3A_473 = arith.subf %mul3A_370, %convert_element_type3A_444 : vector<16xf32>
        %mul3A_474 = arith.mulf %sub3A_472, %sub3A_473 : vector<16xf32>
        %mul3A_475 = arith.mulf %mul3A_474, %get3A_447 : vector<16xf32>
        %swap3A_476 = arith.constant 3 : i32
        %swap3A_477 = arith.index_cast %swap3A_476 : i32 to index
        %swap3A_478 = arith.index_cast %mul3A_324 : i32 to index
        %swap3A_479 = tpu.vector_load %arg14[%swap3A_477, %swap3A_478] {strides = array<i32>} : memref<4x128xf32, #tpu.memory_space<vmem>>, vector<16xf32>,
        tpu.vector_store %arg14[%swap3A_477, %swap3A_478], %mul3A_475 {strides = array<i32>} : memref<4x128xf32, #tpu.memory_space<vmem>>, vector<16xf32>,
        %scan3A_480 = arith.constant 0 : i32
        scf.yield %scan3A_480 : i32
      }
      %scan3A_134 = arith.constant 8 : i32
      %dma_start3A_135 = arith.constant 0 : i32
      %dma_start3A_136 = arith.constant 0 : i32
      %dma_start3A_137 = arith.constant 0 : i32
      %dma_start3A_138 = arith.constant 0 : i32
      %dma_start3A_139 = tpu.memref_slice %arg15[%dma_start3A_136, %dma_start3A_137, %dma_start3A_138] : memref<4x128x96xf32, #tpu.memory_space<vmem>> -> memref<1x128x96xf32, #tpu.memory_space<vmem>>
      %dma_start3A_140 = tpu.memref_squeeze %dma_start3A_139 : memref<1x128x96xf32, #tpu.memory_space<vmem>> -> memref<128x96xf32, #tpu.memory_space<vmem>>
      %dma_start3A_141 = arith.constant 0 : i32
      %dma_start3A_142 = tpu.memref_slice %arg13[%dma_start3A_135, %dma_start3A_141] : memref<4x128xi32, #tpu.memory_space<vmem>> -> memref<1x128xi32, #tpu.memory_space<vmem>>
      %dma_start3A_143 = tpu.memref_squeeze %dma_start3A_142 : memref<1x128xi32, #tpu.memory_space<vmem>> -> memref<128xi32, #tpu.memory_space<vmem>>
      %dma_start3A_144 = arith.constant 0 : i32
      %dma_start3A_145 = arith.constant 0 : i32
      %dma_start3A_146 = tpu.memref_slice %arg4[%dma_start3A_144, %dma_start3A_145] : memref<294912x96xf32, #tpu.memory_space<hbm>> -> memref<294912x96xf32, #tpu.memory_space<hbm>>
      tpu.enqueue_indirect_dma source(%dma_start3A_146 : memref<294912x96xf32, #tpu.memory_space<hbm>>) target(%dma_start3A_140 : memref<128x96xf32, #tpu.memory_space<vmem>>) offsets(%dma_start3A_143 : memref<128xi32, #tpu.memory_space<vmem>>) semaphore(%arg19 : memref<!tpu.dma_semaphore, #tpu.memory_space<semaphore_mem>>)
      %dma_start3A_147 = arith.constant 1 : i32
      %dma_start3A_148 = arith.constant 1 : i32
      %dma_start3A_149 = arith.constant 0 : i32
      %dma_start3A_150 = arith.constant 0 : i32
      %dma_start3A_151 = tpu.memref_slice %arg15[%dma_start3A_148, %dma_start3A_149, %dma_start3A_150] : memref<4x128x96xf32, #tpu.memory_space<vmem>> -> memref<1x128x96xf32, #tpu.memory_space<vmem>>
      %dma_start3A_152 = tpu.memref_squeeze %dma_start3A_151 : memref<1x128x96xf32, #tpu.memory_space<vmem>> -> memref<128x96xf32, #tpu.memory_space<vmem>>
      %dma_start3A_153 = arith.constant 0 : i32
      %dma_start3A_154 = tpu.memref_slice %arg13[%dma_start3A_147, %dma_start3A_153] : memref<4x128xi32, #tpu.memory_space<vmem>> -> memref<1x128xi32, #tpu.memory_space<vmem>>
      %dma_start3A_155 = tpu.memref_squeeze %dma_start3A_154 : memref<1x128xi32, #tpu.memory_space<vmem>> -> memref<128xi32, #tpu.memory_space<vmem>>
      %dma_start3A_156 = arith.constant 0 : i32
      %dma_start3A_157 = arith.constant 0 : i32
      %dma_start3A_158 = tpu.memref_slice %arg4[%dma_start3A_156, %dma_start3A_157] : memref<294912x96xf32, #tpu.memory_space<hbm>> -> memref<294912x96xf32, #tpu.memory_space<hbm>>
      tpu.enqueue_indirect_dma source(%dma_start3A_158 : memref<294912x96xf32, #tpu.memory_space<hbm>>) target(%dma_start3A_152 : memref<128x96xf32, #tpu.memory_space<vmem>>) offsets(%dma_start3A_155 : memref<128xi32, #tpu.memory_space<vmem>>) semaphore(%arg19 : memref<!tpu.dma_semaphore, #tpu.memory_space<semaphore_mem>>)
      %dma_start3A_159 = arith.constant 2 : i32
      %dma_start3A_160 = arith.constant 2 : i32
      %dma_start3A_161 = arith.constant 0 : i32
      %dma_start3A_162 = arith.constant 0 : i32
      %dma_start3A_163 = tpu.memref_slice %arg15[%dma_start3A_160, %dma_start3A_161, %dma_start3A_162] : memref<4x128x96xf32, #tpu.memory_space<vmem>> -> memref<1x128x96xf32, #tpu.memory_space<vmem>>
      %dma_start3A_164 = tpu.memref_squeeze %dma_start3A_163 : memref<1x128x96xf32, #tpu.memory_space<vmem>> -> memref<128x96xf32, #tpu.memory_space<vmem>>
      %dma_start3A_165 = arith.constant 0 : i32
      %dma_start3A_166 = tpu.memref_slice %arg13[%dma_start3A_159, %dma_start3A_165] : memref<4x128xi32, #tpu.memory_space<vmem>> -> memref<1x128xi32, #tpu.memory_space<vmem>>
      %dma_start3A_167 = tpu.memref_squeeze %dma_start3A_166 : memref<1x128xi32, #tpu.memory_space<vmem>> -> memref<128xi32, #tpu.memory_space<vmem>>
      %dma_start3A_168 = arith.constant 0 : i32
      %dma_start3A_169 = arith.constant 0 : i32
      %dma_start3A_170 = tpu.memref_slice %arg4[%dma_start3A_168, %dma_start3A_169] : memref<294912x96xf32, #tpu.memory_space<hbm>> -> memref<294912x96xf32, #tpu.memory_space<hbm>>
      tpu.enqueue_indirect_dma source(%dma_start3A_170 : memref<294912x96xf32, #tpu.memory_space<hbm>>) target(%dma_start3A_164 : memref<128x96xf32, #tpu.memory_space<vmem>>) offsets(%dma_start3A_167 : memref<128xi32, #tpu.memory_space<vmem>>) semaphore(%arg19 : memref<!tpu.dma_semaphore, #tpu.memory_space<semaphore_mem>>)
      %dma_start3A_171 = arith.constant 3 : i32
      %dma_start3A_172 = arith.constant 3 : i32
      %dma_start3A_173 = arith.constant 0 : i32
      %dma_start3A_174 = arith.constant 0 : i32
      %dma_start3A_175 = tpu.memref_slice %arg15[%dma_start3A_172, %dma_start3A_173, %dma_start3A_174] : memref<4x128x96xf32, #tpu.memory_space<vmem>> -> memref<1x128x96xf32, #tpu.memory_space<vmem>>
      %dma_start3A_176 = tpu.memref_squeeze %dma_start3A_175 : memref<1x128x96xf32, #tpu.memory_space<vmem>> -> memref<128x96xf32, #tpu.memory_space<vmem>>
      %dma_start3A_177 = arith.constant 0 : i32
      %dma_start3A_178 = tpu.memref_slice %arg13[%dma_start3A_171, %dma_start3A_177] : memref<4x128xi32, #tpu.memory_space<vmem>> -> memref<1x128xi32, #tpu.memory_space<vmem>>
      %dma_start3A_179 = tpu.memref_squeeze %dma_start3A_178 : memref<1x128xi32, #tpu.memory_space<vmem>> -> memref<128xi32, #tpu.memory_space<vmem>>
      %dma_start3A_180 = arith.constant 0 : i32
      %dma_start3A_181 = arith.constant 0 : i32
      %dma_start3A_182 = tpu.memref_slice %arg4[%dma_start3A_180, %dma_start3A_181] : memref<294912x96xf32, #tpu.memory_space<hbm>> -> memref<294912x96xf32, #tpu.memory_space<hbm>>
      tpu.enqueue_indirect_dma source(%dma_start3A_182 : memref<294912x96xf32, #tpu.memory_space<hbm>>) target(%dma_start3A_176 : memref<128x96xf32, #tpu.memory_space<vmem>>) offsets(%dma_start3A_179 : memref<128xi32, #tpu.memory_space<vmem>>) semaphore(%arg19 : memref<!tpu.dma_semaphore, #tpu.memory_space<semaphore_mem>>)
      %dma_wait3A_183 = arith.constant 0 : i32
      %dma_wait3A_184 = arith.constant 0 : i32
      %dma_wait3A_185 = arith.constant 0 : i32
      %dma_wait3A_186 = arith.constant 0 : i32
      %dma_wait3A_187 = tpu.memref_slice %arg12[%dma_wait3A_184, %dma_wait3A_185, %dma_wait3A_186] : memref<4x128x96xf32, #tpu.memory_space<vmem>> -> memref<1x128x96xf32, #tpu.memory_space<vmem>>
      %dma_wait3A_188 = tpu.memref_squeeze %dma_wait3A_187 : memref<1x128x96xf32, #tpu.memory_space<vmem>> -> memref<128x96xf32, #tpu.memory_space<vmem>>
      %dma_wait3A_189 = arith.constant 0 : i32
      %dma_wait3A_190 = tpu.memref_slice %arg10[%dma_wait3A_183, %dma_wait3A_189] : memref<4x128xi32, #tpu.memory_space<vmem>> -> memref<1x128xi32, #tpu.memory_space<vmem>>
      %dma_wait3A_191 = tpu.memref_squeeze %dma_wait3A_190 : memref<1x128xi32, #tpu.memory_space<vmem>> -> memref<128xi32, #tpu.memory_space<vmem>>
      %dma_wait3A_192 = arith.constant 0 : i32
      %dma_wait3A_193 = arith.constant 0 : i32
      %dma_wait3A_194 = tpu.memref_slice %arg4[%dma_wait3A_192, %dma_wait3A_193] : memref<294912x96xf32, #tpu.memory_space<hbm>> -> memref<294912x96xf32, #tpu.memory_space<hbm>>
      tpu.wait_indirect_dma semaphore(%arg18 : memref<!tpu.dma_semaphore, #tpu.memory_space<semaphore_mem>>) src(%dma_wait3A_194 : memref<294912x96xf32, #tpu.memory_space<hbm>>) dst(%dma_wait3A_188 : memref<128x96xf32, #tpu.memory_space<vmem>>)
      %dma_wait3A_195 = arith.constant 1 : i32
      %dma_wait3A_196 = arith.constant 1 : i32
      %dma_wait3A_197 = arith.constant 0 : i32
      %dma_wait3A_198 = arith.constant 0 : i32
      %dma_wait3A_199 = tpu.memref_slice %arg12[%dma_wait3A_196, %dma_wait3A_197, %dma_wait3A_198] : memref<4x128x96xf32, #tpu.memory_space<vmem>> -> memref<1x128x96xf32, #tpu.memory_space<vmem>>
      %dma_wait3A_200 = tpu.memref_squeeze %dma_wait3A_199 : memref<1x128x96xf32, #tpu.memory_space<vmem>> -> memref<128x96xf32, #tpu.memory_space<vmem>>
      %dma_wait3A_201 = arith.constant 0 : i32
      %dma_wait3A_202 = tpu.memref_slice %arg10[%dma_wait3A_195, %dma_wait3A_201] : memref<4x128xi32, #tpu.memory_space<vmem>> -> memref<1x128xi32, #tpu.memory_space<vmem>>
      %dma_wait3A_203 = tpu.memref_squeeze %dma_wait3A_202 : memref<1x128xi32, #tpu.memory_space<vmem>> -> memref<128xi32, #tpu.memory_space<vmem>>
      %dma_wait3A_204 = arith.constant 0 : i32
      %dma_wait3A_205 = arith.constant 0 : i32
      %dma_wait3A_206 = tpu.memref_slice %arg4[%dma_wait3A_204, %dma_wait3A_205] : memref<294912x96xf32, #tpu.memory_space<hbm>> -> memref<294912x96xf32, #tpu.memory_space<hbm>>
      tpu.wait_indirect_dma semaphore(%arg18 : memref<!tpu.dma_semaphore, #tpu.memory_space<semaphore_mem>>) src(%dma_wait3A_206 : memref<294912x96xf32, #tpu.memory_space<hbm>>) dst(%dma_wait3A_200 : memref<128x96xf32, #tpu.memory_space<vmem>>)
      %dma_wait3A_207 = arith.constant 2 : i32
      %dma_wait3A_208 = arith.constant 2 : i32
      %dma_wait3A_209 = arith.constant 0 : i32
      %dma_wait3A_210 = arith.constant 0 : i32
      %dma_wait3A_211 = tpu.memref_slice %arg12[%dma_wait3A_208, %dma_wait3A_209, %dma_wait3A_210] : memref<4x128x96xf32, #tpu.memory_space<vmem>> -> memref<1x128x96xf32, #tpu.memory_space<vmem>>
      %dma_wait3A_212 = tpu.memref_squeeze %dma_wait3A_211 : memref<1x128x96xf32, #tpu.memory_space<vmem>> -> memref<128x96xf32, #tpu.memory_space<vmem>>
      %dma_wait3A_213 = arith.constant 0 : i32
      %dma_wait3A_214 = tpu.memref_slice %arg10[%dma_wait3A_207, %dma_wait3A_213] : memref<4x128xi32, #tpu.memory_space<vmem>> -> memref<1x128xi32, #tpu.memory_space<vmem>>
      %dma_wait3A_215 = tpu.memref_squeeze %dma_wait3A_214 : memref<1x128xi32, #tpu.memory_space<vmem>> -> memref<128xi32, #tpu.memory_space<vmem>>
      %dma_wait3A_216 = arith.constant 0 : i32
      %dma_wait3A_217 = arith.constant 0 : i32
      %dma_wait3A_218 = tpu.memref_slice %arg4[%dma_wait3A_216, %dma_wait3A_217] : memref<294912x96xf32, #tpu.memory_space<hbm>> -> memref<294912x96xf32, #tpu.memory_space<hbm>>
      tpu.wait_indirect_dma semaphore(%arg18 : memref<!tpu.dma_semaphore, #tpu.memory_space<semaphore_mem>>) src(%dma_wait3A_218 : memref<294912x96xf32, #tpu.memory_space<hbm>>) dst(%dma_wait3A_212 : memref<128x96xf32, #tpu.memory_space<vmem>>)
      %dma_wait3A_219 = arith.constant 3 : i32
      %dma_wait3A_220 = arith.constant 3 : i32
      %dma_wait3A_221 = arith.constant 0 : i32
      %dma_wait3A_222 = arith.constant 0 : i32
      %dma_wait3A_223 = tpu.memref_slice %arg12[%dma_wait3A_220, %dma_wait3A_221, %dma_wait3A_222] : memref<4x128x96xf32, #tpu.memory_space<vmem>> -> memref<1x128x96xf32, #tpu.memory_space<vmem>>
      %dma_wait3A_224 = tpu.memref_squeeze %dma_wait3A_223 : memref<1x128x96xf32, #tpu.memory_space<vmem>> -> memref<128x96xf32, #tpu.memory_space<vmem>>
      %dma_wait3A_225 = arith.constant 0 : i32
      %dma_wait3A_226 = tpu.memref_slice %arg10[%dma_wait3A_219, %dma_wait3A_225] : memref<4x128xi32, #tpu.memory_space<vmem>> -> memref<1x128xi32, #tpu.memory_space<vmem>>
      %dma_wait3A_227 = tpu.memref_squeeze %dma_wait3A_226 : memref<1x128xi32, #tpu.memory_space<vmem>> -> memref<128xi32, #tpu.memory_space<vmem>>
      %dma_wait3A_228 = arith.constant 0 : i32
      %dma_wait3A_229 = arith.constant 0 : i32
      %dma_wait3A_230 = tpu.memref_slice %arg4[%dma_wait3A_228, %dma_wait3A_229] : memref<294912x96xf32, #tpu.memory_space<hbm>> -> memref<294912x96xf32, #tpu.memory_space<hbm>>
      tpu.wait_indirect_dma semaphore(%arg18 : memref<!tpu.dma_semaphore, #tpu.memory_space<semaphore_mem>>) src(%dma_wait3A_230 : memref<294912x96xf32, #tpu.memory_space<hbm>>) dst(%dma_wait3A_224 : memref<128x96xf32, #tpu.memory_space<vmem>>)
      %gt3A = arith.constant 0 : i32
      %gt3A_231 = arith.cmpi sgt, %scan3A_105, %gt3A : i32
      %convert_element_type3A = arith.extui %gt3A_231 : i1 to i32
      %cond3A = arith.constant 0 : i32
      %cond3A_232 = arith.cmpi ne, %convert_element_type3A, %cond3A : i32
      scf.if %cond3A_232 {
        %sub3A_321 = arith.constant 2 : i32
        %sub3A_322 = arith.subi %mul3A_108, %sub3A_321 : i32
        %mul3A_323 = arith.constant 128 : i32
        %mul3A_324 = arith.muli %sub3A_322, %mul3A_323 : i32
        %add3A_325 = arith.addi %mul3A_2, %mul3A_324 : i32
        %dma_wait3A_326 = arith.constant 0 : i32
        %dma_wait3A_327 = tpu.memref_slice %arg6[%add3A_325, %dma_wait3A_326] : memref<294912x96xf32, #tpu.memory_space<hbm>> -> memref<128x96xf32, #tpu.memory_space<hbm>>
        %dma_wait3A_328 = arith.constant 0 : i32
        %dma_wait3A_329 = tpu.memref_slice %arg6[%add3A_325, %dma_wait3A_328] : memref<294912x96xf32, #tpu.memory_space<hbm>> -> memref<128x96xf32, #tpu.memory_space<hbm>>
        tpu.wait_dma2 semaphore(%arg20 : memref<!tpu.dma_semaphore, #tpu.memory_space<semaphore_mem>>) src(%arg16 : memref<128x96xf32, #tpu.memory_space<vmem>>) dst(%dma_wait3A_329 : memref<128x96xf32, #tpu.memory_space<hbm>>)
      } else {
      }
      %scan3A_233 = arith.constant 0 : i32
      %scan3A_234 = arith.constant 0 : i32
      %scan3A_235 = arith.constant 128 : i32
      %scan3A_236 = arith.addi %scan3A_234, %scan3A_235 : i32
      %scan3A_237 = arith.constant 1 : i32
      %scan3A_238 = scf.for %scan3A_321 = %scan3A_234 to %scan3A_236 step %scan3A_237 iter_args(%scan3A_322 = %scan3A_233) -> (i32)  : i32 {
        %broadcast_in_dim3A = vector.broadcast %scan3A_321 : i32 to vector<16xi32>
        %gather3A = arith.constant 0 : i32
        %gather3A_323 = arith.constant 0 : i32
        %gather3A_324 = tpu.memref_slice %arg11[%gather3A, %gather3A_323] : memref<4x128xf32, #tpu.memory_space<vmem>> -> memref<1x128xf32, #tpu.memory_space<vmem>>
        %gather3A_325 = tpu.memref_squeeze %gather3A_324 : memref<1x128xf32, #tpu.memory_space<vmem>> -> memref<128xf32, #tpu.memory_space<vmem>>
        %gather3A_326 = tpu.vector_load_idx %gather3A_325[%broadcast_in_dim3A] : memref<128xf32, #tpu.memory_space<vmem>>[vector<16xi32>], vector<16xf32>,
        %gather3A_327 = arith.constant 1 : i32
        %gather3A_328 = arith.constant 0 : i32
        %gather3A_329 = tpu.memref_slice %arg11[%gather3A_327, %gather3A_328] : memref<4x128xf32, #tpu.memory_space<vmem>> -> memref<1x128xf32, #tpu.memory_space<vmem>>
        %gather3A_330 = tpu.memref_squeeze %gather3A_329 : memref<1x128xf32, #tpu.memory_space<vmem>> -> memref<128xf32, #tpu.memory_space<vmem>>
        %gather3A_331 = tpu.vector_load_idx %gather3A_330[%broadcast_in_dim3A] : memref<128xf32, #tpu.memory_space<vmem>>[vector<16xi32>], vector<16xf32>,
        %gather3A_332 = arith.constant 2 : i32
        %gather3A_333 = arith.constant 0 : i32
        %gather3A_334 = tpu.memref_slice %arg11[%gather3A_332, %gather3A_333] : memref<4x128xf32, #tpu.memory_space<vmem>> -> memref<1x128xf32, #tpu.memory_space<vmem>>
        %gather3A_335 = tpu.memref_squeeze %gather3A_334 : memref<1x128xf32, #tpu.memory_space<vmem>> -> memref<128xf32, #tpu.memory_space<vmem>>
        %gather3A_336 = tpu.vector_load_idx %gather3A_335[%broadcast_in_dim3A] : memref<128xf32, #tpu.memory_space<vmem>>[vector<16xi32>], vector<16xf32>,
        %gather3A_337 = arith.constant 3 : i32
        %gather3A_338 = arith.constant 0 : i32
        %gather3A_339 = tpu.memref_slice %arg11[%gather3A_337, %gather3A_338] : memref<4x128xf32, #tpu.memory_space<vmem>> -> memref<1x128xf32, #tpu.memory_space<vmem>>
        %gather3A_340 = tpu.memref_squeeze %gather3A_339 : memref<1x128xf32, #tpu.memory_space<vmem>> -> memref<128xf32, #tpu.memory_space<vmem>>
        %gather3A_341 = tpu.vector_load_idx %gather3A_340[%broadcast_in_dim3A] : memref<128xf32, #tpu.memory_space<vmem>>[vector<16xi32>], vector<16xf32>,
        %get3A = arith.constant 0 : i32
        %get3A_342 = arith.index_cast %get3A : i32 to index
        %get3A_343 = arith.index_cast %scan3A_321 : i32 to index
        %get3A_344 = arith.constant 0 : index
        %get3A_345 = tpu.vector_load %arg12[%get3A_342, %get3A_343, %get3A_344] {strides = array<i32>} : memref<4x128x96xf32, #tpu.memory_space<vmem>>, vector<16xf32>,
        %get3A_346 = arith.constant 1 : i32
        %get3A_347 = arith.index_cast %get3A_346 : i32 to index
        %get3A_348 = arith.index_cast %scan3A_321 : i32 to index
        %get3A_349 = arith.constant 0 : index
        %get3A_350 = tpu.vector_load %arg12[%get3A_347, %get3A_348, %get3A_349] {strides = array<i32>} : memref<4x128x96xf32, #tpu.memory_space<vmem>>, vector<16xf32>,
        %get3A_351 = arith.constant 2 : i32
        %get3A_352 = arith.index_cast %get3A_351 : i32 to index
        %get3A_353 = arith.index_cast %scan3A_321 : i32 to index
        %get3A_354 = arith.constant 0 : index
        %get3A_355 = tpu.vector_load %arg12[%get3A_352, %get3A_353, %get3A_354] {strides = array<i32>} : memref<4x128x96xf32, #tpu.memory_space<vmem>>, vector<16xf32>,
        %get3A_356 = arith.constant 3 : i32
        %get3A_357 = arith.index_cast %get3A_356 : i32 to index
        %get3A_358 = arith.index_cast %scan3A_321 : i32 to index
        %get3A_359 = arith.constant 0 : index
        %get3A_360 = tpu.vector_load %arg12[%get3A_357, %get3A_358, %get3A_359] {strides = array<i32>} : memref<4x128x96xf32, #tpu.memory_space<vmem>>, vector<16xf32>,
        %mul3A_361 = arith.mulf %gather3A_326, %get3A_345 : vector<16xf32>
        %mul3A_362 = arith.mulf %gather3A_331, %get3A_350 : vector<16xf32>
        %add3A_363 = arith.addf %mul3A_361, %mul3A_362 : vector<16xf32>
        %mul3A_364 = arith.mulf %gather3A_336, %get3A_355 : vector<16xf32>
        %mul3A_365 = arith.mulf %gather3A_341, %get3A_360 : vector<16xf32>
        %add3A_366 = arith.addf %mul3A_364, %mul3A_365 : vector<16xf32>
        %add3A_367 = arith.addf %add3A_363, %add3A_366 : vector<16xf32>
        %swap3A = arith.index_cast %scan3A_321 : i32 to index
        %swap3A_368 = arith.constant 0 : index
        %swap3A_369 = tpu.vector_load %arg16[%swap3A, %swap3A_368] {strides = array<i32>} : memref<128x96xf32, #tpu.memory_space<vmem>>, vector<16xf32>,
        tpu.vector_store %arg16[%swap3A, %swap3A_368], %add3A_367 {strides = array<i32>} : memref<128x96xf32, #tpu.memory_space<vmem>>, vector<16xf32>,
        %get3A_370 = arith.constant 0 : i32
        %get3A_371 = arith.index_cast %get3A_370 : i32 to index
        %get3A_372 = arith.index_cast %scan3A_321 : i32 to index
        %get3A_373 = arith.constant 16 : index
        %get3A_374 = tpu.vector_load %arg12[%get3A_371, %get3A_372, %get3A_373] {strides = array<i32>} : memref<4x128x96xf32, #tpu.memory_space<vmem>>, vector<16xf32>,
        %get3A_375 = arith.constant 1 : i32
        %get3A_376 = arith.index_cast %get3A_375 : i32 to index
        %get3A_377 = arith.index_cast %scan3A_321 : i32 to index
        %get3A_378 = arith.constant 16 : index
        %get3A_379 = tpu.vector_load %arg12[%get3A_376, %get3A_377, %get3A_378] {strides = array<i32>} : memref<4x128x96xf32, #tpu.memory_space<vmem>>, vector<16xf32>,
        %get3A_380 = arith.constant 2 : i32
        %get3A_381 = arith.index_cast %get3A_380 : i32 to index
        %get3A_382 = arith.index_cast %scan3A_321 : i32 to index
        %get3A_383 = arith.constant 16 : index
        %get3A_384 = tpu.vector_load %arg12[%get3A_381, %get3A_382, %get3A_383] {strides = array<i32>} : memref<4x128x96xf32, #tpu.memory_space<vmem>>, vector<16xf32>,
        %get3A_385 = arith.constant 3 : i32
        %get3A_386 = arith.index_cast %get3A_385 : i32 to index
        %get3A_387 = arith.index_cast %scan3A_321 : i32 to index
        %get3A_388 = arith.constant 16 : index
        %get3A_389 = tpu.vector_load %arg12[%get3A_386, %get3A_387, %get3A_388] {strides = array<i32>} : memref<4x128x96xf32, #tpu.memory_space<vmem>>, vector<16xf32>,
        %mul3A_390 = arith.mulf %gather3A_326, %get3A_374 : vector<16xf32>
        %mul3A_391 = arith.mulf %gather3A_331, %get3A_379 : vector<16xf32>
        %add3A_392 = arith.addf %mul3A_390, %mul3A_391 : vector<16xf32>
        %mul3A_393 = arith.mulf %gather3A_336, %get3A_384 : vector<16xf32>
        %mul3A_394 = arith.mulf %gather3A_341, %get3A_389 : vector<16xf32>
        %add3A_395 = arith.addf %mul3A_393, %mul3A_394 : vector<16xf32>
        %add3A_396 = arith.addf %add3A_392, %add3A_395 : vector<16xf32>
        %swap3A_397 = arith.index_cast %scan3A_321 : i32 to index
        %swap3A_398 = arith.constant 16 : index
        %swap3A_399 = tpu.vector_load %arg16[%swap3A_397, %swap3A_398] {strides = array<i32>} : memref<128x96xf32, #tpu.memory_space<vmem>>, vector<16xf32>,
        tpu.vector_store %arg16[%swap3A_397, %swap3A_398], %add3A_396 {strides = array<i32>} : memref<128x96xf32, #tpu.memory_space<vmem>>, vector<16xf32>,
        %get3A_400 = arith.constant 0 : i32
        %get3A_401 = arith.index_cast %get3A_400 : i32 to index
        %get3A_402 = arith.index_cast %scan3A_321 : i32 to index
        %get3A_403 = arith.constant 32 : index
        %get3A_404 = tpu.vector_load %arg12[%get3A_401, %get3A_402, %get3A_403] {strides = array<i32>} : memref<4x128x96xf32, #tpu.memory_space<vmem>>, vector<16xf32>,
        %get3A_405 = arith.constant 1 : i32
        %get3A_406 = arith.index_cast %get3A_405 : i32 to index
        %get3A_407 = arith.index_cast %scan3A_321 : i32 to index
        %get3A_408 = arith.constant 32 : index
        %get3A_409 = tpu.vector_load %arg12[%get3A_406, %get3A_407, %get3A_408] {strides = array<i32>} : memref<4x128x96xf32, #tpu.memory_space<vmem>>, vector<16xf32>,
        %get3A_410 = arith.constant 2 : i32
        %get3A_411 = arith.index_cast %get3A_410 : i32 to index
        %get3A_412 = arith.index_cast %scan3A_321 : i32 to index
        %get3A_413 = arith.constant 32 : index
        %get3A_414 = tpu.vector_load %arg12[%get3A_411, %get3A_412, %get3A_413] {strides = array<i32>} : memref<4x128x96xf32, #tpu.memory_space<vmem>>, vector<16xf32>,
        %get3A_415 = arith.constant 3 : i32
        %get3A_416 = arith.index_cast %get3A_415 : i32 to index
        %get3A_417 = arith.index_cast %scan3A_321 : i32 to index
        %get3A_418 = arith.constant 32 : index
        %get3A_419 = tpu.vector_load %arg12[%get3A_416, %get3A_417, %get3A_418] {strides = array<i32>} : memref<4x128x96xf32, #tpu.memory_space<vmem>>, vector<16xf32>,
        %mul3A_420 = arith.mulf %gather3A_326, %get3A_404 : vector<16xf32>
        %mul3A_421 = arith.mulf %gather3A_331, %get3A_409 : vector<16xf32>
        %add3A_422 = arith.addf %mul3A_420, %mul3A_421 : vector<16xf32>
        %mul3A_423 = arith.mulf %gather3A_336, %get3A_414 : vector<16xf32>
        %mul3A_424 = arith.mulf %gather3A_341, %get3A_419 : vector<16xf32>
        %add3A_425 = arith.addf %mul3A_423, %mul3A_424 : vector<16xf32>
        %add3A_426 = arith.addf %add3A_422, %add3A_425 : vector<16xf32>
        %swap3A_427 = arith.index_cast %scan3A_321 : i32 to index
        %swap3A_428 = arith.constant 32 : index
        %swap3A_429 = tpu.vector_load %arg16[%swap3A_427, %swap3A_428] {strides = array<i32>} : memref<128x96xf32, #tpu.memory_space<vmem>>, vector<16xf32>,
        tpu.vector_store %arg16[%swap3A_427, %swap3A_428], %add3A_426 {strides = array<i32>} : memref<128x96xf32, #tpu.memory_space<vmem>>, vector<16xf32>,
        %get3A_430 = arith.constant 0 : i32
        %get3A_431 = arith.index_cast %get3A_430 : i32 to index
        %get3A_432 = arith.index_cast %scan3A_321 : i32 to index
        %get3A_433 = arith.constant 48 : index
        %get3A_434 = tpu.vector_load %arg12[%get3A_431, %get3A_432, %get3A_433] {strides = array<i32>} : memref<4x128x96xf32, #tpu.memory_space<vmem>>, vector<16xf32>,
        %get3A_435 = arith.constant 1 : i32
        %get3A_436 = arith.index_cast %get3A_435 : i32 to index
        %get3A_437 = arith.index_cast %scan3A_321 : i32 to index
        %get3A_438 = arith.constant 48 : index
        %get3A_439 = tpu.vector_load %arg12[%get3A_436, %get3A_437, %get3A_438] {strides = array<i32>} : memref<4x128x96xf32, #tpu.memory_space<vmem>>, vector<16xf32>,
        %get3A_440 = arith.constant 2 : i32
        %get3A_441 = arith.index_cast %get3A_440 : i32 to index
        %get3A_442 = arith.index_cast %scan3A_321 : i32 to index
        %get3A_443 = arith.constant 48 : index
        %get3A_444 = tpu.vector_load %arg12[%get3A_441, %get3A_442, %get3A_443] {strides = array<i32>} : memref<4x128x96xf32, #tpu.memory_space<vmem>>, vector<16xf32>,
        %get3A_445 = arith.constant 3 : i32
        %get3A_446 = arith.index_cast %get3A_445 : i32 to index
        %get3A_447 = arith.index_cast %scan3A_321 : i32 to index
        %get3A_448 = arith.constant 48 : index
        %get3A_449 = tpu.vector_load %arg12[%get3A_446, %get3A_447, %get3A_448] {strides = array<i32>} : memref<4x128x96xf32, #tpu.memory_space<vmem>>, vector<16xf32>,
        %mul3A_450 = arith.mulf %gather3A_326, %get3A_434 : vector<16xf32>
        %mul3A_451 = arith.mulf %gather3A_331, %get3A_439 : vector<16xf32>
        %add3A_452 = arith.addf %mul3A_450, %mul3A_451 : vector<16xf32>
        %mul3A_453 = arith.mulf %gather3A_336, %get3A_444 : vector<16xf32>
        %mul3A_454 = arith.mulf %gather3A_341, %get3A_449 : vector<16xf32>
        %add3A_455 = arith.addf %mul3A_453, %mul3A_454 : vector<16xf32>
        %add3A_456 = arith.addf %add3A_452, %add3A_455 : vector<16xf32>
        %swap3A_457 = arith.index_cast %scan3A_321 : i32 to index
        %swap3A_458 = arith.constant 48 : index
        %swap3A_459 = tpu.vector_load %arg16[%swap3A_457, %swap3A_458] {strides = array<i32>} : memref<128x96xf32, #tpu.memory_space<vmem>>, vector<16xf32>,
        tpu.vector_store %arg16[%swap3A_457, %swap3A_458], %add3A_456 {strides = array<i32>} : memref<128x96xf32, #tpu.memory_space<vmem>>, vector<16xf32>,
        %get3A_460 = arith.constant 0 : i32
        %get3A_461 = arith.index_cast %get3A_460 : i32 to index
        %get3A_462 = arith.index_cast %scan3A_321 : i32 to index
        %get3A_463 = arith.constant 64 : index
        %get3A_464 = tpu.vector_load %arg12[%get3A_461, %get3A_462, %get3A_463] {strides = array<i32>} : memref<4x128x96xf32, #tpu.memory_space<vmem>>, vector<16xf32>,
        %get3A_465 = arith.constant 1 : i32
        %get3A_466 = arith.index_cast %get3A_465 : i32 to index
        %get3A_467 = arith.index_cast %scan3A_321 : i32 to index
        %get3A_468 = arith.constant 64 : index
        %get3A_469 = tpu.vector_load %arg12[%get3A_466, %get3A_467, %get3A_468] {strides = array<i32>} : memref<4x128x96xf32, #tpu.memory_space<vmem>>, vector<16xf32>,
        %get3A_470 = arith.constant 2 : i32
        %get3A_471 = arith.index_cast %get3A_470 : i32 to index
        %get3A_472 = arith.index_cast %scan3A_321 : i32 to index
        %get3A_473 = arith.constant 64 : index
        %get3A_474 = tpu.vector_load %arg12[%get3A_471, %get3A_472, %get3A_473] {strides = array<i32>} : memref<4x128x96xf32, #tpu.memory_space<vmem>>, vector<16xf32>,
        %get3A_475 = arith.constant 3 : i32
        %get3A_476 = arith.index_cast %get3A_475 : i32 to index
        %get3A_477 = arith.index_cast %scan3A_321 : i32 to index
        %get3A_478 = arith.constant 64 : index
        %get3A_479 = tpu.vector_load %arg12[%get3A_476, %get3A_477, %get3A_478] {strides = array<i32>} : memref<4x128x96xf32, #tpu.memory_space<vmem>>, vector<16xf32>,
        %mul3A_480 = arith.mulf %gather3A_326, %get3A_464 : vector<16xf32>
        %mul3A_481 = arith.mulf %gather3A_331, %get3A_469 : vector<16xf32>
        %add3A_482 = arith.addf %mul3A_480, %mul3A_481 : vector<16xf32>
        %mul3A_483 = arith.mulf %gather3A_336, %get3A_474 : vector<16xf32>
        %mul3A_484 = arith.mulf %gather3A_341, %get3A_479 : vector<16xf32>
        %add3A_485 = arith.addf %mul3A_483, %mul3A_484 : vector<16xf32>
        %add3A_486 = arith.addf %add3A_482, %add3A_485 : vector<16xf32>
        %swap3A_487 = arith.index_cast %scan3A_321 : i32 to index
        %swap3A_488 = arith.constant 64 : index
        %swap3A_489 = tpu.vector_load %arg16[%swap3A_487, %swap3A_488] {strides = array<i32>} : memref<128x96xf32, #tpu.memory_space<vmem>>, vector<16xf32>,
        tpu.vector_store %arg16[%swap3A_487, %swap3A_488], %add3A_486 {strides = array<i32>} : memref<128x96xf32, #tpu.memory_space<vmem>>, vector<16xf32>,
        %get3A_490 = arith.constant 0 : i32
        %get3A_491 = arith.index_cast %get3A_490 : i32 to index
        %get3A_492 = arith.index_cast %scan3A_321 : i32 to index
        %get3A_493 = arith.constant 80 : index
        %get3A_494 = tpu.vector_load %arg12[%get3A_491, %get3A_492, %get3A_493] {strides = array<i32>} : memref<4x128x96xf32, #tpu.memory_space<vmem>>, vector<16xf32>,
        %get3A_495 = arith.constant 1 : i32
        %get3A_496 = arith.index_cast %get3A_495 : i32 to index
        %get3A_497 = arith.index_cast %scan3A_321 : i32 to index
        %get3A_498 = arith.constant 80 : index
        %get3A_499 = tpu.vector_load %arg12[%get3A_496, %get3A_497, %get3A_498] {strides = array<i32>} : memref<4x128x96xf32, #tpu.memory_space<vmem>>, vector<16xf32>,
        %get3A_500 = arith.constant 2 : i32
        %get3A_501 = arith.index_cast %get3A_500 : i32 to index
        %get3A_502 = arith.index_cast %scan3A_321 : i32 to index
        %get3A_503 = arith.constant 80 : index
        %get3A_504 = tpu.vector_load %arg12[%get3A_501, %get3A_502, %get3A_503] {strides = array<i32>} : memref<4x128x96xf32, #tpu.memory_space<vmem>>, vector<16xf32>,
        %get3A_505 = arith.constant 3 : i32
        %get3A_506 = arith.index_cast %get3A_505 : i32 to index
        %get3A_507 = arith.index_cast %scan3A_321 : i32 to index
        %get3A_508 = arith.constant 80 : index
        %get3A_509 = tpu.vector_load %arg12[%get3A_506, %get3A_507, %get3A_508] {strides = array<i32>} : memref<4x128x96xf32, #tpu.memory_space<vmem>>, vector<16xf32>,
        %mul3A_510 = arith.mulf %gather3A_326, %get3A_494 : vector<16xf32>
        %mul3A_511 = arith.mulf %gather3A_331, %get3A_499 : vector<16xf32>
        %add3A_512 = arith.addf %mul3A_510, %mul3A_511 : vector<16xf32>
        %mul3A_513 = arith.mulf %gather3A_336, %get3A_504 : vector<16xf32>
        %mul3A_514 = arith.mulf %gather3A_341, %get3A_509 : vector<16xf32>
        %add3A_515 = arith.addf %mul3A_513, %mul3A_514 : vector<16xf32>
        %add3A_516 = arith.addf %add3A_512, %add3A_515 : vector<16xf32>
        %swap3A_517 = arith.index_cast %scan3A_321 : i32 to index
        %swap3A_518 = arith.constant 80 : index
        %swap3A_519 = tpu.vector_load %arg16[%swap3A_517, %swap3A_518] {strides = array<i32>} : memref<128x96xf32, #tpu.memory_space<vmem>>, vector<16xf32>,
        tpu.vector_store %arg16[%swap3A_517, %swap3A_518], %add3A_516 {strides = array<i32>} : memref<128x96xf32, #tpu.memory_space<vmem>>, vector<16xf32>,
        %scan3A_520 = arith.constant 0 : i32
        scf.yield %scan3A_520 : i32
      }
      %scan3A_239 = arith.constant 128 : i32
      %mul3A_240 = arith.constant 128 : i32
      %mul3A_241 = arith.muli %mul3A_108, %mul3A_240 : i32
      %add3A_242 = arith.addi %mul3A_2, %mul3A_241 : i32
      %dma_start3A_243 = arith.constant 0 : i32
      %dma_start3A_244 = tpu.memref_slice %arg6[%add3A_242, %dma_start3A_243] : memref<294912x96xf32, #tpu.memory_space<hbm>> -> memref<128x96xf32, #tpu.memory_space<hbm>>
      %dma_start3A_245 = arith.constant 0 : i32
      %dma_start3A_246 = tpu.memref_slice %arg6[%add3A_242, %dma_start3A_245] : memref<294912x96xf32, #tpu.memory_space<hbm>> -> memref<128x96xf32, #tpu.memory_space<hbm>>
      tpu.enqueue_dma source(%arg16 : memref<128x96xf32, #tpu.memory_space<vmem>>) target(%dma_start3A_246 : memref<128x96xf32, #tpu.memory_space<hbm>>) target_semaphore(%arg20 : memref<!tpu.dma_semaphore, #tpu.memory_space<semaphore_mem>>)
      %add3A_247 = arith.constant 2 : i32
      %add3A_248 = arith.addi %mul3A_108, %add3A_247 : i32
      %lt3A = arith.constant 72 : i32
      %lt3A_249 = arith.cmpi slt, %add3A_248, %lt3A : i32
      %convert_element_type3A_250 = arith.extui %lt3A_249 : i1 to i32
      %cond3A_251 = arith.constant 0 : i32
      %cond3A_252 = arith.cmpi ne, %convert_element_type3A_250, %cond3A_251 : i32
      scf.if %cond3A_252 {
        %add3A_321 = arith.constant 2 : i32
        %add3A_322 = arith.addi %mul3A_108, %add3A_321 : i32
        %mul3A_323 = arith.constant 128 : i32
        %mul3A_324 = arith.muli %add3A_322, %mul3A_323 : i32
        %add3A_325 = arith.addi %mul3A_2, %mul3A_324 : i32
        %mul3A_326 = arith.constant 21846 : i32
        %mul3A_327 = arith.muli %add3A_322, %mul3A_326 : i32
        %shift_right_arithmetic3A_328 = arith.constant 16 : i32
        %shift_right_arithmetic3A_329 = arith.shrsi %mul3A_327, %shift_right_arithmetic3A_328 : i32
        %mul3A_330 = arith.constant 3 : i32
        %mul3A_331 = arith.muli %shift_right_arithmetic3A_329, %mul3A_330 : i32
        %sub3A_332 = arith.subi %add3A_322, %mul3A_331 : i32
        %add3A_333 = arith.addi %sub3A_25, %shift_right_arithmetic3A_329 : i32
        %mul3A_334 = arith.constant 128 : i32
        %mul3A_335 = arith.muli %sub3A_332, %mul3A_334 : i32
        %mul3A_336 = arith.constant 384 : i32
        %mul3A_337 = arith.muli %add3A_333, %mul3A_336 : i32
        %add3A_338 = arith.addi %mul3A_337, %mul3A_335 : i32
        "tpu.region"() ({
          %run_scoped3A = tpu.sem_alloc : memref<!tpu.dma_semaphore, #tpu.memory_space<semaphore_mem>>
          %dma_start3A_394 = tpu.memref_slice %arg2[%add3A_325] : memref<294912xf32, #tpu.memory_space<hbm>> -> memref<128xf32, #tpu.memory_space<hbm>>
          %dma_start3A_395 = tpu.memref_slice %arg2[%add3A_325] : memref<294912xf32, #tpu.memory_space<hbm>> -> memref<128xf32, #tpu.memory_space<hbm>>
          tpu.enqueue_dma source(%dma_start3A_395 : memref<128xf32, #tpu.memory_space<hbm>>) target(%arg7 : memref<128xf32, #tpu.memory_space<vmem>>) target_semaphore(%run_scoped3A : memref<!tpu.dma_semaphore, #tpu.memory_space<semaphore_mem>>)
          %dma_wait3A_396 = tpu.memref_slice %arg2[%add3A_325] : memref<294912xf32, #tpu.memory_space<hbm>> -> memref<128xf32, #tpu.memory_space<hbm>>
          %dma_wait3A_397 = tpu.memref_slice %arg2[%add3A_325] : memref<294912xf32, #tpu.memory_space<hbm>> -> memref<128xf32, #tpu.memory_space<hbm>>
          tpu.wait_dma2 semaphore(%run_scoped3A : memref<!tpu.dma_semaphore, #tpu.memory_space<semaphore_mem>>) src(%dma_wait3A_397 : memref<128xf32, #tpu.memory_space<hbm>>) dst(%arg7 : memref<128xf32, #tpu.memory_space<vmem>>)
          tpu.yield
        }) : () -> ()
        "tpu.region"() ({
          %run_scoped3A = tpu.sem_alloc : memref<!tpu.dma_semaphore, #tpu.memory_space<semaphore_mem>>
          %dma_start3A_394 = tpu.memref_slice %arg3[%add3A_325] : memref<294912xf32, #tpu.memory_space<hbm>> -> memref<128xf32, #tpu.memory_space<hbm>>
          %dma_start3A_395 = tpu.memref_slice %arg3[%add3A_325] : memref<294912xf32, #tpu.memory_space<hbm>> -> memref<128xf32, #tpu.memory_space<hbm>>
          tpu.enqueue_dma source(%dma_start3A_395 : memref<128xf32, #tpu.memory_space<hbm>>) target(%arg8 : memref<128xf32, #tpu.memory_space<vmem>>) target_semaphore(%run_scoped3A : memref<!tpu.dma_semaphore, #tpu.memory_space<semaphore_mem>>)
          %dma_wait3A_396 = tpu.memref_slice %arg3[%add3A_325] : memref<294912xf32, #tpu.memory_space<hbm>> -> memref<128xf32, #tpu.memory_space<hbm>>
          %dma_wait3A_397 = tpu.memref_slice %arg3[%add3A_325] : memref<294912xf32, #tpu.memory_space<hbm>> -> memref<128xf32, #tpu.memory_space<hbm>>
          tpu.wait_dma2 semaphore(%run_scoped3A : memref<!tpu.dma_semaphore, #tpu.memory_space<semaphore_mem>>) src(%dma_wait3A_397 : memref<128xf32, #tpu.memory_space<hbm>>) dst(%arg8 : memref<128xf32, #tpu.memory_space<vmem>>)
          tpu.yield
        }) : () -> ()
        "tpu.region"() ({
          %run_scoped3A = tpu.sem_alloc : memref<!tpu.dma_semaphore, #tpu.memory_space<semaphore_mem>>
          %dma_start3A_394 = tpu.memref_slice %arg5[%add3A_338] : memref<147456xf32, #tpu.memory_space<hbm>> -> memref<128xf32, #tpu.memory_space<hbm>>
          %dma_start3A_395 = tpu.memref_slice %arg5[%add3A_338] : memref<147456xf32, #tpu.memory_space<hbm>> -> memref<128xf32, #tpu.memory_space<hbm>>
          tpu.enqueue_dma source(%dma_start3A_395 : memref<128xf32, #tpu.memory_space<hbm>>) target(%arg9 : memref<128xf32, #tpu.memory_space<vmem>>) target_semaphore(%run_scoped3A : memref<!tpu.dma_semaphore, #tpu.memory_space<semaphore_mem>>)
          %dma_wait3A_396 = tpu.memref_slice %arg5[%add3A_338] : memref<147456xf32, #tpu.memory_space<hbm>> -> memref<128xf32, #tpu.memory_space<hbm>>
          %dma_wait3A_397 = tpu.memref_slice %arg5[%add3A_338] : memref<147456xf32, #tpu.memory_space<hbm>> -> memref<128xf32, #tpu.memory_space<hbm>>
          tpu.wait_dma2 semaphore(%run_scoped3A : memref<!tpu.dma_semaphore, #tpu.memory_space<semaphore_mem>>) src(%dma_wait3A_397 : memref<128xf32, #tpu.memory_space<hbm>>) dst(%arg9 : memref<128xf32, #tpu.memory_space<vmem>>)
          tpu.yield
        }) : () -> ()
        %scan3A_339 = arith.constant 0 : i32
        %scan3A_340 = arith.constant 0 : i32
        %scan3A_341 = arith.constant 8 : i32
        %scan3A_342 = arith.addi %scan3A_340, %scan3A_341 : i32
        %scan3A_343 = arith.constant 1 : i32
        %scan3A_344 = scf.for %scan3A_394 = %scan3A_340 to %scan3A_342 step %scan3A_343 iter_args(%scan3A_395 = %scan3A_339) -> (i32)  : i32 {
          %mul3A_396 = arith.constant 16 : i32
          %mul3A_397 = arith.muli %scan3A_394, %mul3A_396 : i32
          %add3A_398 = arith.addi %mul3A_335, %mul3A_397 : i32
          %iota3A = tpu.iota {dimensions = array<i32: 0>} : vector<16xi32>
          %add3A_399 = vector.broadcast %add3A_398 : i32 to vector<16xi32>
          %add3A_400 = arith.addi %add3A_399, %iota3A : vector<16xi32>
          %convert_element_type3A_401 = arith.sitofp %add3A_400 : vector<16xi32> to vector<16xf32>
          %broadcast_in_dim3A = vector.broadcast %add3A_333 : i32 to vector<16xi32>
          %convert_element_type3A_402 = arith.sitofp %broadcast_in_dim3A : vector<16xi32> to vector<16xf32>
          %get3A = arith.index_cast %mul3A_397 : i32 to index
          %get3A_403 = tpu.vector_load %arg7[%get3A] {strides = array<i32>} : memref<128xf32, #tpu.memory_space<vmem>>, vector<16xf32>,
          %get3A_404 = arith.index_cast %mul3A_397 : i32 to index
          %get3A_405 = tpu.vector_load %arg8[%get3A_404] {strides = array<i32>} : memref<128xf32, #tpu.memory_space<vmem>>, vector<16xf32>,
          %add3A_406 = arith.addf %convert_element_type3A_401, %get3A_403 : vector<16xf32>
          %add3A_407 = arith.addf %convert_element_type3A_402, %get3A_405 : vector<16xf32>
          %mul3A_408 = arith.constant 2.000000e+00 : f32
          %mul3A_409 = vector.broadcast %mul3A_408 : f32 to vector<16xf32>
          %mul3A_410 = arith.mulf %mul3A_409, %add3A_406 : vector<16xf32>
          %div3A_411 = arith.constant 3.830000e+02 : f32
          %div3A_412 = vector.broadcast %div3A_411 : f32 to vector<16xf32>
          %div3A_413 = arith.divf %mul3A_410, %div3A_412 : vector<16xf32>
          %sub3A_414 = arith.constant 1.000000e+00 : f32
          %sub3A_415 = vector.broadcast %sub3A_414 : f32 to vector<16xf32>
          %sub3A_416 = arith.subf %div3A_413, %sub3A_415 : vector<16xf32>
          %mul3A_417 = arith.constant 2.000000e+00 : f32
          %mul3A_418 = vector.broadcast %mul3A_417 : f32 to vector<16xf32>
          %mul3A_419 = arith.mulf %mul3A_418, %add3A_407 : vector<16xf32>
          %div3A_420 = arith.constant 3.830000e+02 : f32
          %div3A_421 = vector.broadcast %div3A_420 : f32 to vector<16xf32>
          %div3A_422 = arith.divf %mul3A_419, %div3A_421 : vector<16xf32>
          %sub3A_423 = arith.constant 1.000000e+00 : f32
          %sub3A_424 = vector.broadcast %sub3A_423 : f32 to vector<16xf32>
          %sub3A_425 = arith.subf %div3A_422, %sub3A_424 : vector<16xf32>
          %add3A_426 = arith.constant 1.000000e+00 : f32
          %add3A_427 = vector.broadcast %add3A_426 : f32 to vector<16xf32>
          %add3A_428 = arith.addf %sub3A_416, %add3A_427 : vector<16xf32>
          %mul3A_429 = arith.constant 5.000000e-01 : f32
          %mul3A_430 = vector.broadcast %mul3A_429 : f32 to vector<16xf32>
          %mul3A_431 = arith.mulf %mul3A_430, %add3A_428 : vector<16xf32>
          %mul3A_432 = arith.constant 3.840000e+02 : f32
          %mul3A_433 = vector.broadcast %mul3A_432 : f32 to vector<16xf32>
          %mul3A_434 = arith.mulf %mul3A_431, %mul3A_433 : vector<16xf32>
          %add3A_435 = arith.constant 1.000000e+00 : f32
          %add3A_436 = vector.broadcast %add3A_435 : f32 to vector<16xf32>
          %add3A_437 = arith.addf %sub3A_425, %add3A_436 : vector<16xf32>
          %mul3A_438 = arith.constant 5.000000e-01 : f32
          %mul3A_439 = vector.broadcast %mul3A_438 : f32 to vector<16xf32>
          %mul3A_440 = arith.mulf %mul3A_439, %add3A_437 : vector<16xf32>
          %mul3A_441 = arith.constant 3.840000e+02 : f32
          %mul3A_442 = vector.broadcast %mul3A_441 : f32 to vector<16xf32>
          %mul3A_443 = arith.mulf %mul3A_440, %mul3A_442 : vector<16xf32>
          %convert_element_type3A_444 = arith.fptosi %mul3A_434 : vector<16xf32> to vector<16xi32>
          %convert_element_type3A_445 = arith.fptosi %mul3A_443 : vector<16xf32> to vector<16xi32>
          %convert_element_type3A_446 = arith.sitofp %convert_element_type3A_444 : vector<16xi32> to vector<16xf32>
          %gt3A_447 = arith.cmpf ogt, %convert_element_type3A_446, %mul3A_434 : vector<16xf32>
          %sub3A_448 = arith.constant 1 : i32
          %sub3A_449 = vector.broadcast %sub3A_448 : i32 to vector<16xi32>
          %sub3A_450 = arith.subi %convert_element_type3A_444, %sub3A_449 : vector<16xi32>
          %select_n3A_451 = arith.select %gt3A_447, %sub3A_450, %convert_element_type3A_444 : vector<16xi1>, vector<16xi32>
          %convert_element_type3A_452 = arith.sitofp %convert_element_type3A_445 : vector<16xi32> to vector<16xf32>
          %gt3A_453 = arith.cmpf ogt, %convert_element_type3A_452, %mul3A_443 : vector<16xf32>
          %sub3A_454 = arith.constant 1 : i32
          %sub3A_455 = vector.broadcast %sub3A_454 : i32 to vector<16xi32>
          %sub3A_456 = arith.subi %convert_element_type3A_445, %sub3A_455 : vector<16xi32>
          %select_n3A_457 = arith.select %gt3A_453, %sub3A_456, %convert_element_type3A_445 : vector<16xi1>, vector<16xi32>
          %max3A = arith.constant 0 : i32
          %max3A_458 = vector.broadcast %max3A : i32 to vector<16xi32>
          %max3A_459 = arith.maxsi %select_n3A_451, %max3A_458 : vector<16xi32>
          %min3A = arith.constant 383 : i32
          %min3A_460 = vector.broadcast %min3A : i32 to vector<16xi32>
          %min3A_461 = arith.minsi %max3A_459, %min3A_460 : vector<16xi32>
          %add3A_462 = arith.constant 1 : i32
          %add3A_463 = vector.broadcast %add3A_462 : i32 to vector<16xi32>
          %add3A_464 = arith.addi %select_n3A_451, %add3A_463 : vector<16xi32>
          %max3A_465 = arith.constant 0 : i32
          %max3A_466 = vector.broadcast %max3A_465 : i32 to vector<16xi32>
          %max3A_467 = arith.maxsi %add3A_464, %max3A_466 : vector<16xi32>
          %min3A_468 = arith.constant 383 : i32
          %min3A_469 = vector.broadcast %min3A_468 : i32 to vector<16xi32>
          %min3A_470 = arith.minsi %max3A_467, %min3A_469 : vector<16xi32>
          %max3A_471 = arith.constant 0 : i32
          %max3A_472 = vector.broadcast %max3A_471 : i32 to vector<16xi32>
          %max3A_473 = arith.maxsi %select_n3A_457, %max3A_472 : vector<16xi32>
          %min3A_474 = arith.constant 383 : i32
          %min3A_475 = vector.broadcast %min3A_474 : i32 to vector<16xi32>
          %min3A_476 = arith.minsi %max3A_473, %min3A_475 : vector<16xi32>
          %add3A_477 = arith.constant 1 : i32
          %add3A_478 = vector.broadcast %add3A_477 : i32 to vector<16xi32>
          %add3A_479 = arith.addi %select_n3A_457, %add3A_478 : vector<16xi32>
          %max3A_480 = arith.constant 0 : i32
          %max3A_481 = vector.broadcast %max3A_480 : i32 to vector<16xi32>
          %max3A_482 = arith.maxsi %add3A_479, %max3A_481 : vector<16xi32>
          %min3A_483 = arith.constant 383 : i32
          %min3A_484 = vector.broadcast %min3A_483 : i32 to vector<16xi32>
          %min3A_485 = arith.minsi %max3A_482, %min3A_484 : vector<16xi32>
          %mul3A_486 = arith.constant 384 : i32
          %mul3A_487 = vector.broadcast %mul3A_486 : i32 to vector<16xi32>
          %mul3A_488 = arith.muli %min3A_476, %mul3A_487 : vector<16xi32>
          %add3A_489 = vector.broadcast %mul3A_20 : i32 to vector<16xi32>
          %add3A_490 = arith.addi %add3A_489, %mul3A_488 : vector<16xi32>
          %mul3A_491 = arith.constant 384 : i32
          %mul3A_492 = vector.broadcast %mul3A_491 : i32 to vector<16xi32>
          %mul3A_493 = arith.muli %min3A_485, %mul3A_492 : vector<16xi32>
          %add3A_494 = vector.broadcast %mul3A_20 : i32 to vector<16xi32>
          %add3A_495 = arith.addi %add3A_494, %mul3A_493 : vector<16xi32>
          %add3A_496 = arith.addi %add3A_490, %min3A_461 : vector<16xi32>
          %swap3A = arith.constant 0 : i32
          %swap3A_497 = arith.index_cast %swap3A : i32 to index
          %swap3A_498 = arith.index_cast %mul3A_397 : i32 to index
          %swap3A_499 = tpu.vector_load %arg10[%swap3A_497, %swap3A_498] {strides = array<i32>} : memref<4x128xi32, #tpu.memory_space<vmem>>, vector<16xi32>,
          tpu.vector_store %arg10[%swap3A_497, %swap3A_498], %add3A_496 {strides = array<i32>} : memref<4x128xi32, #tpu.memory_space<vmem>>, vector<16xi32>,
          %add3A_500 = arith.addi %add3A_495, %min3A_461 : vector<16xi32>
          %swap3A_501 = arith.constant 1 : i32
          %swap3A_502 = arith.index_cast %swap3A_501 : i32 to index
          %swap3A_503 = arith.index_cast %mul3A_397 : i32 to index
          %swap3A_504 = tpu.vector_load %arg10[%swap3A_502, %swap3A_503] {strides = array<i32>} : memref<4x128xi32, #tpu.memory_space<vmem>>, vector<16xi32>,
          tpu.vector_store %arg10[%swap3A_502, %swap3A_503], %add3A_500 {strides = array<i32>} : memref<4x128xi32, #tpu.memory_space<vmem>>, vector<16xi32>,
          %add3A_505 = arith.addi %add3A_490, %min3A_470 : vector<16xi32>
          %swap3A_506 = arith.constant 2 : i32
          %swap3A_507 = arith.index_cast %swap3A_506 : i32 to index
          %swap3A_508 = arith.index_cast %mul3A_397 : i32 to index
          %swap3A_509 = tpu.vector_load %arg10[%swap3A_507, %swap3A_508] {strides = array<i32>} : memref<4x128xi32, #tpu.memory_space<vmem>>, vector<16xi32>,
          tpu.vector_store %arg10[%swap3A_507, %swap3A_508], %add3A_505 {strides = array<i32>} : memref<4x128xi32, #tpu.memory_space<vmem>>, vector<16xi32>,
          %add3A_510 = arith.addi %add3A_495, %min3A_470 : vector<16xi32>
          %swap3A_511 = arith.constant 3 : i32
          %swap3A_512 = arith.index_cast %swap3A_511 : i32 to index
          %swap3A_513 = arith.index_cast %mul3A_397 : i32 to index
          %swap3A_514 = tpu.vector_load %arg10[%swap3A_512, %swap3A_513] {strides = array<i32>} : memref<4x128xi32, #tpu.memory_space<vmem>>, vector<16xi32>,
          tpu.vector_store %arg10[%swap3A_512, %swap3A_513], %add3A_510 {strides = array<i32>} : memref<4x128xi32, #tpu.memory_space<vmem>>, vector<16xi32>,
          %convert_element_type3A_515 = arith.sitofp %min3A_461 : vector<16xi32> to vector<16xf32>
          %convert_element_type3A_516 = arith.sitofp %min3A_470 : vector<16xi32> to vector<16xf32>
          %convert_element_type3A_517 = arith.sitofp %min3A_476 : vector<16xi32> to vector<16xf32>
          %convert_element_type3A_518 = arith.sitofp %min3A_485 : vector<16xi32> to vector<16xf32>
          %get3A_519 = arith.index_cast %mul3A_397 : i32 to index
          %get3A_520 = tpu.vector_load %arg9[%get3A_519] {strides = array<i32>} : memref<128xf32, #tpu.memory_space<vmem>>, vector<16xf32>,
          %sub3A_521 = arith.subf %convert_element_type3A_516, %mul3A_434 : vector<16xf32>
          %sub3A_522 = arith.subf %convert_element_type3A_518, %mul3A_443 : vector<16xf32>
          %mul3A_523 = arith.mulf %sub3A_521, %sub3A_522 : vector<16xf32>
          %mul3A_524 = arith.mulf %mul3A_523, %get3A_520 : vector<16xf32>
          %swap3A_525 = arith.constant 0 : i32
          %swap3A_526 = arith.index_cast %swap3A_525 : i32 to index
          %swap3A_527 = arith.index_cast %mul3A_397 : i32 to index
          %swap3A_528 = tpu.vector_load %arg11[%swap3A_526, %swap3A_527] {strides = array<i32>} : memref<4x128xf32, #tpu.memory_space<vmem>>, vector<16xf32>,
          tpu.vector_store %arg11[%swap3A_526, %swap3A_527], %mul3A_524 {strides = array<i32>} : memref<4x128xf32, #tpu.memory_space<vmem>>, vector<16xf32>,
          %sub3A_529 = arith.subf %convert_element_type3A_516, %mul3A_434 : vector<16xf32>
          %sub3A_530 = arith.subf %mul3A_443, %convert_element_type3A_517 : vector<16xf32>
          %mul3A_531 = arith.mulf %sub3A_529, %sub3A_530 : vector<16xf32>
          %mul3A_532 = arith.mulf %mul3A_531, %get3A_520 : vector<16xf32>
          %swap3A_533 = arith.constant 1 : i32
          %swap3A_534 = arith.index_cast %swap3A_533 : i32 to index
          %swap3A_535 = arith.index_cast %mul3A_397 : i32 to index
          %swap3A_536 = tpu.vector_load %arg11[%swap3A_534, %swap3A_535] {strides = array<i32>} : memref<4x128xf32, #tpu.memory_space<vmem>>, vector<16xf32>,
          tpu.vector_store %arg11[%swap3A_534, %swap3A_535], %mul3A_532 {strides = array<i32>} : memref<4x128xf32, #tpu.memory_space<vmem>>, vector<16xf32>,
          %sub3A_537 = arith.subf %mul3A_434, %convert_element_type3A_515 : vector<16xf32>
          %sub3A_538 = arith.subf %convert_element_type3A_518, %mul3A_443 : vector<16xf32>
          %mul3A_539 = arith.mulf %sub3A_537, %sub3A_538 : vector<16xf32>
          %mul3A_540 = arith.mulf %mul3A_539, %get3A_520 : vector<16xf32>
          %swap3A_541 = arith.constant 2 : i32
          %swap3A_542 = arith.index_cast %swap3A_541 : i32 to index
          %swap3A_543 = arith.index_cast %mul3A_397 : i32 to index
          %swap3A_544 = tpu.vector_load %arg11[%swap3A_542, %swap3A_543] {strides = array<i32>} : memref<4x128xf32, #tpu.memory_space<vmem>>, vector<16xf32>,
          tpu.vector_store %arg11[%swap3A_542, %swap3A_543], %mul3A_540 {strides = array<i32>} : memref<4x128xf32, #tpu.memory_space<vmem>>, vector<16xf32>,
          %sub3A_545 = arith.subf %mul3A_434, %convert_element_type3A_515 : vector<16xf32>
          %sub3A_546 = arith.subf %mul3A_443, %convert_element_type3A_517 : vector<16xf32>
          %mul3A_547 = arith.mulf %sub3A_545, %sub3A_546 : vector<16xf32>
          %mul3A_548 = arith.mulf %mul3A_547, %get3A_520 : vector<16xf32>
          %swap3A_549 = arith.constant 3 : i32
          %swap3A_550 = arith.index_cast %swap3A_549 : i32 to index
          %swap3A_551 = arith.index_cast %mul3A_397 : i32 to index
          %swap3A_552 = tpu.vector_load %arg11[%swap3A_550, %swap3A_551] {strides = array<i32>} : memref<4x128xf32, #tpu.memory_space<vmem>>, vector<16xf32>,
          tpu.vector_store %arg11[%swap3A_550, %swap3A_551], %mul3A_548 {strides = array<i32>} : memref<4x128xf32, #tpu.memory_space<vmem>>, vector<16xf32>,
          %scan3A_553 = arith.constant 0 : i32
          scf.yield %scan3A_553 : i32
        }
        %scan3A_345 = arith.constant 8 : i32
        %dma_start3A_346 = arith.constant 0 : i32
        %dma_start3A_347 = arith.constant 0 : i32
        %dma_start3A_348 = arith.constant 0 : i32
        %dma_start3A_349 = arith.constant 0 : i32
        %dma_start3A_350 = tpu.memref_slice %arg12[%dma_start3A_347, %dma_start3A_348, %dma_start3A_349] : memref<4x128x96xf32, #tpu.memory_space<vmem>> -> memref<1x128x96xf32, #tpu.memory_space<vmem>>
        %dma_start3A_351 = tpu.memref_squeeze %dma_start3A_350 : memref<1x128x96xf32, #tpu.memory_space<vmem>> -> memref<128x96xf32, #tpu.memory_space<vmem>>
        %dma_start3A_352 = arith.constant 0 : i32
        %dma_start3A_353 = tpu.memref_slice %arg10[%dma_start3A_346, %dma_start3A_352] : memref<4x128xi32, #tpu.memory_space<vmem>> -> memref<1x128xi32, #tpu.memory_space<vmem>>
        %dma_start3A_354 = tpu.memref_squeeze %dma_start3A_353 : memref<1x128xi32, #tpu.memory_space<vmem>> -> memref<128xi32, #tpu.memory_space<vmem>>
        %dma_start3A_355 = arith.constant 0 : i32
        %dma_start3A_356 = arith.constant 0 : i32
        %dma_start3A_357 = tpu.memref_slice %arg4[%dma_start3A_355, %dma_start3A_356] : memref<294912x96xf32, #tpu.memory_space<hbm>> -> memref<294912x96xf32, #tpu.memory_space<hbm>>
        tpu.enqueue_indirect_dma source(%dma_start3A_357 : memref<294912x96xf32, #tpu.memory_space<hbm>>) target(%dma_start3A_351 : memref<128x96xf32, #tpu.memory_space<vmem>>) offsets(%dma_start3A_354 : memref<128xi32, #tpu.memory_space<vmem>>) semaphore(%arg18 : memref<!tpu.dma_semaphore, #tpu.memory_space<semaphore_mem>>)
        %dma_start3A_358 = arith.constant 1 : i32
        %dma_start3A_359 = arith.constant 1 : i32
        %dma_start3A_360 = arith.constant 0 : i32
        %dma_start3A_361 = arith.constant 0 : i32
        %dma_start3A_362 = tpu.memref_slice %arg12[%dma_start3A_359, %dma_start3A_360, %dma_start3A_361] : memref<4x128x96xf32, #tpu.memory_space<vmem>> -> memref<1x128x96xf32, #tpu.memory_space<vmem>>
        %dma_start3A_363 = tpu.memref_squeeze %dma_start3A_362 : memref<1x128x96xf32, #tpu.memory_space<vmem>> -> memref<128x96xf32, #tpu.memory_space<vmem>>
        %dma_start3A_364 = arith.constant 0 : i32
        %dma_start3A_365 = tpu.memref_slice %arg10[%dma_start3A_358, %dma_start3A_364] : memref<4x128xi32, #tpu.memory_space<vmem>> -> memref<1x128xi32, #tpu.memory_space<vmem>>
        %dma_start3A_366 = tpu.memref_squeeze %dma_start3A_365 : memref<1x128xi32, #tpu.memory_space<vmem>> -> memref<128xi32, #tpu.memory_space<vmem>>
        %dma_start3A_367 = arith.constant 0 : i32
        %dma_start3A_368 = arith.constant 0 : i32
        %dma_start3A_369 = tpu.memref_slice %arg4[%dma_start3A_367, %dma_start3A_368] : memref<294912x96xf32, #tpu.memory_space<hbm>> -> memref<294912x96xf32, #tpu.memory_space<hbm>>
        tpu.enqueue_indirect_dma source(%dma_start3A_369 : memref<294912x96xf32, #tpu.memory_space<hbm>>) target(%dma_start3A_363 : memref<128x96xf32, #tpu.memory_space<vmem>>) offsets(%dma_start3A_366 : memref<128xi32, #tpu.memory_space<vmem>>) semaphore(%arg18 : memref<!tpu.dma_semaphore, #tpu.memory_space<semaphore_mem>>)
        %dma_start3A_370 = arith.constant 2 : i32
        %dma_start3A_371 = arith.constant 2 : i32
        %dma_start3A_372 = arith.constant 0 : i32
        %dma_start3A_373 = arith.constant 0 : i32
        %dma_start3A_374 = tpu.memref_slice %arg12[%dma_start3A_371, %dma_start3A_372, %dma_start3A_373] : memref<4x128x96xf32, #tpu.memory_space<vmem>> -> memref<1x128x96xf32, #tpu.memory_space<vmem>>
        %dma_start3A_375 = tpu.memref_squeeze %dma_start3A_374 : memref<1x128x96xf32, #tpu.memory_space<vmem>> -> memref<128x96xf32, #tpu.memory_space<vmem>>
        %dma_start3A_376 = arith.constant 0 : i32
        %dma_start3A_377 = tpu.memref_slice %arg10[%dma_start3A_370, %dma_start3A_376] : memref<4x128xi32, #tpu.memory_space<vmem>> -> memref<1x128xi32, #tpu.memory_space<vmem>>
        %dma_start3A_378 = tpu.memref_squeeze %dma_start3A_377 : memref<1x128xi32, #tpu.memory_space<vmem>> -> memref<128xi32, #tpu.memory_space<vmem>>
        %dma_start3A_379 = arith.constant 0 : i32
        %dma_start3A_380 = arith.constant 0 : i32
        %dma_start3A_381 = tpu.memref_slice %arg4[%dma_start3A_379, %dma_start3A_380] : memref<294912x96xf32, #tpu.memory_space<hbm>> -> memref<294912x96xf32, #tpu.memory_space<hbm>>
        tpu.enqueue_indirect_dma source(%dma_start3A_381 : memref<294912x96xf32, #tpu.memory_space<hbm>>) target(%dma_start3A_375 : memref<128x96xf32, #tpu.memory_space<vmem>>) offsets(%dma_start3A_378 : memref<128xi32, #tpu.memory_space<vmem>>) semaphore(%arg18 : memref<!tpu.dma_semaphore, #tpu.memory_space<semaphore_mem>>)
        %dma_start3A_382 = arith.constant 3 : i32
        %dma_start3A_383 = arith.constant 3 : i32
        %dma_start3A_384 = arith.constant 0 : i32
        %dma_start3A_385 = arith.constant 0 : i32
        %dma_start3A_386 = tpu.memref_slice %arg12[%dma_start3A_383, %dma_start3A_384, %dma_start3A_385] : memref<4x128x96xf32, #tpu.memory_space<vmem>> -> memref<1x128x96xf32, #tpu.memory_space<vmem>>
        %dma_start3A_387 = tpu.memref_squeeze %dma_start3A_386 : memref<1x128x96xf32, #tpu.memory_space<vmem>> -> memref<128x96xf32, #tpu.memory_space<vmem>>
        %dma_start3A_388 = arith.constant 0 : i32
        %dma_start3A_389 = tpu.memref_slice %arg10[%dma_start3A_382, %dma_start3A_388] : memref<4x128xi32, #tpu.memory_space<vmem>> -> memref<1x128xi32, #tpu.memory_space<vmem>>
        %dma_start3A_390 = tpu.memref_squeeze %dma_start3A_389 : memref<1x128xi32, #tpu.memory_space<vmem>> -> memref<128xi32, #tpu.memory_space<vmem>>
        %dma_start3A_391 = arith.constant 0 : i32
        %dma_start3A_392 = arith.constant 0 : i32
        %dma_start3A_393 = tpu.memref_slice %arg4[%dma_start3A_391, %dma_start3A_392] : memref<294912x96xf32, #tpu.memory_space<hbm>> -> memref<294912x96xf32, #tpu.memory_space<hbm>>
        tpu.enqueue_indirect_dma source(%dma_start3A_393 : memref<294912x96xf32, #tpu.memory_space<hbm>>) target(%dma_start3A_387 : memref<128x96xf32, #tpu.memory_space<vmem>>) offsets(%dma_start3A_390 : memref<128xi32, #tpu.memory_space<vmem>>) semaphore(%arg18 : memref<!tpu.dma_semaphore, #tpu.memory_space<semaphore_mem>>)
      } else {
      }
      %dma_wait3A_253 = arith.constant 0 : i32
      %dma_wait3A_254 = arith.constant 0 : i32
      %dma_wait3A_255 = arith.constant 0 : i32
      %dma_wait3A_256 = arith.constant 0 : i32
      %dma_wait3A_257 = tpu.memref_slice %arg15[%dma_wait3A_254, %dma_wait3A_255, %dma_wait3A_256] : memref<4x128x96xf32, #tpu.memory_space<vmem>> -> memref<1x128x96xf32, #tpu.memory_space<vmem>>
      %dma_wait3A_258 = tpu.memref_squeeze %dma_wait3A_257 : memref<1x128x96xf32, #tpu.memory_space<vmem>> -> memref<128x96xf32, #tpu.memory_space<vmem>>
      %dma_wait3A_259 = arith.constant 0 : i32
      %dma_wait3A_260 = tpu.memref_slice %arg13[%dma_wait3A_253, %dma_wait3A_259] : memref<4x128xi32, #tpu.memory_space<vmem>> -> memref<1x128xi32, #tpu.memory_space<vmem>>
      %dma_wait3A_261 = tpu.memref_squeeze %dma_wait3A_260 : memref<1x128xi32, #tpu.memory_space<vmem>> -> memref<128xi32, #tpu.memory_space<vmem>>
      %dma_wait3A_262 = arith.constant 0 : i32
      %dma_wait3A_263 = arith.constant 0 : i32
      %dma_wait3A_264 = tpu.memref_slice %arg4[%dma_wait3A_262, %dma_wait3A_263] : memref<294912x96xf32, #tpu.memory_space<hbm>> -> memref<294912x96xf32, #tpu.memory_space<hbm>>
      tpu.wait_indirect_dma semaphore(%arg19 : memref<!tpu.dma_semaphore, #tpu.memory_space<semaphore_mem>>) src(%dma_wait3A_264 : memref<294912x96xf32, #tpu.memory_space<hbm>>) dst(%dma_wait3A_258 : memref<128x96xf32, #tpu.memory_space<vmem>>)
      %dma_wait3A_265 = arith.constant 1 : i32
      %dma_wait3A_266 = arith.constant 1 : i32
      %dma_wait3A_267 = arith.constant 0 : i32
      %dma_wait3A_268 = arith.constant 0 : i32
      %dma_wait3A_269 = tpu.memref_slice %arg15[%dma_wait3A_266, %dma_wait3A_267, %dma_wait3A_268] : memref<4x128x96xf32, #tpu.memory_space<vmem>> -> memref<1x128x96xf32, #tpu.memory_space<vmem>>
      %dma_wait3A_270 = tpu.memref_squeeze %dma_wait3A_269 : memref<1x128x96xf32, #tpu.memory_space<vmem>> -> memref<128x96xf32, #tpu.memory_space<vmem>>
      %dma_wait3A_271 = arith.constant 0 : i32
      %dma_wait3A_272 = tpu.memref_slice %arg13[%dma_wait3A_265, %dma_wait3A_271] : memref<4x128xi32, #tpu.memory_space<vmem>> -> memref<1x128xi32, #tpu.memory_space<vmem>>
      %dma_wait3A_273 = tpu.memref_squeeze %dma_wait3A_272 : memref<1x128xi32, #tpu.memory_space<vmem>> -> memref<128xi32, #tpu.memory_space<vmem>>
      %dma_wait3A_274 = arith.constant 0 : i32
      %dma_wait3A_275 = arith.constant 0 : i32
      %dma_wait3A_276 = tpu.memref_slice %arg4[%dma_wait3A_274, %dma_wait3A_275] : memref<294912x96xf32, #tpu.memory_space<hbm>> -> memref<294912x96xf32, #tpu.memory_space<hbm>>
      tpu.wait_indirect_dma semaphore(%arg19 : memref<!tpu.dma_semaphore, #tpu.memory_space<semaphore_mem>>) src(%dma_wait3A_276 : memref<294912x96xf32, #tpu.memory_space<hbm>>) dst(%dma_wait3A_270 : memref<128x96xf32, #tpu.memory_space<vmem>>)
      %dma_wait3A_277 = arith.constant 2 : i32
      %dma_wait3A_278 = arith.constant 2 : i32
      %dma_wait3A_279 = arith.constant 0 : i32
      %dma_wait3A_280 = arith.constant 0 : i32
      %dma_wait3A_281 = tpu.memref_slice %arg15[%dma_wait3A_278, %dma_wait3A_279, %dma_wait3A_280] : memref<4x128x96xf32, #tpu.memory_space<vmem>> -> memref<1x128x96xf32, #tpu.memory_space<vmem>>
      %dma_wait3A_282 = tpu.memref_squeeze %dma_wait3A_281 : memref<1x128x96xf32, #tpu.memory_space<vmem>> -> memref<128x96xf32, #tpu.memory_space<vmem>>
      %dma_wait3A_283 = arith.constant 0 : i32
      %dma_wait3A_284 = tpu.memref_slice %arg13[%dma_wait3A_277, %dma_wait3A_283] : memref<4x128xi32, #tpu.memory_space<vmem>> -> memref<1x128xi32, #tpu.memory_space<vmem>>
      %dma_wait3A_285 = tpu.memref_squeeze %dma_wait3A_284 : memref<1x128xi32, #tpu.memory_space<vmem>> -> memref<128xi32, #tpu.memory_space<vmem>>
      %dma_wait3A_286 = arith.constant 0 : i32
      %dma_wait3A_287 = arith.constant 0 : i32
      %dma_wait3A_288 = tpu.memref_slice %arg4[%dma_wait3A_286, %dma_wait3A_287] : memref<294912x96xf32, #tpu.memory_space<hbm>> -> memref<294912x96xf32, #tpu.memory_space<hbm>>
      tpu.wait_indirect_dma semaphore(%arg19 : memref<!tpu.dma_semaphore, #tpu.memory_space<semaphore_mem>>) src(%dma_wait3A_288 : memref<294912x96xf32, #tpu.memory_space<hbm>>) dst(%dma_wait3A_282 : memref<128x96xf32, #tpu.memory_space<vmem>>)
      %dma_wait3A_289 = arith.constant 3 : i32
      %dma_wait3A_290 = arith.constant 3 : i32
      %dma_wait3A_291 = arith.constant 0 : i32
      %dma_wait3A_292 = arith.constant 0 : i32
      %dma_wait3A_293 = tpu.memref_slice %arg15[%dma_wait3A_290, %dma_wait3A_291, %dma_wait3A_292] : memref<4x128x96xf32, #tpu.memory_space<vmem>> -> memref<1x128x96xf32, #tpu.memory_space<vmem>>
      %dma_wait3A_294 = tpu.memref_squeeze %dma_wait3A_293 : memref<1x128x96xf32, #tpu.memory_space<vmem>> -> memref<128x96xf32, #tpu.memory_space<vmem>>
      %dma_wait3A_295 = arith.constant 0 : i32
      %dma_wait3A_296 = tpu.memref_slice %arg13[%dma_wait3A_289, %dma_wait3A_295] : memref<4x128xi32, #tpu.memory_space<vmem>> -> memref<1x128xi32, #tpu.memory_space<vmem>>
      %dma_wait3A_297 = tpu.memref_squeeze %dma_wait3A_296 : memref<1x128xi32, #tpu.memory_space<vmem>> -> memref<128xi32, #tpu.memory_space<vmem>>
      %dma_wait3A_298 = arith.constant 0 : i32
      %dma_wait3A_299 = arith.constant 0 : i32
      %dma_wait3A_300 = tpu.memref_slice %arg4[%dma_wait3A_298, %dma_wait3A_299] : memref<294912x96xf32, #tpu.memory_space<hbm>> -> memref<294912x96xf32, #tpu.memory_space<hbm>>
      tpu.wait_indirect_dma semaphore(%arg19 : memref<!tpu.dma_semaphore, #tpu.memory_space<semaphore_mem>>) src(%dma_wait3A_300 : memref<294912x96xf32, #tpu.memory_space<hbm>>) dst(%dma_wait3A_294 : memref<128x96xf32, #tpu.memory_space<vmem>>)
      %gt3A_301 = arith.constant 0 : i32
      %gt3A_302 = arith.cmpi sgt, %scan3A_105, %gt3A_301 : i32
      %convert_element_type3A_303 = arith.extui %gt3A_302 : i1 to i32
      %cond3A_304 = arith.constant 0 : i32
      %cond3A_305 = arith.cmpi ne, %convert_element_type3A_303, %cond3A_304 : i32
      scf.if %cond3A_305 {
        %sub3A_321 = arith.constant 2 : i32
        %sub3A_322 = arith.subi %add3A_112, %sub3A_321 : i32
        %mul3A_323 = arith.constant 128 : i32
        %mul3A_324 = arith.muli %sub3A_322, %mul3A_323 : i32
        %add3A_325 = arith.addi %mul3A_2, %mul3A_324 : i32
        %dma_wait3A_326 = arith.constant 0 : i32
        %dma_wait3A_327 = tpu.memref_slice %arg6[%add3A_325, %dma_wait3A_326] : memref<294912x96xf32, #tpu.memory_space<hbm>> -> memref<128x96xf32, #tpu.memory_space<hbm>>
        %dma_wait3A_328 = arith.constant 0 : i32
        %dma_wait3A_329 = tpu.memref_slice %arg6[%add3A_325, %dma_wait3A_328] : memref<294912x96xf32, #tpu.memory_space<hbm>> -> memref<128x96xf32, #tpu.memory_space<hbm>>
        tpu.wait_dma2 semaphore(%arg21 : memref<!tpu.dma_semaphore, #tpu.memory_space<semaphore_mem>>) src(%arg17 : memref<128x96xf32, #tpu.memory_space<vmem>>) dst(%dma_wait3A_329 : memref<128x96xf32, #tpu.memory_space<hbm>>)
      } else {
      }
      %scan3A_306 = arith.constant 0 : i32
      %scan3A_307 = arith.constant 0 : i32
      %scan3A_308 = arith.constant 128 : i32
      %scan3A_309 = arith.addi %scan3A_307, %scan3A_308 : i32
      %scan3A_310 = arith.constant 1 : i32
      %scan3A_311 = scf.for %scan3A_321 = %scan3A_307 to %scan3A_309 step %scan3A_310 iter_args(%scan3A_322 = %scan3A_306) -> (i32)  : i32 {
        %broadcast_in_dim3A = vector.broadcast %scan3A_321 : i32 to vector<16xi32>
        %gather3A = arith.constant 0 : i32
        %gather3A_323 = arith.constant 0 : i32
        %gather3A_324 = tpu.memref_slice %arg14[%gather3A, %gather3A_323] : memref<4x128xf32, #tpu.memory_space<vmem>> -> memref<1x128xf32, #tpu.memory_space<vmem>>
        %gather3A_325 = tpu.memref_squeeze %gather3A_324 : memref<1x128xf32, #tpu.memory_space<vmem>> -> memref<128xf32, #tpu.memory_space<vmem>>
        %gather3A_326 = tpu.vector_load_idx %gather3A_325[%broadcast_in_dim3A] : memref<128xf32, #tpu.memory_space<vmem>>[vector<16xi32>], vector<16xf32>,
        %gather3A_327 = arith.constant 1 : i32
        %gather3A_328 = arith.constant 0 : i32
        %gather3A_329 = tpu.memref_slice %arg14[%gather3A_327, %gather3A_328] : memref<4x128xf32, #tpu.memory_space<vmem>> -> memref<1x128xf32, #tpu.memory_space<vmem>>
        %gather3A_330 = tpu.memref_squeeze %gather3A_329 : memref<1x128xf32, #tpu.memory_space<vmem>> -> memref<128xf32, #tpu.memory_space<vmem>>
        %gather3A_331 = tpu.vector_load_idx %gather3A_330[%broadcast_in_dim3A] : memref<128xf32, #tpu.memory_space<vmem>>[vector<16xi32>], vector<16xf32>,
        %gather3A_332 = arith.constant 2 : i32
        %gather3A_333 = arith.constant 0 : i32
        %gather3A_334 = tpu.memref_slice %arg14[%gather3A_332, %gather3A_333] : memref<4x128xf32, #tpu.memory_space<vmem>> -> memref<1x128xf32, #tpu.memory_space<vmem>>
        %gather3A_335 = tpu.memref_squeeze %gather3A_334 : memref<1x128xf32, #tpu.memory_space<vmem>> -> memref<128xf32, #tpu.memory_space<vmem>>
        %gather3A_336 = tpu.vector_load_idx %gather3A_335[%broadcast_in_dim3A] : memref<128xf32, #tpu.memory_space<vmem>>[vector<16xi32>], vector<16xf32>,
        %gather3A_337 = arith.constant 3 : i32
        %gather3A_338 = arith.constant 0 : i32
        %gather3A_339 = tpu.memref_slice %arg14[%gather3A_337, %gather3A_338] : memref<4x128xf32, #tpu.memory_space<vmem>> -> memref<1x128xf32, #tpu.memory_space<vmem>>
        %gather3A_340 = tpu.memref_squeeze %gather3A_339 : memref<1x128xf32, #tpu.memory_space<vmem>> -> memref<128xf32, #tpu.memory_space<vmem>>
        %gather3A_341 = tpu.vector_load_idx %gather3A_340[%broadcast_in_dim3A] : memref<128xf32, #tpu.memory_space<vmem>>[vector<16xi32>], vector<16xf32>,
        %get3A = arith.constant 0 : i32
        %get3A_342 = arith.index_cast %get3A : i32 to index
        %get3A_343 = arith.index_cast %scan3A_321 : i32 to index
        %get3A_344 = arith.constant 0 : index
        %get3A_345 = tpu.vector_load %arg15[%get3A_342, %get3A_343, %get3A_344] {strides = array<i32>} : memref<4x128x96xf32, #tpu.memory_space<vmem>>, vector<16xf32>,
        %get3A_346 = arith.constant 1 : i32
        %get3A_347 = arith.index_cast %get3A_346 : i32 to index
        %get3A_348 = arith.index_cast %scan3A_321 : i32 to index
        %get3A_349 = arith.constant 0 : index
        %get3A_350 = tpu.vector_load %arg15[%get3A_347, %get3A_348, %get3A_349] {strides = array<i32>} : memref<4x128x96xf32, #tpu.memory_space<vmem>>, vector<16xf32>,
        %get3A_351 = arith.constant 2 : i32
        %get3A_352 = arith.index_cast %get3A_351 : i32 to index
        %get3A_353 = arith.index_cast %scan3A_321 : i32 to index
        %get3A_354 = arith.constant 0 : index
        %get3A_355 = tpu.vector_load %arg15[%get3A_352, %get3A_353, %get3A_354] {strides = array<i32>} : memref<4x128x96xf32, #tpu.memory_space<vmem>>, vector<16xf32>,
        %get3A_356 = arith.constant 3 : i32
        %get3A_357 = arith.index_cast %get3A_356 : i32 to index
        %get3A_358 = arith.index_cast %scan3A_321 : i32 to index
        %get3A_359 = arith.constant 0 : index
        %get3A_360 = tpu.vector_load %arg15[%get3A_357, %get3A_358, %get3A_359] {strides = array<i32>} : memref<4x128x96xf32, #tpu.memory_space<vmem>>, vector<16xf32>,
        %mul3A_361 = arith.mulf %gather3A_326, %get3A_345 : vector<16xf32>
        %mul3A_362 = arith.mulf %gather3A_331, %get3A_350 : vector<16xf32>
        %add3A_363 = arith.addf %mul3A_361, %mul3A_362 : vector<16xf32>
        %mul3A_364 = arith.mulf %gather3A_336, %get3A_355 : vector<16xf32>
        %mul3A_365 = arith.mulf %gather3A_341, %get3A_360 : vector<16xf32>
        %add3A_366 = arith.addf %mul3A_364, %mul3A_365 : vector<16xf32>
        %add3A_367 = arith.addf %add3A_363, %add3A_366 : vector<16xf32>
        %swap3A = arith.index_cast %scan3A_321 : i32 to index
        %swap3A_368 = arith.constant 0 : index
        %swap3A_369 = tpu.vector_load %arg17[%swap3A, %swap3A_368] {strides = array<i32>} : memref<128x96xf32, #tpu.memory_space<vmem>>, vector<16xf32>,
        tpu.vector_store %arg17[%swap3A, %swap3A_368], %add3A_367 {strides = array<i32>} : memref<128x96xf32, #tpu.memory_space<vmem>>, vector<16xf32>,
        %get3A_370 = arith.constant 0 : i32
        %get3A_371 = arith.index_cast %get3A_370 : i32 to index
        %get3A_372 = arith.index_cast %scan3A_321 : i32 to index
        %get3A_373 = arith.constant 16 : index
        %get3A_374 = tpu.vector_load %arg15[%get3A_371, %get3A_372, %get3A_373] {strides = array<i32>} : memref<4x128x96xf32, #tpu.memory_space<vmem>>, vector<16xf32>,
        %get3A_375 = arith.constant 1 : i32
        %get3A_376 = arith.index_cast %get3A_375 : i32 to index
        %get3A_377 = arith.index_cast %scan3A_321 : i32 to index
        %get3A_378 = arith.constant 16 : index
        %get3A_379 = tpu.vector_load %arg15[%get3A_376, %get3A_377, %get3A_378] {strides = array<i32>} : memref<4x128x96xf32, #tpu.memory_space<vmem>>, vector<16xf32>,
        %get3A_380 = arith.constant 2 : i32
        %get3A_381 = arith.index_cast %get3A_380 : i32 to index
        %get3A_382 = arith.index_cast %scan3A_321 : i32 to index
        %get3A_383 = arith.constant 16 : index
        %get3A_384 = tpu.vector_load %arg15[%get3A_381, %get3A_382, %get3A_383] {strides = array<i32>} : memref<4x128x96xf32, #tpu.memory_space<vmem>>, vector<16xf32>,
        %get3A_385 = arith.constant 3 : i32
        %get3A_386 = arith.index_cast %get3A_385 : i32 to index
        %get3A_387 = arith.index_cast %scan3A_321 : i32 to index
        %get3A_388 = arith.constant 16 : index
        %get3A_389 = tpu.vector_load %arg15[%get3A_386, %get3A_387, %get3A_388] {strides = array<i32>} : memref<4x128x96xf32, #tpu.memory_space<vmem>>, vector<16xf32>,
        %mul3A_390 = arith.mulf %gather3A_326, %get3A_374 : vector<16xf32>
        %mul3A_391 = arith.mulf %gather3A_331, %get3A_379 : vector<16xf32>
        %add3A_392 = arith.addf %mul3A_390, %mul3A_391 : vector<16xf32>
        %mul3A_393 = arith.mulf %gather3A_336, %get3A_384 : vector<16xf32>
        %mul3A_394 = arith.mulf %gather3A_341, %get3A_389 : vector<16xf32>
        %add3A_395 = arith.addf %mul3A_393, %mul3A_394 : vector<16xf32>
        %add3A_396 = arith.addf %add3A_392, %add3A_395 : vector<16xf32>
        %swap3A_397 = arith.index_cast %scan3A_321 : i32 to index
        %swap3A_398 = arith.constant 16 : index
        %swap3A_399 = tpu.vector_load %arg17[%swap3A_397, %swap3A_398] {strides = array<i32>} : memref<128x96xf32, #tpu.memory_space<vmem>>, vector<16xf32>,
        tpu.vector_store %arg17[%swap3A_397, %swap3A_398], %add3A_396 {strides = array<i32>} : memref<128x96xf32, #tpu.memory_space<vmem>>, vector<16xf32>,
        %get3A_400 = arith.constant 0 : i32
        %get3A_401 = arith.index_cast %get3A_400 : i32 to index
        %get3A_402 = arith.index_cast %scan3A_321 : i32 to index
        %get3A_403 = arith.constant 32 : index
        %get3A_404 = tpu.vector_load %arg15[%get3A_401, %get3A_402, %get3A_403] {strides = array<i32>} : memref<4x128x96xf32, #tpu.memory_space<vmem>>, vector<16xf32>,
        %get3A_405 = arith.constant 1 : i32
        %get3A_406 = arith.index_cast %get3A_405 : i32 to index
        %get3A_407 = arith.index_cast %scan3A_321 : i32 to index
        %get3A_408 = arith.constant 32 : index
        %get3A_409 = tpu.vector_load %arg15[%get3A_406, %get3A_407, %get3A_408] {strides = array<i32>} : memref<4x128x96xf32, #tpu.memory_space<vmem>>, vector<16xf32>,
        %get3A_410 = arith.constant 2 : i32
        %get3A_411 = arith.index_cast %get3A_410 : i32 to index
        %get3A_412 = arith.index_cast %scan3A_321 : i32 to index
        %get3A_413 = arith.constant 32 : index
        %get3A_414 = tpu.vector_load %arg15[%get3A_411, %get3A_412, %get3A_413] {strides = array<i32>} : memref<4x128x96xf32, #tpu.memory_space<vmem>>, vector<16xf32>,
        %get3A_415 = arith.constant 3 : i32
        %get3A_416 = arith.index_cast %get3A_415 : i32 to index
        %get3A_417 = arith.index_cast %scan3A_321 : i32 to index
        %get3A_418 = arith.constant 32 : index
        %get3A_419 = tpu.vector_load %arg15[%get3A_416, %get3A_417, %get3A_418] {strides = array<i32>} : memref<4x128x96xf32, #tpu.memory_space<vmem>>, vector<16xf32>,
        %mul3A_420 = arith.mulf %gather3A_326, %get3A_404 : vector<16xf32>
        %mul3A_421 = arith.mulf %gather3A_331, %get3A_409 : vector<16xf32>
        %add3A_422 = arith.addf %mul3A_420, %mul3A_421 : vector<16xf32>
        %mul3A_423 = arith.mulf %gather3A_336, %get3A_414 : vector<16xf32>
        %mul3A_424 = arith.mulf %gather3A_341, %get3A_419 : vector<16xf32>
        %add3A_425 = arith.addf %mul3A_423, %mul3A_424 : vector<16xf32>
        %add3A_426 = arith.addf %add3A_422, %add3A_425 : vector<16xf32>
        %swap3A_427 = arith.index_cast %scan3A_321 : i32 to index
        %swap3A_428 = arith.constant 32 : index
        %swap3A_429 = tpu.vector_load %arg17[%swap3A_427, %swap3A_428] {strides = array<i32>} : memref<128x96xf32, #tpu.memory_space<vmem>>, vector<16xf32>,
        tpu.vector_store %arg17[%swap3A_427, %swap3A_428], %add3A_426 {strides = array<i32>} : memref<128x96xf32, #tpu.memory_space<vmem>>, vector<16xf32>,
        %get3A_430 = arith.constant 0 : i32
        %get3A_431 = arith.index_cast %get3A_430 : i32 to index
        %get3A_432 = arith.index_cast %scan3A_321 : i32 to index
        %get3A_433 = arith.constant 48 : index
        %get3A_434 = tpu.vector_load %arg15[%get3A_431, %get3A_432, %get3A_433] {strides = array<i32>} : memref<4x128x96xf32, #tpu.memory_space<vmem>>, vector<16xf32>,
        %get3A_435 = arith.constant 1 : i32
        %get3A_436 = arith.index_cast %get3A_435 : i32 to index
        %get3A_437 = arith.index_cast %scan3A_321 : i32 to index
        %get3A_438 = arith.constant 48 : index
        %get3A_439 = tpu.vector_load %arg15[%get3A_436, %get3A_437, %get3A_438] {strides = array<i32>} : memref<4x128x96xf32, #tpu.memory_space<vmem>>, vector<16xf32>,
        %get3A_440 = arith.constant 2 : i32
        %get3A_441 = arith.index_cast %get3A_440 : i32 to index
        %get3A_442 = arith.index_cast %scan3A_321 : i32 to index
        %get3A_443 = arith.constant 48 : index
        %get3A_444 = tpu.vector_load %arg15[%get3A_441, %get3A_442, %get3A_443] {strides = array<i32>} : memref<4x128x96xf32, #tpu.memory_space<vmem>>, vector<16xf32>,
        %get3A_445 = arith.constant 3 : i32
        %get3A_446 = arith.index_cast %get3A_445 : i32 to index
        %get3A_447 = arith.index_cast %scan3A_321 : i32 to index
        %get3A_448 = arith.constant 48 : index
        %get3A_449 = tpu.vector_load %arg15[%get3A_446, %get3A_447, %get3A_448] {strides = array<i32>} : memref<4x128x96xf32, #tpu.memory_space<vmem>>, vector<16xf32>,
        %mul3A_450 = arith.mulf %gather3A_326, %get3A_434 : vector<16xf32>
        %mul3A_451 = arith.mulf %gather3A_331, %get3A_439 : vector<16xf32>
        %add3A_452 = arith.addf %mul3A_450, %mul3A_451 : vector<16xf32>
        %mul3A_453 = arith.mulf %gather3A_336, %get3A_444 : vector<16xf32>
        %mul3A_454 = arith.mulf %gather3A_341, %get3A_449 : vector<16xf32>
        %add3A_455 = arith.addf %mul3A_453, %mul3A_454 : vector<16xf32>
        %add3A_456 = arith.addf %add3A_452, %add3A_455 : vector<16xf32>
        %swap3A_457 = arith.index_cast %scan3A_321 : i32 to index
        %swap3A_458 = arith.constant 48 : index
        %swap3A_459 = tpu.vector_load %arg17[%swap3A_457, %swap3A_458] {strides = array<i32>} : memref<128x96xf32, #tpu.memory_space<vmem>>, vector<16xf32>,
        tpu.vector_store %arg17[%swap3A_457, %swap3A_458], %add3A_456 {strides = array<i32>} : memref<128x96xf32, #tpu.memory_space<vmem>>, vector<16xf32>,
        %get3A_460 = arith.constant 0 : i32
        %get3A_461 = arith.index_cast %get3A_460 : i32 to index
        %get3A_462 = arith.index_cast %scan3A_321 : i32 to index
        %get3A_463 = arith.constant 64 : index
        %get3A_464 = tpu.vector_load %arg15[%get3A_461, %get3A_462, %get3A_463] {strides = array<i32>} : memref<4x128x96xf32, #tpu.memory_space<vmem>>, vector<16xf32>,
        %get3A_465 = arith.constant 1 : i32
        %get3A_466 = arith.index_cast %get3A_465 : i32 to index
        %get3A_467 = arith.index_cast %scan3A_321 : i32 to index
        %get3A_468 = arith.constant 64 : index
        %get3A_469 = tpu.vector_load %arg15[%get3A_466, %get3A_467, %get3A_468] {strides = array<i32>} : memref<4x128x96xf32, #tpu.memory_space<vmem>>, vector<16xf32>,
        %get3A_470 = arith.constant 2 : i32
        %get3A_471 = arith.index_cast %get3A_470 : i32 to index
        %get3A_472 = arith.index_cast %scan3A_321 : i32 to index
        %get3A_473 = arith.constant 64 : index
        %get3A_474 = tpu.vector_load %arg15[%get3A_471, %get3A_472, %get3A_473] {strides = array<i32>} : memref<4x128x96xf32, #tpu.memory_space<vmem>>, vector<16xf32>,
        %get3A_475 = arith.constant 3 : i32
        %get3A_476 = arith.index_cast %get3A_475 : i32 to index
        %get3A_477 = arith.index_cast %scan3A_321 : i32 to index
        %get3A_478 = arith.constant 64 : index
        %get3A_479 = tpu.vector_load %arg15[%get3A_476, %get3A_477, %get3A_478] {strides = array<i32>} : memref<4x128x96xf32, #tpu.memory_space<vmem>>, vector<16xf32>,
        %mul3A_480 = arith.mulf %gather3A_326, %get3A_464 : vector<16xf32>
        %mul3A_481 = arith.mulf %gather3A_331, %get3A_469 : vector<16xf32>
        %add3A_482 = arith.addf %mul3A_480, %mul3A_481 : vector<16xf32>
        %mul3A_483 = arith.mulf %gather3A_336, %get3A_474 : vector<16xf32>
        %mul3A_484 = arith.mulf %gather3A_341, %get3A_479 : vector<16xf32>
        %add3A_485 = arith.addf %mul3A_483, %mul3A_484 : vector<16xf32>
        %add3A_486 = arith.addf %add3A_482, %add3A_485 : vector<16xf32>
        %swap3A_487 = arith.index_cast %scan3A_321 : i32 to index
        %swap3A_488 = arith.constant 64 : index
        %swap3A_489 = tpu.vector_load %arg17[%swap3A_487, %swap3A_488] {strides = array<i32>} : memref<128x96xf32, #tpu.memory_space<vmem>>, vector<16xf32>,
        tpu.vector_store %arg17[%swap3A_487, %swap3A_488], %add3A_486 {strides = array<i32>} : memref<128x96xf32, #tpu.memory_space<vmem>>, vector<16xf32>,
        %get3A_490 = arith.constant 0 : i32
        %get3A_491 = arith.index_cast %get3A_490 : i32 to index
        %get3A_492 = arith.index_cast %scan3A_321 : i32 to index
        %get3A_493 = arith.constant 80 : index
        %get3A_494 = tpu.vector_load %arg15[%get3A_491, %get3A_492, %get3A_493] {strides = array<i32>} : memref<4x128x96xf32, #tpu.memory_space<vmem>>, vector<16xf32>,
        %get3A_495 = arith.constant 1 : i32
        %get3A_496 = arith.index_cast %get3A_495 : i32 to index
        %get3A_497 = arith.index_cast %scan3A_321 : i32 to index
        %get3A_498 = arith.constant 80 : index
        %get3A_499 = tpu.vector_load %arg15[%get3A_496, %get3A_497, %get3A_498] {strides = array<i32>} : memref<4x128x96xf32, #tpu.memory_space<vmem>>, vector<16xf32>,
        %get3A_500 = arith.constant 2 : i32
        %get3A_501 = arith.index_cast %get3A_500 : i32 to index
        %get3A_502 = arith.index_cast %scan3A_321 : i32 to index
        %get3A_503 = arith.constant 80 : index
        %get3A_504 = tpu.vector_load %arg15[%get3A_501, %get3A_502, %get3A_503] {strides = array<i32>} : memref<4x128x96xf32, #tpu.memory_space<vmem>>, vector<16xf32>,
        %get3A_505 = arith.constant 3 : i32
        %get3A_506 = arith.index_cast %get3A_505 : i32 to index
        %get3A_507 = arith.index_cast %scan3A_321 : i32 to index
        %get3A_508 = arith.constant 80 : index
        %get3A_509 = tpu.vector_load %arg15[%get3A_506, %get3A_507, %get3A_508] {strides = array<i32>} : memref<4x128x96xf32, #tpu.memory_space<vmem>>, vector<16xf32>,
        %mul3A_510 = arith.mulf %gather3A_326, %get3A_494 : vector<16xf32>
        %mul3A_511 = arith.mulf %gather3A_331, %get3A_499 : vector<16xf32>
        %add3A_512 = arith.addf %mul3A_510, %mul3A_511 : vector<16xf32>
        %mul3A_513 = arith.mulf %gather3A_336, %get3A_504 : vector<16xf32>
        %mul3A_514 = arith.mulf %gather3A_341, %get3A_509 : vector<16xf32>
        %add3A_515 = arith.addf %mul3A_513, %mul3A_514 : vector<16xf32>
        %add3A_516 = arith.addf %add3A_512, %add3A_515 : vector<16xf32>
        %swap3A_517 = arith.index_cast %scan3A_321 : i32 to index
        %swap3A_518 = arith.constant 80 : index
        %swap3A_519 = tpu.vector_load %arg17[%swap3A_517, %swap3A_518] {strides = array<i32>} : memref<128x96xf32, #tpu.memory_space<vmem>>, vector<16xf32>,
        tpu.vector_store %arg17[%swap3A_517, %swap3A_518], %add3A_516 {strides = array<i32>} : memref<128x96xf32, #tpu.memory_space<vmem>>, vector<16xf32>,
        %scan3A_520 = arith.constant 0 : i32
        scf.yield %scan3A_520 : i32
      }
      %scan3A_312 = arith.constant 128 : i32
      %mul3A_313 = arith.constant 128 : i32
      %mul3A_314 = arith.muli %add3A_112, %mul3A_313 : i32
      %add3A_315 = arith.addi %mul3A_2, %mul3A_314 : i32
      %dma_start3A_316 = arith.constant 0 : i32
      %dma_start3A_317 = tpu.memref_slice %arg6[%add3A_315, %dma_start3A_316] : memref<294912x96xf32, #tpu.memory_space<hbm>> -> memref<128x96xf32, #tpu.memory_space<hbm>>
      %dma_start3A_318 = arith.constant 0 : i32
      %dma_start3A_319 = tpu.memref_slice %arg6[%add3A_315, %dma_start3A_318] : memref<294912x96xf32, #tpu.memory_space<hbm>> -> memref<128x96xf32, #tpu.memory_space<hbm>>
      tpu.enqueue_dma source(%arg17 : memref<128x96xf32, #tpu.memory_space<vmem>>) target(%dma_start3A_319 : memref<128x96xf32, #tpu.memory_space<hbm>>) target_semaphore(%arg21 : memref<!tpu.dma_semaphore, #tpu.memory_space<semaphore_mem>>)
      %scan3A_320 = arith.constant 0 : i32
      scf.yield %scan3A_320 : i32
    }
    %scan3A_93 = arith.constant 36 : i32
    %add3A_94 = arith.constant 8960 : i32
    %add3A_95 = arith.addi %mul3A_2, %add3A_94 : i32
    %dma_wait3A = arith.constant 0 : i32
    %dma_wait3A_96 = tpu.memref_slice %arg6[%add3A_95, %dma_wait3A] : memref<294912x96xf32, #tpu.memory_space<hbm>> -> memref<128x96xf32, #tpu.memory_space<hbm>>
    %dma_wait3A_97 = arith.constant 0 : i32
    %dma_wait3A_98 = tpu.memref_slice %arg6[%add3A_95, %dma_wait3A_97] : memref<294912x96xf32, #tpu.memory_space<hbm>> -> memref<128x96xf32, #tpu.memory_space<hbm>>
    tpu.wait_dma2 semaphore(%arg20 : memref<!tpu.dma_semaphore, #tpu.memory_space<semaphore_mem>>) src(%arg16 : memref<128x96xf32, #tpu.memory_space<vmem>>) dst(%dma_wait3A_98 : memref<128x96xf32, #tpu.memory_space<hbm>>)
    %add3A_99 = arith.constant 9088 : i32
    %add3A_100 = arith.addi %mul3A_2, %add3A_99 : i32
    %dma_wait3A_101 = arith.constant 0 : i32
    %dma_wait3A_102 = tpu.memref_slice %arg6[%add3A_100, %dma_wait3A_101] : memref<294912x96xf32, #tpu.memory_space<hbm>> -> memref<128x96xf32, #tpu.memory_space<hbm>>
    %dma_wait3A_103 = arith.constant 0 : i32
    %dma_wait3A_104 = tpu.memref_slice %arg6[%add3A_100, %dma_wait3A_103] : memref<294912x96xf32, #tpu.memory_space<hbm>> -> memref<128x96xf32, #tpu.memory_space<hbm>>
    tpu.wait_dma2 semaphore(%arg21 : memref<!tpu.dma_semaphore, #tpu.memory_space<semaphore_mem>>) src(%arg17 : memref<128x96xf32, #tpu.memory_space<vmem>>) dst(%dma_wait3A_104 : memref<128x96xf32, #tpu.memory_space<hbm>>)
    return
  }
}

</mosaic_0001>

<sc_bundles>
// kernel: kernel.3.cloned.1.call-start
scs
__scs_entry_jumppad:
0x0: {  	(pc) =	sbr.rel $0x88, $3  }
0x1: {  	(tag) =	ssettag $0x0;
	lr =	simm.s32 $0x1  }
0x2: {  	[smem:$0x3F9E] =	sst lr;
	_ =	strace $0xD0000000  }
0x3: {  	_ = 	snop  }
0x4: {  	_ = 	snop  }
0x5: {  	_ = 	snop  }
0x6: {  	_ = 	snop  }
0x7: {  	_ = 	snop  }
__scs_overlays_trampoline_lowered:
0x8: {  	[smem:$0x3FAD] =	sst s0  }
0x9: {  	[smem:$0x3FAE] =	sst s1  }
0xa: {  	[smem:$0x3FAF] =	sst s2  }
0xb: {  	[smem:$0x3FB0] =	sst s3  }
0xc: {  	[smem:$0x3FB1] =	sst s4  }
0xd: {  	[smem:$0x3FB2] =	sst s5  }
0xe: {  	[smem:$0x3FB3] =	sst s6  }
0xf: {  	[smem:$0x3FB4] =	sst s7  }
0x10: {  	[smem:$0x3FB5] =	sst s8  }
0x11: {  	[smem:$0x3FB6] =	sst s9;
	s0 =	simm.s32 @!p0 $0x0  }
0x12: {  	s1 =	sld [smem:$0x3F9C];
	s0 =	simm.s32 @p0 $0x1  }
0x13: {  	[smem:$0x3FB7] =	sst s0;
	s0 =	simm.s32 @!p1 $0x0  }
0x14: {  	s2 =	sld [smem:$0x3F9B];
	s0 =	simm.s32 @p1 $0x1  }
0x15: {  	[smem:$0x3FB8] =	sst s0;
	s0 =	simm.s32 @!p2 $0x0  }
0x16: {  	s3 =	sld [smem:$0x3FDB];
	s0 =	simm.s32 @p2 $0x1  }
0x17: {  	s4 =	simm.s32 $0x1BF5;
	[smem:$0x3FBA] =	sst s0  }
0x18: {  	s0 =	sld [smem:$0x3F9D];
	_ =	swait.ge [sflag:s4], $0x0  }
0x19: {  	s7 =	sld [smem:$0x3F9E]  }
0x1a: {  	s8 =	sadd.s32 $0xFFFFE003, lr  }
0x1b: {  	s9 =	sadd.s32 $0xFFFFFEF7, lr;
	s5 =	simm.s32 $0xFFFFFFFF;
	p2 =	slt.u32 s8, $0xFFFFF086  }
0x1c: {  	p1 =	slt.u32 s9, $0xF7A;
	s5 =	simm.s32 @!p2 $0x0  }
0x1d: {  	s5 =	simm.s32 @p1 $0x1;
	p0 =	seq.s32 s7, s2  }
0x1e: {  	s7 =	smul.u32 @!p0 $0xF7A, s2;
	p2 =	seq.s32 @!p0 s5, $0x0  }
0x1f: {  	s9 =	smul.u32 $0xF7A, s1;
	s8 =	simm.s32 @!p0 $0x1BF5;
	p2 =	por !p2, p0  }
0x20: {  	[sflag:s8] =	ssyncset.s32 @!p0 $0xFFFFF086;
	s6 =	sadd.s32 @!p0 s3, s7;
	s7 =	simm.s32 @!p0 $0x108  }
0x21: {  	s3 =	sadd.s32 s3, s9;
	s6 =	sadd.s32 @!p0 $0x88, s6;
	s7 =	simm.s32 @p2 $0x1082  }
0x22: {  	[simem:s7], [sflag:s8] =	dma.local @!p0 [hbm:s6], $0xF7A  }
0x23: {  	s9 =	sor.u32 $0xD0000000, s2;
	s6 =	simm.s32 $0x108;
	_ =	swait.ge @!p0 [sflag:s8], $0x0  }
0x24: {  	s3 =	sadd.s32 $0x88, s3;
	s6 =	simm.s32 @!p1 $0x1082;
	[sflag:s4] =	ssyncset.s32 $0xFFFFF086  }
0x25: {  	[simem:s6], [sflag:s4] =	dma.local [hbm:s3], $0xF7A  }
0x26: {  	[smem:$0x3F9E] =	sst s1;
	(tag) =	ssettag s2;
	_ =	strace s9  }
0x27: {  	s1 =	sld [smem:$0x3FAE]  }
0x28: {  	s2 =	sld [smem:$0x3FAF]  }
0x29: {  	s4 =	sld [smem:$0x3FB1]  }
0x2a: {  	p0 =	seq.s32 s5, $0x0;
	s5 =	sld [smem:$0x3FB2]  }
0x2b: {  	s6 =	sld [smem:$0x3FB3]  }
0x2c: {  	s7 =	sld [smem:$0x3FB4]  }
0x2d: {  	s3 =	simm.s32 $0x108;
	s8 =	sld [smem:$0x3FB5]  }
0x2e: {  	s3 =	simm.s32 @!p0 $0x1082;
	s9 =	sld [smem:$0x3FB6]  }
0x2f: {  	lr =	sadd.s32 s0, s3;
	s0 =	sld [smem:$0x3FAD]  }
0x30: {  	s3 =	sld [smem:$0x3FB0]  }
0x31: {  	[smem:$0x3FB9] =	sst s10  }
0x32: {  	s10 =	sld [smem:$0x3FB7];
	_ =	sdelay $0x3  }
0x33: {  	p0 =	seq.s32 s10, $0x1;
	s10 =	sld [smem:$0x3FB9];
	_ =	sdelay $0x3  }
0x34: {  	[smem:$0x3FB9] =	sst s10  }
0x35: {  	s10 =	sld [smem:$0x3FB8];
	_ =	sdelay $0x3  }
0x36: {  	p1 =	seq.s32 s10, $0x1;
	s10 =	sld [smem:$0x3FB9];
	_ =	sdelay $0x3  }
0x37: {  	[smem:$0x3FB9] =	sst s10  }
0x38: {  	s10 =	sld [smem:$0x3FBA]  }
0x39: {  	_ = 	snop;
	(pc) =	sbr.ind lr, $3  }
0x3a: {  	_ = 	snop  }
0x3b: {  	_ = 	snop  }
0x3c: {  	p2 =	seq.s32 s10, $0x1;
	s10 =	sld [smem:$0x3FB9]  }
0x3d: {  	_ =	shalt  }
0x3e: {  	_ =	shalt  }
0x3f: {  	_ =	shalt  }
0x40: {  	_ =	shalt  }
0x41: {  	_ =	shalt  }
0x42: {  	_ =	shalt  }
0x43: {  	_ =	shalt  }
0x44: {  	_ =	shalt  }
0x45: {  	_ =	shalt  }
0x46: {  	_ =	shalt  }
0x47: {  	_ =	shalt  }
0x48: {  	_ =	shalt  }
0x49: {  	_ =	shalt  }
0x4a: {  	_ =	shalt  }
0x4b: {  	_ =	shalt  }
0x4c: {  	_ =	shalt  }
0x4d: {  	_ =	shalt  }
0x4e: {  	_ =	shalt  }
0x4f: {  	_ =	shalt  }
0x50: {  	_ =	shalt  }
0x51: {  	_ =	shalt  }
0x52: {  	_ =	shalt  }
0x53: {  	_ =	shalt  }
0x54: {  	_ =	shalt  }
0x55: {  	_ =	shalt  }
0x56: {  	_ =	shalt  }
0x57: {  	_ =	shalt  }
0x58: {  	_ =	shalt  }
0x59: {  	_ =	shalt  }
0x5a: {  	_ =	shalt  }
0x5b: {  	_ =	shalt  }
0x5c: {  	_ =	shalt  }
0x5d: {  	_ =	shalt  }
0x5e: {  	_ =	shalt  }
0x5f: {  	_ =	shalt  }
0x60: {  	_ =	shalt  }
0x61: {  	_ =	shalt  }
0x62: {  	_ =	shalt  }
0x63: {  	_ =	shalt  }
0x64: {  	_ =	shalt  }
0x65: {  	_ =	shalt  }
0x66: {  	_ =	shalt  }
0x67: {  	_ =	shalt  }
0x68: {  	_ =	shalt  }
0x69: {  	_ =	shalt  }
0x6a: {  	_ =	shalt  }
0x6b: {  	_ =	shalt  }
0x6c: {  	_ =	shalt  }
0x6d: {  	_ =	shalt  }
0x6e: {  	_ =	shalt  }
0x6f: {  	_ =	shalt  }
0x70: {  	_ =	shalt  }
0x71: {  	_ =	shalt  }
0x72: {  	_ =	shalt  }
0x73: {  	_ =	shalt  }
0x74: {  	_ =	shalt  }
0x75: {  	_ =	shalt  }
0x76: {  	_ =	shalt  }
0x77: {  	_ =	shalt  }
0x78: {  	_ =	shalt  }
0x79: {  	_ =	shalt  }
0x7a: {  	_ =	shalt  }
0x7b: {  	_ =	shalt  }
0x7c: {  	_ =	shalt  }
0x7d: {  	_ =	shalt  }
0x7e: {  	_ =	shalt  }
0x7f: {  	_ =	shalt  }
0x80: {  	_ =	shalt  }
0x81: {  	_ =	shalt  }
0x82: {  	_ =	shalt  }
0x83: {  	_ =	shalt  }
0x84: {  	_ =	shalt  }
0x85: {  	_ =	shalt  }
0x86: {  	_ =	shalt  }
0x87: {  	_ =	shalt  }
.Lfunc_end0:
.L_simem_size_0:
called_computation.1_lowered:
.L_overlay_start_0:
0x88: {  	s2 =	sld [smem:$0x3FD9]  }
0x89: {  	s3 =	sld [smem:$0x3FFE];
	_ =	sdelay $0x1  }
0x8a: {  	s1 =	srdreg.scid  }
0x8b: {  	s0 =	sand.u32 $0x1, s1  }
0x8c: {  	s17 =	sshll.u32 s0, $0xA;
	s2 =	sadd.s32 s3, s2  }
0x8d: {  	s2 =	sadd.s32 s2, s17  }
0x8e: {  	[smem:$0x3FC5] =	sst s2  }
0x8f: {  	_ = 	snop  }
0x90: {  	s2 =	sld [smem:$0x3FD0];
	(tm) =	ssettm $0x1  }
0x91: {  	s18 =	sld [smem:$0x3FFB];
	_ =	sdelay $0x3  }
0x92: {  	_ =	strace s18  }
0x93: {  	s3 =	sld [smem:$0x3FFC];
	_ =	sdelay $0x3  }
0x94: {  	_ =	strace s3  }
0x95: {  	s3 =	sld [smem:$0x3FFD];
	_ =	sdelay $0x3  }
0x96: {  	_ =	strace s3  }
0x97: {  	_ =	strace $0x8FFFFFFF  }
0x98: {  	s19 =	sld [smem:$0x3FDB];
	_ =	sdelay $0x1  }
0x99: {  	s4 =	simm.s32 $_scs_section_size  }
0x9a: {  	s5 =	simm.s32 $_size__tile_overlayer_lowered;
	s6 =	simm.s32 $_tile_overlayer_lowered  }
0x9b: {  	s22 =	simm.s32 $0x1BFF;
	s21 =	sshll.u32 s6, $0x1;
	s3 =	sadd.s32 s4, s19  }
0x9c: {  	s7 =	simm.s32 $0x0;
	s20 =	sshll.u32 s5, $0x1;
	s5 =	sadd.s32 s21, s3  }
0x9d: {  	[timem:s7], [sflag:s22] =	dma.local [hbm:s5], s20  }
0x9e: {  	_ =	swait.ge [sflag:s22], s20  }
0x9f: {  	s4 =	ssub.s32 $0x0, s20;
	[sflag:s22] =	ssyncset.done $0x0  }
0xa0: {  	[sflag:s22] =	ssyncadd.s32 s4;
	_ =	sdelay $0x1  }
0xa1: {  	s23 =	simm.s32 $0x1B8B  }
0xa2: {  	_ =	swait.ge [sflag:s23], $0x1  }
0xa3: {  	[sflag:s23] =	ssyncset.done $0x0  }
0xa4: {  	s25 =	simm.s32 $0x1B8E;
	s24 =	sld [smem:$0x3FFE];
	[sflag:s23] =	ssyncadd.s32 $0xFFFFFFFF  }
0xa5: {  	s26 =	simm.s32 $execute0_lowered;
	[smem:$0x3FD2] =	sst s25  }
0xa6: {  	s5 =	sshll.u32 s26, $0x1;
	_ =	strace $0x80000046;
	[dreg:$0x1] =	wrdreg $0xFFFFFFFF  }
0xa7: {  	s28 =	simm.s32 $_size_execute0_lowered;
	s3 =	sadd.s32 s3, s5;
	[dreg:$0x0] =	wrdreg $0x0  }
0xa8: {  	s5 =	sshll.u32 s28, $0x1;
	[dreg:$0x2] =	wrdreg s3  }
0xa9: {  	[dreg:$0x3] =	wrdreg s5  }
0xaa: {  	[dreg:$0x4] =	wrdreg $0xC0  }
0xab: {  	_ =	task [dreg:s7], $0x5FFFF  }
0xac: {  	[dreg:$0x1] =	wrdreg $0xFFFFFFFF  }
0xad: {  	[dreg:$0x0] =	wrdreg $0x60  }
0xae: {  	[dreg:$0x2] =	wrdreg s24  }
0xaf: {  	[dreg:$0x3] =	wrdreg s2  }
0xb0: {  	[dreg:$0x4] =	wrdreg $0x9  }
0xb1: {  	_ =	task.clear_ibuf [dreg:s7], $0x5FFFF;
	_ =	strace $0x90000046  }
0xb2: {  	s29 =	simm.s32 $0x9;
	_ =	strace $0x80000048  }
0xb3: {  	_ =	swait.ge [sflag:s29], $0x1  }
0xb4: {  	[sflag:s29] =	ssyncadd.s32 $0xFFFFFFFF  }
0xb5: {  	_ =	strace $0x90000048  }
0xb6: {  	_ =	sfence  }
0xb7: {  	s30 =	sld [smem:$0x0];
	_ =	sdelay $0x2  }
0xb8: {  	s31 =	sshll.u32 s1, $0xD;
	s1 =	sshrl.u32 s1, $0x2  }
0xb9: {  	s3 =	sand.u32 $0x4000, s31;
	s1 =	sadd.s32 s1, s30  }
0xba: {  	s0 =	sor.u32 s3, s0;
	s1 =	sshll.u32 s1, $0x11  }
0xbb: {  	s0 =	sor.u32 s1, s0  }
0xbc: {  	s0 =	sadd.s32 $0x8F2B, s0  }
0xbd: {  	[sflag:s0] =	ssyncadd.remote.s32 $0x1  }
0xbe: {  	_ =	sfence.sel $0xFFFF  }
0xbf: {  	[dreg:$0x0] =	wrdreg $0xFFFFFFFF;
	(pc) =	sbr.abs _section_cstart, $3  }
0xc0: {  	[dreg:$0x1] =	wrdreg $0xFFFFFFFF  }
0xc1: {  	_ =	task.clear_ibuf [dreg:s7], $0x2FFFF;
	_ =	strace $0x9FFFFFFF  }
0xc2: {  	(tm) =	ssettm $0x7FFFFFFF  }
0xc3: {  	_ =	shalt  }
tec
execute0_lowered:
.L_overlay_start_1:
0x0: {  	(tag) =	ssettag $0x1  }
0x1: {  	s0 =	rddreg [dreg:$0x0];
	s1 =	srdreg.scid  }
0x2: {  	s4 =	stileid.u32;
	s2 =	rddreg [dreg:$0x1]  }
0x3: {  	s5 =	simm.s32 $0x0;
	s14 =	simm.s32 $0x5;
	s23 =	simm.s32 $0x80  }
0x4: {  	s13 =	simm.s32 $0x480;
	s15 =	simm.s32 $0x500;
	s17 =	simm.s32 $0x2  }
0x5: {  	s18 =	simm.s32 $0xC780;
	s20 =	simm.s32 $0xC800;
	s21 =	simm.s32 $0xC880  }
0x6: {  	s22 =	simm.s32 $0xC900;
	s1 =	sand.u32 $0x1, s1;
	s3 =	sshll.u32 s4, $0x1  }
0x7: {  	[smem:$0x7FF] =	sst s5;
	s4 =	sshrl.u32 s4, $0x3;
	s10 =	sadd.s32 $0x9C00, s0  }
0x8: {  	v0 =	vimm.f32 $3.830000000e+02;
	s11 =	sadd.s32 $0xC00, s0;
	_ =	strace $0x80000047;
	s8 =	smul.u32 $0xFFFFFE80, s4  }
0x9: {  	s12 =	sadd.s32 $0x12C00, s0;
	s3 =	sor.u32 s1, s3;
	s30 =	smul.u32 $0x24000, s4;
	(erf) = vrcp.f32 v0  }
0xa: {  	s9 =	sadd.s32 $0x17400, s0;
	s1 =	ssub.s32 $0x2, s1;
	s26 =	smul.u32 $0x18, s3  }
0xb: {  	[dreg:$0x3] =	wrdreg s10;
	s7 =	smul.u32 $0x2400, s3;
	s28 =	sshrl.u32 s1, $0x1  }
0xc: {  	[dreg:$0x4] =	wrdreg s11;
	s0 =	ssub.s32 s1, s28;
	s5 =	sadd.s32 s8, s26  }
0xd: {  	s31 =	sshrl.u32 s7, $0x3;
	s0 =	smax.u32 s0, $0x1;
	s26 =	simm.s32 $0x0  }
0xe: {  	s29 =	smul.u32 $0x180, s5;
	s6 =	sadd.s32 s10, s31;
	s4 =	sadd.s32 s11, s31  }
0xf: {  	[dreg:$0x8] =	wrdreg s0;
	s10 =	simm.s32 $0x1;
	s11 =	simm.s32 $0x380;
	v0 =	vmov s5  }
0x10: {  	s8 =	smov.u32 s5;
	[dreg:$0x5] =	wrdreg s6;
	v1 =	vcvt.s32.f32 v0;
	s3 =	sshrl.u32 s29, $0x3  }
0x11: {  	v3 =	vlaneseq.u32;
	[dreg:$0x6] =	wrdreg s4;
	s6 =	smov.u32 s12;
	s3 =	sadd.s32 s12, s3  }
0x12: {  	v4 =	vimm.s32 $0x0;
	v0 =	vmov s30;
	s12 =	simm.s32 $0x400;
	v1 =	vbroadcast v1, $0x0;
	[dreg:$0x7] =	wrdreg s3;
	s3 =	simm.s32 $0x0;
	v2 =	vpop (erf)  }
.LBB2_1:
0x13: {  	[dreg:$0x9] =	wrdreg s3  }
0x14: {  	s0 =	simm.s32 $0x0;
	s1 =	rddreg [dreg:$0x5]  }
0x15: {  	[tilespmem:s0], [sflag:$0x5] =	stream.linear.gather [hbm4b:s1+s0], $0x80, $0x38;
	[tilespmem:$0x1E980] =	vst v63  }
0x16: {  	_ =	swait.ge [sflag:s14], $0x80  }
0x17: {  	[sflag:s14] =	ssyncset.done $0x0  }
0x18: {  	s29 =	rddreg [dreg:$0x6];
	[sflag:s14] =	ssyncadd.s32 $0xFFFFFF80  }
0x19: {  	[tilespmem:s23], [sflag:$0x5] =	stream.linear.gather [hbm4b:s29+s0], $0x80, $0x38;
	[tilespmem:$0x1E980] =	vst v63  }
0x1a: {  	_ =	swait.ge [sflag:s14], $0x80  }
0x1b: {  	[sflag:s14] =	ssyncset.done $0x0  }
0x1c: {  	s5 =	simm.s32 $0x100;
	s30 =	rddreg [dreg:$0x7];
	[sflag:s14] =	ssyncadd.s32 $0xFFFFFF80  }
0x1d: {  	[tilespmem:s5], [sflag:$0x5] =	stream.linear.gather [hbm4b:s30+s0], $0x80, $0x38;
	[tilespmem:$0x1E980] =	vst v63  }
0x1e: {  	_ =	swait.ge [sflag:s14], $0x80  }
0x1f: {  	[sflag:s14] =	ssyncset.done $0x0  }
0x20: {  	[sflag:s14] =	ssyncadd.s32 $0xFFFFFF80  }
0x21: {  	v5 =	vld [tilespmem:s23+$0x0];
	_ =	sdelay $0x1  }
0x22: {  	v6 =	vld [tilespmem:s0+$0x0];
	_ =	sdelay $0x1  }
0x23: {  	v7 =	vor.u32 s0, v3  }
0x24: {  	v7 =	vcvt.s32.f32 v7;
	v5 =	vadd.f32 v5, v1;
	_ =	sdelay $0x1  }
0x25: {  	v6 =	vadd.f32 v7, v6;
	v5 =	vadd.f32 v5, v5;
	_ =	sdelay $0x1  }
0x26: {  	v6 =	vadd.f32 v6, v6;
	v5 =	vmul.f32 v5, v2;
	_ =	sdelay $0x1  }
0x27: {  	v6 =	vmul.f32 v6, v2;
	v5 =	vadd.f32 $-1.000000000e+00, v5;
	_ =	sdelay $0x1  }
0x28: {  	v6 =	vadd.f32 $-1.000000000e+00, v6;
	v5 =	vadd.f32 $1.000000000e+00, v5;
	_ =	sdelay $0x1  }
0x29: {  	v6 =	vadd.f32 $1.000000000e+00, v6;
	v5 =	vmul.f32 $5.000000000e-01, v5;
	_ =	sdelay $0x1  }
0x2a: {  	v6 =	vmul.f32 $5.000000000e-01, v6;
	v8 =	vmul.f32 $3.840000000e+02, v5;
	_ =	sdelay $0x1  }
0x2b: {  	v5 =	vmul.f32 $3.840000000e+02, v6;
	v6 =	vtrunc.f32 v8  }
0x2c: {  	v7 =	vcvt.f32.s32 v6;
	vm0 =	vlt.f32 v8, v6  }
0x2d: {  	v6 =	vtrunc.f32 v5;
	v9 =	vsel vm0, $0xFFFFFFFF, v4  }
0x2e: {  	v10 =	vcvt.f32.s32 v6;
	vm12 =	vlt.f32 v5, v6;
	v6 =	vadd.s32 v7, v9  }
0x2f: {  	v7 =	vsel vm12, $0xFFFFFFFF, v4;
	vm13 =	vgt.s32 v6, $0x0;
	v9 =	vadd.s32 $0x1, v6  }
0x30: {  	v7 =	vadd.s32 v10, v7;
	v6 =	vnsel vm13, $0x0, v6;
	vm14 =	vgt.s32 v9, $0x0  }
0x31: {  	v10 =	vadd.s32 $0x1, v7;
	vm1 =	vgt.s32 v7, $0x0;
	v6 =	vmin.u32 v6, $0x17F  }
0x32: {  	v9 =	vnsel vm14, $0x0, v9;
	vm15 =	vgt.s32 v10, $0x0;
	v11 =	vmul.u32 $0x180, v6  }
0x33: {  	v7 =	vnsel vm1, $0x0, v7;
	v9 =	vmin.u32 v9, $0x17F;
	v10 =	vnsel vm15, $0x0, v10  }
0x34: {  	v12 =	vmul.u32 $0x180, v9;
	v10 =	vmin.u32 v10, $0x17F;
	v11 =	vadd.s32 v0, v11  }
0x35: {  	s31 =	simm.s32 $0x280;
	v7 =	vmin.u32 v7, $0x17F;
	v13 =	vadd.s32 v10, v11  }
0x36: {  	v12 =	vadd.s32 v0, v12;
	v11 =	vadd.s32 v7, v11;
	[tilespmem:s31+$0x0] =	vst v13  }
0x37: {  	v14 =	vadd.s32 v7, v12;
	[tilespmem:s31+$0xFFFFFF00] =	vst v11  }
0x38: {  	v63 =	vcvt.s32.f32 v7;
	v7 =	vcvt.s32.f32 v10;
	v10 =	vadd.s32 v10, v12;
	[tilespmem:s31+$0xFFFFFF80] =	vst v14  }
0x39: {  	s3 =	simm.s32 $0x10;
	v9 =	vcvt.s32.f32 v9;
	v11 =	vcvt.s32.f32 v6;
	[tilespmem:s31+$0x80] =	vst v10  }
0x3a: {  	s4 =	simm.s32 $0x290;
	s16 =	simm.s32 $0x100;
	s19 =	simm.s32 $0x480;
	v6 =	vsub.f32 v5, v63;
	v7 =	vsub.f32 v7, v5;
	v5 =	vld [tilespmem:s5+$0x0]  }
0x3b: {  	s24 =	simm.s32 $0x80;
	s1 =	simm.s32 $0x480;
	s0 =	simm.s32 $0x10;
	v9 =	vsub.f32 v9, v8;
	v8 =	vsub.f32 v8, v11  }
.LBB2_2:
0x3c: {  	s16 =	sadd.s32 $0x10, s16;
	s19 =	sadd.s32 $0x10, s19;
	s24 =	sadd.s32 $0x10, s24  }
0x3d: {  	p0 =	sne.s32 s0, $0x70;
	s5 =	smov.u32 s0;
	s0 =	sadd.s32 $0x10, s0;
	v10 =	vmul.f32 v9, v7;
	v7 =	vmul.f32 v8, v7  }
0x3e: {  	v9 =	vmul.f32 v9, v6;
	v6 =	vmul.f32 v8, v6  }
0x3f: {  	v8 =	vmul.f32 v10, v5;
	v7 =	vmul.f32 v7, v5  }
0x40: {  	v9 =	vmul.f32 v9, v5;
	v5 =	vmul.f32 v6, v5  }
0x41: {  	[tilespmem:s1+$0xFFFFFF00] =	vst v8  }
0x42: {  	[tilespmem:s1+$0x0] =	vst v9  }
0x43: {  	[tilespmem:s1+$0x80] =	vst v5  }
0x44: {  	[tilespmem:s1+$0xFFFFFF80] =	vst v7;
	s1 =	smov.u32 s19  }
0x45: {  	v5 =	vld [tilespmem:s24+$0x0];
	_ =	sdelay $0x1  }
0x46: {  	v6 =	vld [tilespmem:s3+$0x0];
	_ =	sdelay $0x1  }
0x47: {  	v7 =	vor.u32 s5, v3  }
0x48: {  	v7 =	vcvt.s32.f32 v7;
	v5 =	vadd.f32 v5, v1;
	_ =	sdelay $0x1  }
0x49: {  	v6 =	vadd.f32 v7, v6;
	v5 =	vadd.f32 v5, v5;
	_ =	sdelay $0x1  }
0x4a: {  	v6 =	vadd.f32 v6, v6;
	v5 =	vmul.f32 v5, v2;
	_ =	sdelay $0x1  }
0x4b: {  	v6 =	vmul.f32 v6, v2;
	v5 =	vadd.f32 $-1.000000000e+00, v5;
	_ =	sdelay $0x1  }
0x4c: {  	v6 =	vadd.f32 $-1.000000000e+00, v6;
	v5 =	vadd.f32 $1.000000000e+00, v5;
	_ =	sdelay $0x1  }
0x4d: {  	v6 =	vadd.f32 $1.000000000e+00, v6;
	v5 =	vmul.f32 $5.000000000e-01, v5;
	_ =	sdelay $0x1  }
0x4e: {  	v6 =	vmul.f32 $5.000000000e-01, v6;
	v8 =	vmul.f32 $3.840000000e+02, v5;
	_ =	sdelay $0x1  }
0x4f: {  	v5 =	vmul.f32 $3.840000000e+02, v6;
	v6 =	vtrunc.f32 v8  }
0x50: {  	v7 =	vcvt.f32.s32 v6;
	vm0 =	vlt.f32 v8, v6  }
0x51: {  	v6 =	vtrunc.f32 v5;
	v9 =	vsel vm0, $0xFFFFFFFF, v4  }
0x52: {  	v10 =	vcvt.f32.s32 v6;
	vm0 =	vlt.f32 v5, v6;
	v6 =	vadd.s32 v7, v9  }
0x53: {  	v7 =	vsel vm0, $0xFFFFFFFF, v4;
	vm0 =	vgt.s32 v6, $0x0;
	v9 =	vadd.s32 $0x1, v6  }
0x54: {  	v7 =	vadd.s32 v10, v7;
	v6 =	vnsel vm0, $0x0, v6;
	vm0 =	vgt.s32 v9, $0x0  }
0x55: {  	v10 =	vadd.s32 $0x1, v7;
	v6 =	vmin.u32 v6, $0x17F;
	v9 =	vnsel vm0, $0x0, v9  }
0x56: {  	vm0 =	vgt.s32 v10, $0x0;
	v9 =	vmin.u32 v9, $0x17F;
	v11 =	vmul.u32 $0x180, v6  }
0x57: {  	vm1 =	vgt.s32 v7, $0x0;
	v10 =	vnsel vm0, $0x0, v10;
	v12 =	vmul.u32 $0x180, v9  }
0x58: {  	v7 =	vnsel vm1, $0x0, v7;
	v10 =	vmin.u32 v10, $0x17F;
	v11 =	vadd.s32 v0, v11  }
0x59: {  	v7 =	vmin.u32 v7, $0x17F;
	v12 =	vadd.s32 v0, v12;
	v13 =	vadd.s32 v10, v11  }
0x5a: {  	v11 =	vadd.s32 v7, v11;
	v14 =	vadd.s32 v7, v12;
	[tilespmem:s4+$0x0] =	vst v13;
	v12 =	vadd.s32 v10, v12  }
.Ltmp0:
0x5b: {  	v13 =	vcvt.s32.f32 v7;
	v7 =	vcvt.s32.f32 v10;
	[tilespmem:s4+$0xFFFFFF80] =	vst v14;
	(pc) =	sbr.rel @p0 .LBB2_2-.Ltmp0, $4  }
0x5c: {  	v9 =	vcvt.s32.f32 v9;
	v10 =	vcvt.s32.f32 v6;
	[tilespmem:s4+$0xFFFFFF00] =	vst v11  }
0x5d: {  	v7 =	vsub.f32 v7, v5;
	v6 =	vsub.f32 v5, v13;
	[tilespmem:s4+$0x80] =	vst v12  }
0x5e: {  	v5 =	vld [tilespmem:s16+$0x0]  }
0x5f: {  	s3 =	sadd.s32 $0x10, s3;
	v9 =	vsub.f32 v9, v8;
	v8 =	vsub.f32 v8, v10;
	s4 =	sadd.s32 $0x10, s4  }
0x60: {  	_ = 	snop  }
0x61: {  	v10 =	vmul.f32 v9, v7  }
0x62: {  	v62 =	vmul.f32 v9, v6  }
0x63: {  	v6 =	vmul.f32 v8, v6;
	v10 =	vmul.f32 v10, v5  }
0x64: {  	v7 =	vmul.f32 v8, v7;
	v63 =	vmul.f32 v62, v5  }
0x65: {  	v6 =	vmul.f32 v6, v5;
	[tilespmem:s1+$0xFFFFFF00] =	vst v10  }
0x66: {  	v5 =	vmul.f32 v7, v5;
	[tilespmem:s1+$0x0] =	vst v63  }
0x67: {  	s25 =	simm.s32 $0x80;
	[tilespmem:s1+$0x80] =	vst v6  }
0x68: {  	s0 =	simm.s32 $0x180;
	s24 =	simm.s32 $0x580;
	s3 =	simm.s32 $0x200;
	[tilespmem:s1+$0xFFFFFF80] =	vst v5  }
0x69: {  	[tilespmem:s24], [sflag:$0x1] =	stream.indirect.gather [hbm4b:s2+s25], $0x60, s0, s25, $0xb8;
	[tilespmem:$0x1E980] =	vst v63  }
0x6a: {  	s4 =	simm.s32 $0x3580;
	s5 =	simm.s32 $0x280;
	s16 =	simm.s32 $0x6580  }
0x6b: {  	[tilespmem:s4], [sflag:$0x1] =	stream.indirect.gather [hbm4b:s2+s25], $0x60, s3, s25, $0xb8;
	[tilespmem:$0x1E980] =	vst v63  }
0x6c: {  	s19 =	simm.s32 $0x300;
	s28 =	simm.s32 $0x5556;
	s29 =	simm.s32 $0x100  }
0x6d: {  	[tilespmem:s16], [sflag:$0x1] =	stream.indirect.gather [hbm4b:s2+s25], $0x60, s5, s25, $0xb8;
	[tilespmem:$0x1E980] =	vst v63  }
0x6e: {  	s30 =	simm.s32 $0xAAAC;
	s31 =	simm.s32 $0x0;
	s24 =	simm.s32 $0x9580  }
0x6f: {  	[tilespmem:s24], [sflag:$0x1] =	stream.indirect.gather [hbm4b:s2+s25], $0x60, s19, s25, $0xb8;
	[tilespmem:$0x1E980] =	vst v63  }
.LBB2_4:
0x70: {  	s0 =	sshllo.u32 s31, $0x1  }
0x71: {  	s1 =	sshll.u32 s0, $0x7;
	s3 =	smul.u32 $0x5556, s0  }
0x72: {  	s1 =	sadd.s32 s7, s1  }
0x73: {  	s16 =	rddreg [dreg:$0x3];
	s3 =	sshrl.u32 s3, $0x10;
	s4 =	sshrl.u32 s1, $0x3  }
0x74: {  	s5 =	smul.u32 $0x1FFFFFD, s3;
	s16 =	sadd.s32 s16, s4;
	s3 =	sadd.s32 s8, s3  }
0x75: {  	[tilespmem:s26], [sflag:$0x5] =	stream.linear.gather [hbm4b:s16+s26], $0x80, $0x38;
	[tilespmem:$0x1E980] =	vst v63  }
0x76: {  	s24 =	smul.u32 $0x180, s3;
	_ =	swait.ge [sflag:s14], $0x80  }
0x77: {  	s0 =	sadd.s32 s0, s5;
	[sflag:s14] =	ssyncset.done $0x0;
	s19 =	rddreg [dreg:$0x4]  }
0x78: {  	s0 =	sshll.u32 s0, $0x7;
	[sflag:s14] =	ssyncadd.s32 $0xFFFFFF80;
	s4 =	sadd.s32 s19, s4  }
0x79: {  	[tilespmem:s23], [sflag:$0x5] =	stream.linear.gather [hbm4b:s4+s26], $0x80, $0x38;
	[tilespmem:$0x1E980] =	vst v63  }
0x7a: {  	s0 =	sadd.s32 s24, s0;
	_ =	swait.ge [sflag:s14], $0x80  }
0x7b: {  	s0 =	sshrl.u32 s0, $0x3;
	[sflag:s14] =	ssyncset.done $0x0  }
0x7c: {  	s24 =	simm.s32 $0x100;
	s0 =	sadd.s32 s6, s0;
	[sflag:s14] =	ssyncadd.s32 $0xFFFFFF80  }
0x7d: {  	[tilespmem:s24], [sflag:$0x5] =	stream.linear.gather [hbm4b:s0+s26], $0x80, $0x38;
	[tilespmem:$0x1E980] =	vst v63  }
0x7e: {  	_ =	swait.ge [sflag:s14], $0x80  }
0x7f: {  	[sflag:s14] =	ssyncset.done $0x0  }
0x80: {  	s5 =	sshrl.u32 s28, $0x10;
	s24 =	simm.s32 $0x0;
	[sflag:s14] =	ssyncadd.s32 $0xFFFFFF80  }
0x81: {  	v5 =	vmov s3;
	s0 =	smul.u32 $0x180, s5;
	v6 =	vld [tilespmem:s24+$0x80]  }
0x82: {  	v5 =	vcvt.s32.f32 v5;
	v7 =	vld [tilespmem:s24+$0x0]  }
0x83: {  	s0 =	ssub.s32 s25, s0  }
0x84: {  	v5 =	vbroadcast v5, $0x0;
	v8 =	vor.u32 s0, v3  }
0x85: {  	v8 =	vcvt.s32.f32 v8  }
0x86: {  	v6 =	vadd.f32 v6, v5  }
0x87: {  	v7 =	vadd.f32 v8, v7  }
0x88: {  	v6 =	vadd.f32 v6, v6  }
0x89: {  	v7 =	vadd.f32 v7, v7  }
0x8a: {  	v6 =	vmul.f32 v6, v2  }
0x8b: {  	v7 =	vmul.f32 v7, v2  }
0x8c: {  	v6 =	vadd.f32 $-1.000000000e+00, v6  }
0x8d: {  	v7 =	vadd.f32 $-1.000000000e+00, v7  }
0x8e: {  	v6 =	vadd.f32 $1.000000000e+00, v6  }
0x8f: {  	v7 =	vadd.f32 $1.000000000e+00, v7  }
0x90: {  	v6 =	vmul.f32 $5.000000000e-01, v6  }
0x91: {  	v7 =	vmul.f32 $5.000000000e-01, v7  }
0x92: {  	v6 =	vmul.f32 $3.840000000e+02, v6  }
0x93: {  	v7 =	vmul.f32 $3.840000000e+02, v7  }
0x94: {  	v8 =	vtrunc.f32 v6  }
0x95: {  	s19 =	simm.s32 $0x10;
	v9 =	vtrunc.f32 v7;
	v10 =	vcvt.f32.s32 v8;
	vm0 =	vlt.f32 v6, v8  }
0x96: {  	s3 =	sadd.s32 $0x10, s0;
	v8 =	vld [tilespmem:s19+$0x80];
	v11 =	vcvt.f32.s32 v9;
	vm1 =	vlt.f32 v7, v9;
	v9 =	vsel vm0, $0xFFFFFFFF, v4  }
0x97: {  	v13 =	vor.u32 s3, v3;
	v12 =	vsel vm1, $0xFFFFFFFF, v4;
	v9 =	vadd.s32 v10, v9  }
0x98: {  	v13 =	vcvt.s32.f32 v13;
	v10 =	vld [tilespmem:s19+$0x0];
	v11 =	vadd.s32 v11, v12;
	v12 =	vadd.s32 $0x1, v9  }
0x99: {  	vm0 =	vgt.s32 v9, $0x0;
	vm2 =	vgt.s32 v11, $0x0;
	vm1 =	vgt.s32 v12, $0x0  }
0x9a: {  	v14 =	vnsel vm2, $0x0, v11;
	v11 =	vadd.s32 $0x1, v11;
	v9 =	vnsel vm0, $0x0, v9  }
0x9b: {  	v12 =	vnsel vm1, $0x0, v12;
	v8 =	vadd.f32 v8, v5;
	v14 =	vmin.u32 v14, $0x17F  }
0x9c: {  	vm1 =	vgt.s32 v11, $0x0;
	v9 =	vmin.u32 v9, $0x17F;
	v12 =	vmin.u32 v12, $0x17F  }
0x9d: {  	v16 =	vcvt.s32.f32 v14;
	v11 =	vnsel vm1, $0x0, v11;
	v10 =	vadd.f32 v13, v10  }
0x9e: {  	v19 =	vcvt.s32.f32 v9;
	v9 =	vmul.u32 $0x180, v9;
	v8 =	vadd.f32 v8, v8  }
0x9f: {  	v15 =	vcvt.s32.f32 v12;
	v11 =	vmin.u32 v11, $0x17F;
	v10 =	vadd.f32 v10, v10  }
0xa0: {  	v12 =	vmul.u32 $0x180, v12;
	v16 =	vsub.f32 v7, v16;
	v8 =	vmul.f32 v8, v2  }
0xa1: {  	v18 =	vcvt.s32.f32 v11;
	v15 =	vsub.f32 v15, v6;
	v10 =	vmul.f32 v10, v2  }
0xa2: {  	v13 =	vld [tilespmem:s24+$0x100];
	v9 =	vadd.s32 v0, v9;
	v6 =	vsub.f32 v6, v19;
	v8 =	vadd.f32 $-1.000000000e+00, v8  }
0xa3: {  	v12 =	vadd.s32 v0, v12;
	v7 =	vsub.f32 v18, v7;
	v10 =	vadd.f32 $-1.000000000e+00, v10  }
0xa4: {  	v63 =	vadd.s32 v14, v12;
	v17 =	vmul.f32 v15, v16;
	v8 =	vadd.f32 $1.000000000e+00, v8  }
0xa5: {  	v16 =	vmul.f32 v6, v16;
	v15 =	vmul.f32 v15, v7;
	v10 =	vadd.f32 $1.000000000e+00, v10  }
0xa6: {  	v12 =	vadd.s32 v11, v12;
	[tilespmem:s24+$0xC600] =	vst v63;
	v7 =	vmul.f32 v6, v7;
	v8 =	vmul.f32 $5.000000000e-01, v8  }
0xa7: {  	v14 =	vadd.s32 v14, v9;
	[tilespmem:s24+$0xC700] =	vst v12;
	v17 =	vmul.f32 v17, v13;
	v10 =	vmul.f32 $5.000000000e-01, v10  }
0xa8: {  	[tilespmem:s24+$0xC580] =	vst v14;
	v12 =	vmul.f32 v15, v13;
	v6 =	vmul.f32 $3.840000000e+02, v8  }
0xa9: {  	s16 =	sshrl.u32 s30, $0x10;
	[tilespmem:s24+$0xC880] =	vst v17;
	v8 =	vmul.f32 v7, v13;
	v7 =	vmul.f32 $3.840000000e+02, v10  }
0xaa: {  	s0 =	smul.u32 $0x180, s16;
	v9 =	vadd.s32 v11, v9;
	[tilespmem:s24+$0xC780] =	vst v12;
	v13 =	vmul.f32 v16, v13;
	v11 =	vtrunc.f32 v6  }
0xab: {  	s4 =	simm.s32 $0x20;
	[tilespmem:s24+$0xC800] =	vst v8;
	v10 =	vcvt.f32.s32 v11;
	vm1 =	vlt.f32 v6, v11;
	v12 =	vtrunc.f32 v7  }
0xac: {  	s5 =	simm.s32 $0xC0;
	s16 =	sshll.u32 s31, $0x1;
	s0 =	ssub.s32 s29, s0;
	v8 =	vld [tilespmem:s4+$0x80];
	[tilespmem:s24+$0xC900] =	vst v13;
	v11 =	vcvt.f32.s32 v12;
	vm0 =	vlt.f32 v7, v12;
	v12 =	vsel vm1, $0xFFFFFFFF, v4  }
.LBB2_5:
0xad: {  	p0 =	sne.s32 s5, $0x1C0;
	v13 =	vsel vm0, $0xFFFFFFFF, v4;
	v10 =	vadd.s32 v10, v12;
	[tilespmem:s24+$0xC680] =	vst v9;
	s24 =	smov.u32 s19;
	s19 =	smov.u32 s4  }
0xae: {  	s3 =	sadd.s32 $0x10, s3;
	v9 =	vld [tilespmem:s19+$0x0];
	v11 =	vadd.s32 v11, v13;
	vm0 =	vgt.s32 v10, $0x0;
	v12 =	vadd.s32 $0x1, v10  }
0xaf: {  	v13 =	vor.u32 s3, v3;
	vm1 =	vgt.s32 v11, $0x0;
	vm2 =	vgt.s32 v12, $0x0  }
0xb0: {  	v13 =	vcvt.s32.f32 v13;
	v14 =	vnsel vm1, $0x0, v11;
	v12 =	vnsel vm2, $0x0, v12  }
0xb1: {  	v8 =	vadd.f32 v8, v5;
	v14 =	vmin.u32 v14, $0x17F;
	v12 =	vmin.u32 v12, $0x17F  }
0xb2: {  	v11 =	vadd.s32 $0x1, v11;
	v15 =	vcvt.s32.f32 v14;
	v16 =	vcvt.s32.f32 v12  }
0xb3: {  	vm1 =	vgt.s32 v11, $0x0;
	v9 =	vadd.f32 v13, v9;
	v8 =	vadd.f32 v8, v8;
	v13 =	vld [tilespmem:s24+$0x100]  }
0xb4: {  	v11 =	vnsel vm1, $0x0, v11;
	v16 =	vsub.f32 v16, v6;
	v15 =	vsub.f32 v7, v15  }
0xb5: {  	v10 =	vnsel vm0, $0x0, v10;
	v11 =	vmin.u32 v11, $0x17F;
	v9 =	vadd.f32 v9, v9  }
0xb6: {  	v10 =	vmin.u32 v10, $0x17F;
	v8 =	vmul.f32 v8, v2;
	v17 =	vmul.f32 v16, v15  }
0xb7: {  	v12 =	vmul.u32 $0x180, v12;
	v18 =	vcvt.s32.f32 v11;
	v9 =	vmul.f32 v9, v2  }
0xb8: {  	v19 =	vcvt.s32.f32 v10;
	v8 =	vadd.f32 $-1.000000000e+00, v8;
	v17 =	vmul.f32 v17, v13  }
0xb9: {  	v10 =	vmul.u32 $0x180, v10;
	v7 =	vsub.f32 v18, v7;
	v9 =	vadd.f32 $-1.000000000e+00, v9  }
0xba: {  	v12 =	vadd.s32 v0, v12;
	v6 =	vsub.f32 v6, v19;
	v8 =	vadd.f32 $1.000000000e+00, v8;
	[tilespmem:s24+$0xC880] =	vst v17  }
0xbb: {  	v10 =	vadd.s32 v0, v10;
	v16 =	vmul.f32 v16, v7;
	v9 =	vadd.f32 $1.000000000e+00, v9  }
0xbc: {  	v18 =	vmul.f32 v6, v7;
	v17 =	vadd.s32 v14, v12;
	v8 =	vmul.f32 $5.000000000e-01, v8  }
0xbd: {  	v7 =	vmul.f32 $5.000000000e-01, v9;
	[tilespmem:s24+$0xC600] =	vst v17;
	v9 =	vadd.s32 v11, v12;
	v12 =	vmul.f32 v6, v15  }
.Ltmp1:
0xbe: {  	v6 =	vmul.f32 $3.840000000e+02, v8;
	v8 =	vadd.s32 v14, v10;
	v14 =	vmul.f32 v16, v13;
	[tilespmem:s24+$0xC700] =	vst v9;
	(pc) =	sbr.rel @p0 .LBB2_5-.Ltmp1, $4  }
0xbf: {  	v9 =	vadd.s32 v11, v10;
	v7 =	vmul.f32 $3.840000000e+02, v7;
	[tilespmem:s24+$0xC580] =	vst v8;
	v8 =	vmul.f32 v18, v13  }
0xc0: {  	v11 =	vtrunc.f32 v6;
	v13 =	vmul.f32 v12, v13;
	[tilespmem:s24+$0xC780] =	vst v14  }
0xc1: {  	s4 =	sshra.s32 s5, $0x2;
	v10 =	vcvt.f32.s32 v11;
	vm1 =	vlt.f32 v6, v11;
	v12 =	vtrunc.f32 v7;
	[tilespmem:s24+$0xC800] =	vst v8  }
0xc2: {  	s5 =	sadd.s32 $0x40, s5;
	v8 =	vld [tilespmem:s4+$0x80];
	v11 =	vcvt.f32.s32 v12;
	vm0 =	vlt.f32 v7, v12;
	v12 =	vsel vm1, $0xFFFFFFFF, v4;
	[tilespmem:s24+$0xC900] =	vst v13  }
0xc3: {  	[tilespmem:s24+$0xC680] =	vst v9  }
0xc4: {  	v9 =	vsel vm0, $0xFFFFFFFF, v4;
	v10 =	vadd.s32 v10, v12;
	v13 =	vld [tilespmem:s4+$0x0]  }
0xc5: {  	s3 =	sadd.s32 $0x10, s3;
	v9 =	vadd.s32 v11, v9;
	vm8 =	vgt.s32 v10, $0x0  }
0xc6: {  	v11 =	vadd.s32 $0x1, v10;
	v12 =	vor.u32 s3, v3;
	vm1 =	vgt.s32 v9, $0x0  }
0xc7: {  	vm2 =	vgt.s32 v11, $0x0;
	v12 =	vcvt.s32.f32 v12;
	v10 =	vnsel vm8, $0x0, v10  }
0xc8: {  	v14 =	vnsel vm1, $0x0, v9;
	v11 =	vnsel vm2, $0x0, v11;
	v5 =	vadd.f32 v8, v5  }
0xc9: {  	v9 =	vadd.s32 $0x1, v9;
	v10 =	vmin.u32 v10, $0x17F;
	v12 =	vadd.f32 v12, v13  }
0xca: {  	v8 =	vmin.u32 v14, $0x17F;
	v11 =	vmin.u32 v11, $0x17F;
	v5 =	vadd.f32 v5, v5  }
0xcb: {  	vm9 =	vgt.s32 v9, $0x0;
	v18 =	vcvt.s32.f32 v10;
	v12 =	vadd.f32 v12, v12  }
0xcc: {  	v10 =	vmul.u32 $0x180, v10;
	v14 =	vcvt.s32.f32 v8;
	v5 =	vmul.f32 v5, v2  }
0xcd: {  	v9 =	vnsel vm9, $0x0, v9;
	v13 =	vcvt.s32.f32 v11;
	v12 =	vmul.f32 v12, v2  }
0xce: {  	v9 =	vmin.u32 v9, $0x17F;
	v11 =	vmul.u32 $0x180, v11;
	v5 =	vadd.f32 $-1.000000000e+00, v5  }
0xcf: {  	v14 =	vsub.f32 v7, v14;
	v17 =	vcvt.s32.f32 v9;
	v12 =	vadd.f32 $-1.000000000e+00, v12  }
0xd0: {  	v15 =	vld [tilespmem:s19+$0x100];
	v10 =	vadd.s32 v0, v10;
	v13 =	vsub.f32 v13, v6;
	v5 =	vadd.f32 $1.000000000e+00, v5  }
0xd1: {  	v11 =	vadd.s32 v0, v11;
	v7 =	vsub.f32 v17, v7;
	v12 =	vadd.f32 $1.000000000e+00, v12  }
0xd2: {  	v6 =	vsub.f32 v6, v18;
	v16 =	vmul.f32 v13, v14;
	v5 =	vmul.f32 $5.000000000e-01, v5  }
0xd3: {  	v17 =	vadd.s32 v8, v11;
	v13 =	vmul.f32 v13, v7;
	v12 =	vmul.f32 $5.000000000e-01, v12  }
0xd4: {  	v11 =	vadd.s32 v9, v11;
	v7 =	vmul.f32 v6, v7;
	v5 =	vmul.f32 $3.840000000e+02, v5  }
0xd5: {  	v8 =	vadd.s32 v8, v10;
	v16 =	vmul.f32 v16, v15;
	v12 =	vmul.f32 $3.840000000e+02, v12  }
0xd6: {  	v9 =	vadd.s32 v9, v10;
	v6 =	vmul.f32 v6, v14;
	v14 =	vtrunc.f32 v5  }
0xd7: {  	[tilespmem:s19+$0xC880] =	vst v16;
	v18 =	vcvt.f32.s32 v14;
	vm10 =	vlt.f32 v5, v14;
	v16 =	vtrunc.f32 v12  }
0xd8: {  	[tilespmem:s19+$0xC600] =	vst v17;
	v14 =	vcvt.f32.s32 v16;
	vm11 =	vlt.f32 v12, v16;
	v16 =	vsel vm10, $0xFFFFFFFF, v4  }
0xd9: {  	[tilespmem:s19+$0xC700] =	vst v11;
	v11 =	vmul.f32 v13, v15;
	v13 =	vsel vm11, $0xFFFFFFFF, v4;
	v16 =	vadd.s32 v18, v16  }
0xda: {  	[tilespmem:s19+$0xC580] =	vst v8;
	v7 =	vmul.f32 v7, v15;
	v8 =	vadd.s32 v14, v13;
	v13 =	vadd.s32 $0x1, v16  }
0xdb: {  	v6 =	vmul.f32 v6, v15;
	[tilespmem:s19+$0xC780] =	vst v11;
	vm12 =	vgt.s32 v8, $0x0;
	vm13 =	vgt.s32 v13, $0x0  }
0xdc: {  	[tilespmem:s19+$0xC800] =	vst v7;
	vm14 =	vgt.s32 v16, $0x0;
	v7 =	vnsel vm12, $0x0, v8;
	v11 =	vnsel vm13, $0x0, v13  }
0xdd: {  	[tilespmem:s19+$0xC900] =	vst v6;
	v8 =	vadd.s32 $0x1, v8;
	v6 =	vmin.u32 v7, $0x17F;
	v7 =	vmin.u32 v11, $0x17F  }
0xde: {  	[tilespmem:s19+$0xC680] =	vst v9;
	vm15 =	vgt.s32 v8, $0x0;
	v9 =	vcvt.s32.f32 v6;
	v10 =	vcvt.s32.f32 v7  }
0xdf: {  	v13 =	vnsel vm14, $0x0, v16;
	v11 =	vld [tilespmem:s4+$0x100];
	v8 =	vnsel vm15, $0x0, v8  }
0xe0: {  	v8 =	vmin.u32 v8, $0x17F;
	v10 =	vsub.f32 v10, v5;
	v9 =	vsub.f32 v12, v9  }
0xe1: {  	v13 =	vmin.u32 v13, $0x17F;
	v15 =	vcvt.s32.f32 v8  }
0xe2: {  	v16 =	vcvt.s32.f32 v13;
	v14 =	vmul.f32 v10, v9  }
0xe3: {  	v7 =	vmul.u32 $0x180, v7;
	v12 =	vsub.f32 v15, v12  }
0xe4: {  	v5 =	vsub.f32 v5, v16;
	v14 =	vmul.f32 v14, v11  }
0xe5: {  	v13 =	vmul.u32 $0x180, v13;
	v7 =	vadd.s32 v0, v7;
	v10 =	vmul.f32 v10, v12  }
0xe6: {  	v12 =	vmul.f32 v5, v12;
	v5 =	vmul.f32 v5, v9;
	[tilespmem:s4+$0xC880] =	vst v14;
	v14 =	vadd.s32 v6, v7  }
0xe7: {  	v13 =	vadd.s32 v0, v13;
	v7 =	vadd.s32 v8, v7;
	[tilespmem:s4+$0xC600] =	vst v14  }
0xe8: {  	v6 =	vadd.s32 v6, v13;
	v5 =	vmul.f32 v5, v11;
	[tilespmem:s4+$0xC700] =	vst v7  }
0xe9: {  	v7 =	vmul.f32 v10, v11;
	[tilespmem:s4+$0xC580] =	vst v6  }
0xea: {  	v6 =	vmul.f32 v12, v11;
	[tilespmem:s4+$0xC900] =	vst v5  }
0xeb: {  	[tilespmem:s4+$0xC780] =	vst v7  }
0xec: {  	[tilespmem:s4+$0xC800] =	vst v6;
	v6 =	vadd.s32 v8, v13  }
0xed: {  	s24 =	simm.s32 $0xC980;
	s19 =	simm.s32 $0xC580;
	[tilespmem:s4+$0xC680] =	vst v6  }
0xee: {  	[tilespmem:s24], [sflag:$0x2] =	stream.indirect.gather [hbm4b:s2+s23], $0x60, s19, s23, $0xb8;
	[tilespmem:$0x1E980] =	vst v63  }
0xef: {  	s5 =	simm.s32 $0xF980;
	s4 =	simm.s32 $0xC600  }
0xf0: {  	[tilespmem:s5], [sflag:$0x2] =	stream.indirect.gather [hbm4b:s2+s23], $0x60, s4, s23, $0xb8;
	[tilespmem:$0x1E980] =	vst v63  }
0xf1: {  	s19 =	simm.s32 $0xC680;
	s24 =	simm.s32 $0x12980  }
0xf2: {  	[tilespmem:s24], [sflag:$0x2] =	stream.indirect.gather [hbm4b:s2+s23], $0x60, s19, s23, $0xb8;
	[tilespmem:$0x1E980] =	vst v63  }
0xf3: {  	s5 =	simm.s32 $0xC700;
	s19 =	simm.s32 $0x15980  }
0xf4: {  	[tilespmem:s19], [sflag:$0x2] =	stream.indirect.gather [hbm4b:s2+s23], $0x60, s5, s23, $0xb8;
	[tilespmem:$0x1E980] =	vst v63  }
0xf5: {  	_ =	swait.ge [sflag:s10], $0x3000  }
0xf6: {  	[sflag:s10] =	ssyncset.done $0x0  }
0xf7: {  	[sflag:s10] =	ssyncadd.s32 $0xFFFFD000  }
0xf8: {  	_ =	swait.ge [sflag:s10], $0x3000  }
0xf9: {  	[sflag:s10] =	ssyncset.done $0x0  }
0xfa: {  	[sflag:s10] =	ssyncadd.s32 $0xFFFFD000  }
0xfb: {  	_ =	swait.ge [sflag:s10], $0x3000  }
0xfc: {  	[sflag:s10] =	ssyncset.done $0x0  }
0xfd: {  	[sflag:s10] =	ssyncadd.s32 $0xFFFFD000  }
0xfe: {  	_ =	swait.ge [sflag:s10], $0x3000  }
0xff: {  	p0 =	seq.s32 s31, $0x0;
	[sflag:s10] =	ssyncset.done $0x0  }
0x100: {  	s3 =	simm.s32 @!p0 $0x3;
	[sflag:s10] =	ssyncadd.s32 $0xFFFFD000  }
0x101: {  	_ =	swait.ge @!p0 [sflag:s3], $0x3000  }
0x102: {  	[sflag:s3] =	ssyncset.done @!p0 $0x0  }
0x103: {  	s19 =	simm.s32 $0x0;
	[sflag:s3] =	ssyncadd.s32 @!p0 $0xFFFFD000  }
0x104: {  	v15 =	vld [tilespmem:s19+$0x5B0]  }
0x105: {  	v16 =	vld [tilespmem:s19+$0x5C0]  }
0x106: {  	v12 =	vld [tilespmem:s19+$0x95B0]  }
0x107: {  	v6 =	vld [tilespmem:s19+$0x5A0]  }
0x108: {  	v13 =	vld [tilespmem:s19+$0x9590]  }
0x109: {  	v19 =	vld [tilespmem:s19+$0x95D0]  }
0x10a: {  	v20 =	vld [tilespmem:s19+$0x6590]  }
0x10b: {  	v5 =	vld [tilespmem:s19+$0x65C0]  }
0x10c: {  	s24 =	simm.s32 $0x0;
	v21 =	vld [tilespmem:s19+$0x9580]  }
0x10d: {  	v10 =	vmov s24;
	v22 =	vld [tilespmem:s19+$0x6580]  }
0x10e: {  	v7 =	vld [tilespmem:s19+$0x95C0]  }
0x10f: {  	v24 =	vld [tilespmem:s19+$0x590]  }
0x110: {  	v23 =	vld [tilespmem:s19+$0x3580]  }
0x111: {  	v26 =	vld [tilespmem:s19+$0x580]  }
0x112: {  	v8 =	vld.idx.msk [tilespmem:v10+s15+$0x0], $0xffff  }
0x113: {  	v25 =	vld [tilespmem:s19+$0x35B0]  }
0x114: {  	v9 =	vld.idx.msk [tilespmem:v10+s13+$0x0], $0xffff  }
0x115: {  	v11 =	vld.idx.msk [tilespmem:v10+s12+$0x0], $0xffff  }
0x116: {  	v10 =	vld.idx.msk [tilespmem:v10+s11+$0x0], $0xffff  }
0x117: {  	v18 =	vld [tilespmem:s19+$0x35A0];
	v17 =	vmul.f32 v13, v8  }
0x118: {  	v28 =	vld [tilespmem:s19+$0x35C0];
	v14 =	vmul.f32 v12, v8;
	v29 =	vmul.f32 v21, v8  }
0x119: {  	v30 =	vld [tilespmem:s19+$0x3590];
	v12 =	vmul.f32 v19, v8;
	v19 =	vmul.f32 v22, v9  }
0x11a: {  	v21 =	vmul.f32 v20, v9;
	v13 =	vld [tilespmem:s19+$0x65A0];
	v20 =	vmul.f32 v23, v11  }
0x11b: {  	v23 =	vld [tilespmem:s19+$0x65B0];
	v22 =	vmul.f32 v25, v11;
	v27 =	vmul.f32 v24, v10  }
0x11c: {  	v31 =	vmul.f32 v15, v10;
	v24 =	vld [tilespmem:s19+$0x65D0];
	v15 =	vmul.f32 v16, v10  }
0x11d: {  	v16 =	vmul.f32 v28, v11;
	v25 =	vld [tilespmem:s19+$0x35D0];
	v28 =	vmul.f32 v26, v10  }
0x11e: {  	s4 =	simm.s32 $0x1;
	s3 =	simm.s32 $0x180;
	v26 =	vld [tilespmem:s19+$0x5D0];
	v19 =	vadd.f32 v29, v19;
	v29 =	vmul.f32 v30, v11;
	v22 =	vadd.f32 v22, v31  }
.LBB2_7:
0x11f: {  	v30 =	vmov s4;
	s5 =	sshra.s32 s3, $0x2;
	p1 =	sne.s32 s3, $0xBE80;
	s3 =	sadd.s32 $0x180, s3;
	v31 =	vld [tilespmem:s19+$0x95A0];
	v6 =	vmul.f32 v6, v10;
	v18 =	vmul.f32 v18, v11  }
0x120: {  	v17 =	vadd.f32 v17, v21;
	v32 =	vld [tilespmem:s5+$0x5B0];
	v27 =	vadd.f32 v29, v27;
	v21 =	vmul.f32 v23, v9  }
0x121: {  	v20 =	vadd.f32 v20, v28;
	v29 =	vld [tilespmem:s5+$0x5C0];
	v18 =	vadd.f32 v18, v6;
	v23 =	vmul.f32 v24, v9  }
0x122: {  	v24 =	vld [tilespmem:s5+$0x95B0];
	v17 =	vadd.f32 v17, v27;
	v14 =	vadd.f32 v14, v21;
	v11 =	vmul.f32 v25, v11  }
0x123: {  	v5 =	vmul.f32 v5, v9;
	v19 =	vadd.f32 v19, v20;
	v6 =	vld [tilespmem:s5+$0x5A0];
	v10 =	vmul.f32 v26, v10  }
0x124: {  	v7 =	vmul.f32 v7, v8;
	v12 =	vadd.f32 v12, v23;
	v20 =	vld [tilespmem:s5+$0x9590];
	[tilespmem:s19+$0x18990] =	vst v17;
	v14 =	vadd.f32 v14, v22  }
0x125: {  	v9 =	vmul.f32 v13, v9;
	v8 =	vmul.f32 v31, v8;
	v21 =	vld [tilespmem:s5+$0x95D0];
	[tilespmem:s19+$0x18980] =	vst v19;
	v10 =	vadd.f32 v11, v10  }
0x126: {  	v7 =	vadd.f32 v7, v5;
	v11 =	vadd.f32 v16, v15;
	v13 =	vld [tilespmem:s5+$0x6590];
	[tilespmem:s19+$0x189B0] =	vst v14  }
0x127: {  	v8 =	vadd.f32 v8, v9;
	v5 =	vld [tilespmem:s5+$0x65C0];
	v9 =	vadd.f32 v12, v10  }
0x128: {  	v10 =	vadd.f32 v7, v11;
	v12 =	vld [tilespmem:s5+$0x9580]  }
0x129: {  	v8 =	vadd.f32 v8, v18;
	v15 =	vld [tilespmem:s5+$0x6580];
	[tilespmem:s19+$0x189D0] =	vst v9  }
0x12a: {  	v7 =	vld [tilespmem:s5+$0x95C0];
	[tilespmem:s19+$0x189C0] =	vst v10  }
0x12b: {  	v16 =	vld [tilespmem:s5+$0x590];
	[tilespmem:s19+$0x189A0] =	vst v8;
	s19 =	smov.u32 s5  }
0x12c: {  	v19 =	vld [tilespmem:s19+$0x3580]  }
0x12d: {  	v22 =	vld [tilespmem:s19+$0x580]  }
0x12e: {  	v8 =	vld.idx.msk [tilespmem:v30+s15+$0x0], $0xffff  }
0x12f: {  	v25 =	vld [tilespmem:s19+$0x35B0]  }
0x130: {  	v9 =	vld.idx.msk [tilespmem:v30+s13+$0x0], $0xffff  }
0x131: {  	v11 =	vld.idx.msk [tilespmem:v30+s12+$0x0], $0xffff  }
0x132: {  	v10 =	vld.idx.msk [tilespmem:v30+s11+$0x0], $0xffff  }
0x133: {  	v18 =	vld [tilespmem:s19+$0x35A0]  }
0x134: {  	v17 =	vmul.f32 v20, v8;
	v14 =	vmul.f32 v24, v8;
	v26 =	vld [tilespmem:s19+$0x35C0]  }
0x135: {  	v24 =	vmul.f32 v12, v8;
	v12 =	vmul.f32 v21, v8;
	v30 =	vld [tilespmem:s19+$0x3590]  }
.Ltmp2:
0x136: {  	v15 =	vmul.f32 v15, v9;
	v21 =	vmul.f32 v13, v9;
	v13 =	vld [tilespmem:s19+$0x65A0];
	(pc) =	sbr.rel @p1 .LBB2_7-.Ltmp2, $4  }
0x137: {  	v20 =	vmul.f32 v19, v11;
	v31 =	vmul.f32 v25, v11;
	v23 =	vld [tilespmem:s19+$0x65B0]  }
0x138: {  	v19 =	vadd.f32 v24, v15;
	v27 =	vmul.f32 v16, v10;
	v32 =	vmul.f32 v32, v10;
	v24 =	vld [tilespmem:s19+$0x65D0]  }
0x139: {  	v15 =	vmul.f32 v29, v10;
	v16 =	vmul.f32 v26, v11;
	v25 =	vld [tilespmem:s19+$0x35D0]  }
0x13a: {  	s4 =	sadd.s32 $0x1, s4;
	v28 =	vmul.f32 v22, v10;
	v22 =	vadd.f32 v31, v32;
	v29 =	vmul.f32 v30, v11;
	v26 =	vld [tilespmem:s19+$0x5D0]  }
0x13b: {  	v6 =	vmul.f32 v6, v10;
	v18 =	vmul.f32 v18, v11  }
0x13c: {  	v30 =	vld [tilespmem:s19+$0x95A0];
	v17 =	vadd.f32 v17, v21;
	v5 =	vmul.f32 v5, v9;
	v7 =	vmul.f32 v7, v8  }
0x13d: {  	v60 =	vmul.f32 v13, v9;
	v62 =	vadd.f32 v16, v15;
	v27 =	vadd.f32 v29, v27  }
0x13e: {  	v56 =	vmul.f32 v23, v9;
	v20 =	vadd.f32 v20, v28;
	v6 =	vadd.f32 v18, v6  }
0x13f: {  	v57 =	vmul.f32 v24, v9;
	v5 =	vadd.f32 v7, v5;
	v17 =	vadd.f32 v17, v27  }
0x140: {  	v14 =	vadd.f32 v14, v56;
	v58 =	vmul.f32 v25, v11;
	v59 =	vmul.f32 v26, v10  }
0x141: {  	v19 =	vadd.f32 v19, v20;
	v12 =	vadd.f32 v12, v57;
	v61 =	vmul.f32 v30, v8  }
0x142: {  	v5 =	vadd.f32 v5, v62;
	[tilespmem:s19+$0x18990] =	vst v17;
	v10 =	vadd.f32 v58, v59  }
0x143: {  	s3 =	sshll.u32 s31, $0x8;
	p1 =	seq.s32 s31, $0x23;
	v14 =	vadd.f32 v14, v22;
	[tilespmem:s19+$0x18980] =	vst v19;
	v7 =	vadd.f32 v61, v60  }
.Ltmp3:
0x144: {  	s3 =	sadd.s32 s7, s3;
	[tilespmem:s19+$0x189C0] =	vst v5;
	v63 =	vadd.f32 v12, v10;
	(pc) =	sbr.rel @p1 .LBB2_12-.Ltmp3, $4  }
0x145: {  	s3 =	smul.u32 $0xC, s3;
	[tilespmem:s19+$0x189B0] =	vst v14;
	v6 =	vadd.f32 v7, v6  }
0x146: {  	[tilespmem:s19+$0x189D0] =	vst v63  }
0x147: {  	s4 =	simm.s32 $0x0;
	s5 =	simm.s32 $0x18980;
	s3 =	sadd.s32 s9, s3;
	[tilespmem:s19+$0x189A0] =	vst v6  }
0x148: {  	[hbm4b:s3+s4] =	stream.linear.scatter [tilespmem:s5], [sflag:$0x3], $0x3000, $0x38;
	[tilespmem:$0x1E980] =	vst v63  }
0x149: {  	s3 =	sadd.s32 $0x2, s16  }
0x14a: {  	s4 =	smul.u32 $0x5556, s3;
	s5 =	sshll.u32 s3, $0x7  }
0x14b: {  	s5 =	sadd.s32 s7, s5  }
0x14c: {  	s19 =	rddreg [dreg:$0x3];
	s4 =	sshrl.u32 s4, $0x10;
	s5 =	sshrl.u32 s5, $0x3  }
0x14d: {  	s24 =	simm.s32 $0x0;
	s16 =	smul.u32 $0x1FFFFFD, s4;
	s19 =	sadd.s32 s19, s5  }
0x14e: {  	[tilespmem:s24], [sflag:$0x5] =	stream.linear.gather [hbm4b:s19+s24], $0x80, $0x38;
	[tilespmem:$0x1E980] =	vst v63  }
0x14f: {  	s4 =	sadd.s32 s8, s4;
	s3 =	sadd.s32 s3, s16;
	_ =	swait.ge [sflag:s14], $0x80  }
0x150: {  	s16 =	smul.u32 $0x180, s4;
	[sflag:s14] =	ssyncset.done $0x0;
	s19 =	rddreg [dreg:$0x4]  }
0x151: {  	s3 =	sshll.u32 s3, $0x7;
	[sflag:s14] =	ssyncadd.s32 $0xFFFFFF80;
	s5 =	sadd.s32 s19, s5  }
0x152: {  	[tilespmem:s23], [sflag:$0x5] =	stream.linear.gather [hbm4b:s5+s24], $0x80, $0x38;
	[tilespmem:$0x1E980] =	vst v63  }
0x153: {  	s3 =	sadd.s32 s16, s3;
	_ =	swait.ge [sflag:s14], $0x80  }
0x154: {  	s3 =	sshrl.u32 s3, $0x3;
	[sflag:s14] =	ssyncset.done $0x0  }
0x155: {  	s19 =	simm.s32 $0x100;
	s3 =	sadd.s32 s6, s3;
	[sflag:s14] =	ssyncadd.s32 $0xFFFFFF80  }
0x156: {  	[tilespmem:s19], [sflag:$0x5] =	stream.linear.gather [hbm4b:s3+s24], $0x80, $0x38;
	[tilespmem:$0x1E980] =	vst v63  }
0x157: {  	_ =	swait.ge [sflag:s14], $0x80  }
0x158: {  	[sflag:s14] =	ssyncset.done $0x0  }
0x159: {  	s19 =	simm.s32 $0x0;
	[sflag:s14] =	ssyncadd.s32 $0xFFFFFF80  }
0x15a: {  	v5 =	vmov s4;
	v6 =	vld [tilespmem:s19+$0x80]  }
0x15b: {  	v5 =	vcvt.s32.f32 v5;
	v7 =	vld [tilespmem:s19+$0x0];
	_ =	sdelay $0x1  }
0x15c: {  	v8 =	vor.u32 s0, v3;
	v5 =	vbroadcast v5, $0x0  }
0x15d: {  	v8 =	vcvt.s32.f32 v8  }
0x15e: {  	v6 =	vadd.f32 v6, v5  }
0x15f: {  	v7 =	vadd.f32 v8, v7  }
0x160: {  	v6 =	vadd.f32 v6, v6  }
0x161: {  	v7 =	vadd.f32 v7, v7  }
0x162: {  	v6 =	vmul.f32 v6, v2  }
0x163: {  	v7 =	vmul.f32 v7, v2  }
0x164: {  	v6 =	vadd.f32 $-1.000000000e+00, v6  }
0x165: {  	v7 =	vadd.f32 $-1.000000000e+00, v7  }
0x166: {  	v6 =	vadd.f32 $1.000000000e+00, v6  }
0x167: {  	v7 =	vadd.f32 $1.000000000e+00, v7  }
0x168: {  	v6 =	vmul.f32 $5.000000000e-01, v6  }
0x169: {  	v7 =	vmul.f32 $5.000000000e-01, v7  }
0x16a: {  	v6 =	vmul.f32 $3.840000000e+02, v6  }
0x16b: {  	v7 =	vmul.f32 $3.840000000e+02, v7  }
0x16c: {  	v8 =	vtrunc.f32 v6  }
0x16d: {  	s16 =	simm.s32 $0x10;
	v9 =	vtrunc.f32 v7;
	v10 =	vcvt.f32.s32 v8;
	vm0 =	vlt.f32 v6, v8  }
0x16e: {  	s0 =	sadd.s32 $0x10, s0;
	v8 =	vld [tilespmem:s16+$0x80];
	v11 =	vcvt.f32.s32 v9;
	vm1 =	vlt.f32 v7, v9;
	v9 =	vsel vm0, $0xFFFFFFFF, v4  }
0x16f: {  	v13 =	vor.u32 s0, v3;
	v12 =	vsel vm1, $0xFFFFFFFF, v4;
	v9 =	vadd.s32 v10, v9  }
0x170: {  	v13 =	vcvt.s32.f32 v13;
	v10 =	vld [tilespmem:s16+$0x0];
	v11 =	vadd.s32 v11, v12;
	v12 =	vadd.s32 $0x1, v9  }
0x171: {  	vm0 =	vgt.s32 v9, $0x0;
	vm2 =	vgt.s32 v11, $0x0;
	vm1 =	vgt.s32 v12, $0x0  }
0x172: {  	v14 =	vnsel vm2, $0x0, v11;
	v11 =	vadd.s32 $0x1, v11;
	v9 =	vnsel vm0, $0x0, v9  }
0x173: {  	v12 =	vnsel vm1, $0x0, v12;
	v8 =	vadd.f32 v8, v5;
	v14 =	vmin.u32 v14, $0x17F  }
0x174: {  	vm1 =	vgt.s32 v11, $0x0;
	v9 =	vmin.u32 v9, $0x17F;
	v12 =	vmin.u32 v12, $0x17F  }
0x175: {  	v16 =	vcvt.s32.f32 v14;
	v11 =	vnsel vm1, $0x0, v11;
	v10 =	vadd.f32 v13, v10  }
0x176: {  	v19 =	vcvt.s32.f32 v9;
	v9 =	vmul.u32 $0x180, v9;
	v8 =	vadd.f32 v8, v8  }
0x177: {  	v15 =	vcvt.s32.f32 v12;
	v11 =	vmin.u32 v11, $0x17F;
	v10 =	vadd.f32 v10, v10  }
0x178: {  	v12 =	vmul.u32 $0x180, v12;
	v16 =	vsub.f32 v7, v16;
	v8 =	vmul.f32 v8, v2  }
0x179: {  	v18 =	vcvt.s32.f32 v11;
	v15 =	vsub.f32 v15, v6;
	v10 =	vmul.f32 v10, v2  }
0x17a: {  	v13 =	vld [tilespmem:s19+$0x100];
	v9 =	vadd.s32 v0, v9;
	v6 =	vsub.f32 v6, v19;
	v8 =	vadd.f32 $-1.000000000e+00, v8  }
0x17b: {  	v12 =	vadd.s32 v0, v12;
	v7 =	vsub.f32 v18, v7;
	v10 =	vadd.f32 $-1.000000000e+00, v10  }
0x17c: {  	v63 =	vadd.s32 v14, v12;
	v17 =	vmul.f32 v15, v16;
	v8 =	vadd.f32 $1.000000000e+00, v8  }
0x17d: {  	v16 =	vmul.f32 v6, v16;
	v15 =	vmul.f32 v15, v7;
	v10 =	vadd.f32 $1.000000000e+00, v10  }
0x17e: {  	v12 =	vadd.s32 v11, v12;
	[tilespmem:s19+$0x200] =	vst v63;
	v7 =	vmul.f32 v6, v7;
	v8 =	vmul.f32 $5.000000000e-01, v8  }
0x17f: {  	v14 =	vadd.s32 v14, v9;
	[tilespmem:s19+$0x300] =	vst v12;
	v17 =	vmul.f32 v17, v13;
	v10 =	vmul.f32 $5.000000000e-01, v10  }
0x180: {  	[tilespmem:s19+$0x180] =	vst v14;
	v12 =	vmul.f32 v15, v13;
	v6 =	vmul.f32 $3.840000000e+02, v8  }
0x181: {  	[tilespmem:s19+$0x480] =	vst v17;
	v8 =	vmul.f32 v7, v13;
	v7 =	vmul.f32 $3.840000000e+02, v10  }
0x182: {  	v9 =	vadd.s32 v11, v9;
	[tilespmem:s19+$0x380] =	vst v12;
	v13 =	vmul.f32 v16, v13;
	v11 =	vtrunc.f32 v6  }
0x183: {  	s3 =	simm.s32 $0x20;
	[tilespmem:s19+$0x400] =	vst v8;
	v10 =	vcvt.f32.s32 v11;
	vm1 =	vlt.f32 v6, v11;
	v12 =	vtrunc.f32 v7  }
0x184: {  	s4 =	simm.s32 $0xC0;
	v8 =	vld [tilespmem:s3+$0x80];
	[tilespmem:s19+$0x500] =	vst v13;
	v11 =	vcvt.f32.s32 v12;
	vm0 =	vlt.f32 v7, v12;
	v12 =	vsel vm1, $0xFFFFFFFF, v4  }
.LBB2_10:
0x185: {  	p1 =	sne.s32 s4, $0x1C0;
	v13 =	vsel vm0, $0xFFFFFFFF, v4;
	v10 =	vadd.s32 v10, v12;
	[tilespmem:s19+$0x280] =	vst v9;
	s19 =	smov.u32 s16;
	s16 =	smov.u32 s3  }
0x186: {  	s0 =	sadd.s32 $0x10, s0;
	v9 =	vld [tilespmem:s16+$0x0];
	v11 =	vadd.s32 v11, v13;
	vm0 =	vgt.s32 v10, $0x0;
	v12 =	vadd.s32 $0x1, v10  }
0x187: {  	v13 =	vor.u32 s0, v3;
	vm1 =	vgt.s32 v11, $0x0;
	vm2 =	vgt.s32 v12, $0x0  }
0x188: {  	v13 =	vcvt.s32.f32 v13;
	v14 =	vnsel vm1, $0x0, v11;
	v12 =	vnsel vm2, $0x0, v12  }
0x189: {  	v8 =	vadd.f32 v8, v5;
	v14 =	vmin.u32 v14, $0x17F;
	v12 =	vmin.u32 v12, $0x17F  }
0x18a: {  	v11 =	vadd.s32 $0x1, v11;
	v15 =	vcvt.s32.f32 v14;
	v16 =	vcvt.s32.f32 v12  }
0x18b: {  	vm1 =	vgt.s32 v11, $0x0;
	v9 =	vadd.f32 v13, v9;
	v8 =	vadd.f32 v8, v8;
	v13 =	vld [tilespmem:s19+$0x100]  }
0x18c: {  	v11 =	vnsel vm1, $0x0, v11;
	v16 =	vsub.f32 v16, v6;
	v15 =	vsub.f32 v7, v15  }
0x18d: {  	v10 =	vnsel vm0, $0x0, v10;
	v11 =	vmin.u32 v11, $0x17F;
	v9 =	vadd.f32 v9, v9  }
0x18e: {  	v10 =	vmin.u32 v10, $0x17F;
	v8 =	vmul.f32 v8, v2;
	v17 =	vmul.f32 v16, v15  }
0x18f: {  	v12 =	vmul.u32 $0x180, v12;
	v18 =	vcvt.s32.f32 v11;
	v9 =	vmul.f32 v9, v2  }
0x190: {  	v19 =	vcvt.s32.f32 v10;
	v8 =	vadd.f32 $-1.000000000e+00, v8;
	v17 =	vmul.f32 v17, v13  }
0x191: {  	v10 =	vmul.u32 $0x180, v10;
	v7 =	vsub.f32 v18, v7;
	v9 =	vadd.f32 $-1.000000000e+00, v9  }
0x192: {  	v12 =	vadd.s32 v0, v12;
	v6 =	vsub.f32 v6, v19;
	v8 =	vadd.f32 $1.000000000e+00, v8;
	[tilespmem:s19+$0x480] =	vst v17  }
0x193: {  	v10 =	vadd.s32 v0, v10;
	v16 =	vmul.f32 v16, v7;
	v9 =	vadd.f32 $1.000000000e+00, v9  }
0x194: {  	v18 =	vmul.f32 v6, v7;
	v17 =	vadd.s32 v14, v12;
	v8 =	vmul.f32 $5.000000000e-01, v8  }
0x195: {  	v7 =	vmul.f32 $5.000000000e-01, v9;
	[tilespmem:s19+$0x200] =	vst v17;
	v9 =	vadd.s32 v11, v12;
	v12 =	vmul.f32 v6, v15  }
.Ltmp4:
0x196: {  	v6 =	vmul.f32 $3.840000000e+02, v8;
	v8 =	vadd.s32 v14, v10;
	v14 =	vmul.f32 v16, v13;
	[tilespmem:s19+$0x300] =	vst v9;
	(pc) =	sbr.rel @p1 .LBB2_10-.Ltmp4, $4  }
0x197: {  	v9 =	vadd.s32 v11, v10;
	v7 =	vmul.f32 $3.840000000e+02, v7;
	[tilespmem:s19+$0x180] =	vst v8;
	v8 =	vmul.f32 v18, v13  }
0x198: {  	v11 =	vtrunc.f32 v6;
	v13 =	vmul.f32 v12, v13;
	[tilespmem:s19+$0x380] =	vst v14  }
0x199: {  	s3 =	sshra.s32 s4, $0x2;
	v10 =	vcvt.f32.s32 v11;
	vm1 =	vlt.f32 v6, v11;
	v12 =	vtrunc.f32 v7;
	[tilespmem:s19+$0x400] =	vst v8  }
0x19a: {  	s4 =	sadd.s32 $0x40, s4;
	v8 =	vld [tilespmem:s3+$0x80];
	v11 =	vcvt.f32.s32 v12;
	vm0 =	vlt.f32 v7, v12;
	v12 =	vsel vm1, $0xFFFFFFFF, v4;
	[tilespmem:s19+$0x500] =	vst v13  }
0x19b: {  	[tilespmem:s19+$0x280] =	vst v9;
	v40 =	vsel vm0, $0xFFFFFFFF, v4;
	v10 =	vadd.s32 v10, v12  }
0x19c: {  	s0 =	sadd.s32 $0x10, s0;
	v13 =	vld [tilespmem:s3+$0x0];
	v9 =	vadd.s32 v11, v40;
	vm8 =	vgt.s32 v10, $0x0  }
0x19d: {  	v41 =	vadd.s32 $0x1, v10;
	v42 =	vor.u32 s0, v3;
	vm1 =	vgt.s32 v9, $0x0  }
0x19e: {  	vm2 =	vgt.s32 v41, $0x0;
	v12 =	vcvt.s32.f32 v42;
	v10 =	vnsel vm8, $0x0, v10  }
0x19f: {  	v14 =	vnsel vm1, $0x0, v9;
	v11 =	vnsel vm2, $0x0, v41;
	v5 =	vadd.f32 v8, v5  }
0x1a0: {  	v9 =	vadd.s32 $0x1, v9;
	v10 =	vmin.u32 v10, $0x17F;
	v43 =	vmin.u32 v14, $0x17F  }
0x1a1: {  	v11 =	vmin.u32 v11, $0x17F;
	v12 =	vadd.f32 v12, v13;
	v5 =	vadd.f32 v5, v5  }
0x1a2: {  	vm9 =	vgt.s32 v9, $0x0;
	v18 =	vcvt.s32.f32 v10;
	v10 =	vmul.u32 $0x180, v10  }
0x1a3: {  	v44 =	vcvt.s32.f32 v11;
	v12 =	vadd.f32 v12, v12;
	v5 =	vmul.f32 v5, v2  }
0x1a4: {  	v14 =	vcvt.s32.f32 v43;
	v9 =	vnsel vm9, $0x0, v9;
	v11 =	vmul.u32 $0x180, v11  }
0x1a5: {  	v15 =	vld [tilespmem:s16+$0x100];
	v9 =	vmin.u32 v9, $0x17F;
	v12 =	vmul.f32 v12, v2;
	v5 =	vadd.f32 $-1.000000000e+00, v5  }
0x1a6: {  	v13 =	vsub.f32 v44, v6;
	v14 =	vsub.f32 v7, v14;
	v17 =	vcvt.s32.f32 v9  }
0x1a7: {  	v10 =	vadd.s32 v0, v10;
	v12 =	vadd.f32 $-1.000000000e+00, v12;
	v5 =	vadd.f32 $1.000000000e+00, v5  }
0x1a8: {  	v11 =	vadd.s32 v0, v11;
	v16 =	vmul.f32 v13, v14;
	v7 =	vsub.f32 v17, v7  }
0x1a9: {  	v6 =	vsub.f32 v6, v18;
	v12 =	vadd.f32 $1.000000000e+00, v12;
	v5 =	vmul.f32 $5.000000000e-01, v5  }
0x1aa: {  	v8 =	vadd.s32 v43, v10;
	v16 =	vmul.f32 v16, v15;
	v13 =	vmul.f32 v13, v7  }
0x1ab: {  	v45 =	vadd.s32 v43, v11;
	v12 =	vmul.f32 $5.000000000e-01, v12;
	v5 =	vmul.f32 $3.840000000e+02, v5  }
0x1ac: {  	v11 =	vadd.s32 v9, v11;
	v7 =	vmul.f32 v6, v7;
	v6 =	vmul.f32 v6, v14  }
0x1ad: {  	v9 =	vadd.s32 v9, v10;
	v12 =	vmul.f32 $3.840000000e+02, v12;
	v46 =	vtrunc.f32 v5  }
0x1ae: {  	v51 =	vmul.f32 v13, v15;
	v48 =	vcvt.f32.s32 v46;
	vm10 =	vlt.f32 v5, v46  }
0x1af: {  	[tilespmem:s16+$0x180] =	vst v8;
	v7 =	vmul.f32 v7, v15;
	v47 =	vtrunc.f32 v12;
	v50 =	vsel vm10, $0xFFFFFFFF, v4  }
0x1b0: {  	[tilespmem:s16+$0x480] =	vst v16;
	v49 =	vcvt.f32.s32 v47;
	vm11 =	vlt.f32 v12, v47;
	v16 =	vadd.s32 v48, v50  }
0x1b1: {  	[tilespmem:s16+$0x200] =	vst v45;
	v6 =	vmul.f32 v6, v15;
	v52 =	vsel vm11, $0xFFFFFFFF, v4;
	v54 =	vadd.s32 $0x1, v16  }
0x1b2: {  	[tilespmem:s16+$0x300] =	vst v11;
	vm14 =	vgt.s32 v16, $0x0;
	v53 =	vadd.s32 v49, v52;
	vm13 =	vgt.s32 v54, $0x0  }
0x1b3: {  	[tilespmem:s16+$0x280] =	vst v9;
	v59 =	vnsel vm14, $0x0, v16;
	vm12 =	vgt.s32 v53, $0x0;
	v8 =	vadd.s32 $0x1, v53  }
0x1b4: {  	[tilespmem:s16+$0x400] =	vst v7;
	v55 =	vnsel vm13, $0x0, v54;
	v7 =	vnsel vm12, $0x0, v53;
	vm15 =	vgt.s32 v8, $0x0  }
0x1b5: {  	[tilespmem:s16+$0x500] =	vst v6;
	v6 =	vmin.u32 v7, $0x17F;
	v7 =	vmin.u32 v55, $0x17F;
	v8 =	vnsel vm15, $0x0, v8  }
0x1b6: {  	[tilespmem:s16+$0x380] =	vst v51;
	v56 =	vcvt.s32.f32 v6;
	v57 =	vcvt.s32.f32 v7;
	v8 =	vmin.u32 v8, $0x17F  }
0x1b7: {  	v58 =	vld [tilespmem:s3+$0x100];
	v13 =	vmin.u32 v59, $0x17F;
	v7 =	vmul.u32 $0x180, v7;
	v61 =	vcvt.s32.f32 v8  }
0x1b8: {  	v62 =	vcvt.s32.f32 v13;
	v10 =	vsub.f32 v57, v5;
	v9 =	vsub.f32 v12, v56  }
0x1b9: {  	v13 =	vmul.u32 $0x180, v13;
	v7 =	vadd.s32 v0, v7;
	v12 =	vsub.f32 v61, v12  }
0x1ba: {  	v5 =	vsub.f32 v5, v62;
	v63 =	vadd.s32 v6, v7;
	v60 =	vmul.f32 v10, v9  }
0x1bb: {  	v13 =	vadd.s32 v0, v13;
	v7 =	vadd.s32 v8, v7;
	[tilespmem:s3+$0x200] =	vst v63;
	v10 =	vmul.f32 v10, v12  }
0x1bc: {  	v6 =	vadd.s32 v6, v13;
	[tilespmem:s3+$0x300] =	vst v7;
	v12 =	vmul.f32 v5, v12;
	v14 =	vmul.f32 v60, v58  }
0x1bd: {  	[tilespmem:s3+$0x180] =	vst v6;
	v5 =	vmul.f32 v5, v9;
	v7 =	vmul.f32 v10, v58  }
0x1be: {  	v6 =	vmul.f32 v12, v58;
	[tilespmem:s3+$0x480] =	vst v14  }
0x1bf: {  	v5 =	vmul.f32 v5, v58;
	[tilespmem:s3+$0x380] =	vst v7  }
0x1c0: {  	[tilespmem:s3+$0x400] =	vst v6  }
0x1c1: {  	v6 =	vadd.s32 v8, v13;
	[tilespmem:s3+$0x500] =	vst v5  }
0x1c2: {  	s19 =	simm.s32 $0x180;
	s24 =	simm.s32 $0x580;
	[tilespmem:s3+$0x280] =	vst v6  }
0x1c3: {  	[tilespmem:s24], [sflag:$0x1] =	stream.indirect.gather [hbm4b:s2+s23], $0x60, s19, s23, $0xb8;
	[tilespmem:$0x1E980] =	vst v63  }
0x1c4: {  	s4 =	simm.s32 $0x3580;
	s3 =	simm.s32 $0x200  }
0x1c5: {  	[tilespmem:s4], [sflag:$0x1] =	stream.indirect.gather [hbm4b:s2+s23], $0x60, s3, s23, $0xb8;
	[tilespmem:$0x1E980] =	vst v63  }
0x1c6: {  	s5 =	simm.s32 $0x280;
	s16 =	simm.s32 $0x6580  }
0x1c7: {  	[tilespmem:s16], [sflag:$0x1] =	stream.indirect.gather [hbm4b:s2+s23], $0x60, s5, s23, $0xb8;
	[tilespmem:$0x1E980] =	vst v63  }
0x1c8: {  	s19 =	simm.s32 $0x300;
	s24 =	simm.s32 $0x9580  }
0x1c9: {  	[tilespmem:s24], [sflag:$0x1] =	stream.indirect.gather [hbm4b:s2+s23], $0x60, s19, s23, $0xb8;
	[tilespmem:$0x1E980] =	vst v63  }
.LBB2_12:
0x1ca: {  	_ =	swait.ge [sflag:s17], $0x3000  }
0x1cb: {  	[sflag:s17] =	ssyncset.done $0x0  }
0x1cc: {  	[sflag:s17] =	ssyncadd.s32 $0xFFFFD000  }
0x1cd: {  	_ =	swait.ge [sflag:s17], $0x3000  }
0x1ce: {  	[sflag:s17] =	ssyncset.done $0x0  }
0x1cf: {  	[sflag:s17] =	ssyncadd.s32 $0xFFFFD000  }
0x1d0: {  	_ =	swait.ge [sflag:s17], $0x3000  }
0x1d1: {  	[sflag:s17] =	ssyncset.done $0x0  }
0x1d2: {  	[sflag:s17] =	ssyncadd.s32 $0xFFFFD000  }
0x1d3: {  	_ =	swait.ge [sflag:s17], $0x3000  }
0x1d4: {  	[sflag:s17] =	ssyncset.done $0x0  }
0x1d5: {  	s0 =	simm.s32 @!p0 $0x4;
	[sflag:s17] =	ssyncadd.s32 $0xFFFFD000  }
0x1d6: {  	_ =	swait.ge @!p0 [sflag:s0], $0x3000  }
0x1d7: {  	[sflag:s0] =	ssyncset.done @!p0 $0x0  }
0x1d8: {  	[sflag:s0] =	ssyncadd.s32 @!p0 $0xFFFFD000;
	s0 =	simm.s32 $0x0  }
0x1d9: {  	v15 =	vld [tilespmem:s0+$0xC9B0]  }
0x1da: {  	v16 =	vld [tilespmem:s0+$0xC9C0]  }
0x1db: {  	v12 =	vld [tilespmem:s0+$0x159B0]  }
0x1dc: {  	v6 =	vld [tilespmem:s0+$0xC9A0]  }
0x1dd: {  	v13 =	vld [tilespmem:s0+$0x15990]  }
0x1de: {  	v19 =	vld [tilespmem:s0+$0x159D0]  }
0x1df: {  	v20 =	vld [tilespmem:s0+$0x12990]  }
0x1e0: {  	v5 =	vld [tilespmem:s0+$0x129C0]  }
0x1e1: {  	s3 =	simm.s32 $0x0;
	v21 =	vld [tilespmem:s0+$0x15980]  }
0x1e2: {  	v10 =	vmov s3;
	v22 =	vld [tilespmem:s0+$0x12980]  }
0x1e3: {  	v7 =	vld [tilespmem:s0+$0x159C0]  }
0x1e4: {  	v24 =	vld [tilespmem:s0+$0xC990]  }
0x1e5: {  	v23 =	vld [tilespmem:s0+$0xF980]  }
0x1e6: {  	v26 =	vld [tilespmem:s0+$0xC980]  }
0x1e7: {  	v8 =	vld.idx.msk [tilespmem:v10+s22+$0x0], $0xffff  }
0x1e8: {  	v25 =	vld [tilespmem:s0+$0xF9B0]  }
0x1e9: {  	v9 =	vld.idx.msk [tilespmem:v10+s21+$0x0], $0xffff  }
0x1ea: {  	v11 =	vld.idx.msk [tilespmem:v10+s20+$0x0], $0xffff  }
0x1eb: {  	v10 =	vld.idx.msk [tilespmem:v10+s18+$0x0], $0xffff  }
0x1ec: {  	v18 =	vld [tilespmem:s0+$0xF9A0];
	v17 =	vmul.f32 v13, v8  }
0x1ed: {  	v28 =	vld [tilespmem:s0+$0xF9C0];
	v14 =	vmul.f32 v12, v8;
	v29 =	vmul.f32 v21, v8  }
0x1ee: {  	v30 =	vld [tilespmem:s0+$0xF990];
	v12 =	vmul.f32 v19, v8;
	v19 =	vmul.f32 v22, v9  }
0x1ef: {  	v21 =	vmul.f32 v20, v9;
	v13 =	vld [tilespmem:s0+$0x129A0];
	v20 =	vmul.f32 v23, v11  }
0x1f0: {  	v23 =	vld [tilespmem:s0+$0x129B0];
	v22 =	vmul.f32 v25, v11;
	v27 =	vmul.f32 v24, v10  }
0x1f1: {  	v31 =	vmul.f32 v15, v10;
	v24 =	vld [tilespmem:s0+$0x129D0];
	v15 =	vmul.f32 v16, v10  }
0x1f2: {  	v16 =	vmul.f32 v28, v11;
	v25 =	vld [tilespmem:s0+$0xF9D0];
	v28 =	vmul.f32 v26, v10  }
0x1f3: {  	s4 =	simm.s32 $0x1;
	s3 =	simm.s32 $0x180;
	v26 =	vld [tilespmem:s0+$0xC9D0];
	v19 =	vadd.f32 v29, v19;
	v29 =	vmul.f32 v30, v11;
	v22 =	vadd.f32 v22, v31  }
.LBB2_13:
0x1f4: {  	v30 =	vmov s4;
	s5 =	sshra.s32 s3, $0x2;
	p0 =	sne.s32 s3, $0xBE80;
	s3 =	sadd.s32 $0x180, s3;
	v31 =	vld [tilespmem:s0+$0x159A0];
	v6 =	vmul.f32 v6, v10;
	v18 =	vmul.f32 v18, v11  }
0x1f5: {  	v17 =	vadd.f32 v17, v21;
	v32 =	vld [tilespmem:s5+$0xC9B0];
	v27 =	vadd.f32 v29, v27;
	v21 =	vmul.f32 v23, v9  }
0x1f6: {  	v20 =	vadd.f32 v20, v28;
	v29 =	vld [tilespmem:s5+$0xC9C0];
	v18 =	vadd.f32 v18, v6;
	v23 =	vmul.f32 v24, v9  }
0x1f7: {  	v24 =	vld [tilespmem:s5+$0x159B0];
	v17 =	vadd.f32 v17, v27;
	v14 =	vadd.f32 v14, v21;
	v11 =	vmul.f32 v25, v11  }
0x1f8: {  	v5 =	vmul.f32 v5, v9;
	v19 =	vadd.f32 v19, v20;
	v6 =	vld [tilespmem:s5+$0xC9A0];
	v10 =	vmul.f32 v26, v10  }
0x1f9: {  	v7 =	vmul.f32 v7, v8;
	v12 =	vadd.f32 v12, v23;
	v20 =	vld [tilespmem:s5+$0x15990];
	[tilespmem:s0+$0x1B990] =	vst v17;
	v14 =	vadd.f32 v14, v22  }
0x1fa: {  	v9 =	vmul.f32 v13, v9;
	v8 =	vmul.f32 v31, v8;
	v21 =	vld [tilespmem:s5+$0x159D0];
	[tilespmem:s0+$0x1B980] =	vst v19;
	v10 =	vadd.f32 v11, v10  }
0x1fb: {  	v7 =	vadd.f32 v7, v5;
	v11 =	vadd.f32 v16, v15;
	v13 =	vld [tilespmem:s5+$0x12990];
	[tilespmem:s0+$0x1B9B0] =	vst v14  }
0x1fc: {  	v8 =	vadd.f32 v8, v9;
	v5 =	vld [tilespmem:s5+$0x129C0];
	v9 =	vadd.f32 v12, v10  }
0x1fd: {  	v10 =	vadd.f32 v7, v11;
	v12 =	vld [tilespmem:s5+$0x15980]  }
0x1fe: {  	v8 =	vadd.f32 v8, v18;
	v15 =	vld [tilespmem:s5+$0x12980];
	[tilespmem:s0+$0x1B9D0] =	vst v9  }
0x1ff: {  	v7 =	vld [tilespmem:s5+$0x159C0];
	[tilespmem:s0+$0x1B9C0] =	vst v10  }
0x200: {  	v16 =	vld [tilespmem:s5+$0xC990];
	[tilespmem:s0+$0x1B9A0] =	vst v8;
	s0 =	smov.u32 s5  }
0x201: {  	v19 =	vld [tilespmem:s0+$0xF980]  }
0x202: {  	v22 =	vld [tilespmem:s0+$0xC980]  }
0x203: {  	v8 =	vld.idx.msk [tilespmem:v30+s22+$0x0], $0xffff  }
0x204: {  	v25 =	vld [tilespmem:s0+$0xF9B0]  }
0x205: {  	v9 =	vld.idx.msk [tilespmem:v30+s21+$0x0], $0xffff  }
0x206: {  	v11 =	vld.idx.msk [tilespmem:v30+s20+$0x0], $0xffff  }
0x207: {  	v10 =	vld.idx.msk [tilespmem:v30+s18+$0x0], $0xffff  }
0x208: {  	v18 =	vld [tilespmem:s0+$0xF9A0]  }
0x209: {  	v17 =	vmul.f32 v20, v8;
	v14 =	vmul.f32 v24, v8;
	v26 =	vld [tilespmem:s0+$0xF9C0]  }
0x20a: {  	v24 =	vmul.f32 v12, v8;
	v12 =	vmul.f32 v21, v8;
	v30 =	vld [tilespmem:s0+$0xF990]  }
.Ltmp5:
0x20b: {  	v15 =	vmul.f32 v15, v9;
	v21 =	vmul.f32 v13, v9;
	v13 =	vld [tilespmem:s0+$0x129A0];
	(pc) =	sbr.rel @p0 .LBB2_13-.Ltmp5, $4  }
0x20c: {  	v20 =	vmul.f32 v19, v11;
	v31 =	vmul.f32 v25, v11;
	v23 =	vld [tilespmem:s0+$0x129B0]  }
0x20d: {  	v19 =	vadd.f32 v24, v15;
	v27 =	vmul.f32 v16, v10;
	v32 =	vmul.f32 v32, v10;
	v24 =	vld [tilespmem:s0+$0x129D0]  }
0x20e: {  	v15 =	vmul.f32 v29, v10;
	v16 =	vmul.f32 v26, v11;
	v25 =	vld [tilespmem:s0+$0xF9D0]  }
0x20f: {  	s4 =	sadd.s32 $0x1, s4;
	v28 =	vmul.f32 v22, v10;
	v22 =	vadd.f32 v31, v32;
	v29 =	vmul.f32 v30, v11;
	v26 =	vld [tilespmem:s0+$0xC9D0]  }
0x210: {  	v6 =	vmul.f32 v6, v10;
	v18 =	vmul.f32 v18, v11  }
0x211: {  	v30 =	vld [tilespmem:s0+$0x159A0];
	v17 =	vadd.f32 v17, v21;
	v5 =	vmul.f32 v5, v9;
	v7 =	vmul.f32 v7, v8  }
0x212: {  	v60 =	vmul.f32 v13, v9;
	v62 =	vadd.f32 v16, v15;
	v27 =	vadd.f32 v29, v27  }
0x213: {  	v56 =	vmul.f32 v23, v9;
	v20 =	vadd.f32 v20, v28;
	v6 =	vadd.f32 v18, v6  }
0x214: {  	v57 =	vmul.f32 v24, v9;
	v5 =	vadd.f32 v7, v5;
	v17 =	vadd.f32 v17, v27  }
0x215: {  	v14 =	vadd.f32 v14, v56;
	v58 =	vmul.f32 v25, v11;
	v59 =	vmul.f32 v26, v10  }
0x216: {  	v19 =	vadd.f32 v19, v20;
	v12 =	vadd.f32 v12, v57;
	v61 =	vmul.f32 v30, v8  }
0x217: {  	s31 =	sadd.s32 $0x1, s31;
	v5 =	vadd.f32 v5, v62;
	[tilespmem:s0+$0x1B990] =	vst v17;
	v10 =	vadd.f32 v58, v59  }
0x218: {  	p0 =	sne.s32 s31, $0x24;
	v14 =	vadd.f32 v14, v22;
	[tilespmem:s0+$0x1B980] =	vst v19;
	v7 =	vadd.f32 v61, v60  }
.Ltmp6:
0x219: {  	[tilespmem:s0+$0x1B9C0] =	vst v5;
	v63 =	vadd.f32 v12, v10;
	(pc) =	sbr.rel @p0 .LBB2_4-.Ltmp6, $4  }
0x21a: {  	s1 =	smul.u32 $0xC, s1;
	s24 =	simm.s32 $0x0;
	[tilespmem:s0+$0x1B9B0] =	vst v14;
	v6 =	vadd.f32 v7, v6  }
0x21b: {  	s3 =	simm.s32 $0x1B980;
	s25 =	sadd.s32 $0x100, s25;
	s28 =	sadd.s32 $0xAAAC, s28;
	[tilespmem:s0+$0x1B9D0] =	vst v63  }
0x21c: {  	s29 =	sadd.s32 $0x100, s29;
	s30 =	sadd.s32 $0xAAAC, s30;
	s19 =	sadd.s32 s9, s1;
	[tilespmem:s0+$0x1B9A0] =	vst v6  }
0x21d: {  	[hbm4b:s19+s24] =	stream.linear.scatter [tilespmem:s3], [sflag:$0x4], $0x3000, $0x38;
	[tilespmem:$0x1E980] =	vst v63  }
0x21e: {  	s0 =	simm.s32 $0x3  }
0x21f: {  	_ =	swait.ge [sflag:s0], $0x3000  }
0x220: {  	[sflag:s0] =	ssyncset.done $0x0  }
0x221: {  	s1 =	simm.s32 $0x4;
	[sflag:s0] =	ssyncadd.s32 $0xFFFFD000  }
0x222: {  	_ =	swait.ge [sflag:s1], $0x3000  }
0x223: {  	s3 =	rddreg [dreg:$0x9]  }
0x224: {  	s31 =	rddreg [dreg:$0x8];
	s3 =	sadd.s32 $0x1, s3  }
0x225: {  	p0 =	sne.s32 s3, s31  }
.Ltmp7:
0x226: {  	_ = 	snop;
	(pc) =	sbr.rel @p0 .LBB2_1-.Ltmp7, $3  }
0x227: {  	_ =	sdelay $0x1  }
0x228: {  	[sflag:s1] =	ssyncset.done $0x0  }
0x229: {  	[sflag:s1] =	ssyncadd.s32 $0xFFFFD000  }
0x22a: {  	_ =	sfence.sel $0x180000  }
0x22b: {  	[bflag:$0x0] =	sbarrier.arrive $0xFFFF  }
0x22c: {  	_ =	strace $0x90000047  }
0x22d: {  	s0 =	stileid.u32;
	[bflag:$0x2] =	sbarrier.arrive $0xFFFF  }
0x22e: {  	p0 =	sne.s32 s0, $0x0;
	s0 =	rddreg [dreg:$0x2]  }
0x22f: {  	s0 =	sadd.s32 @!p0 $0x100000, s0  }
0x230: {  	[sflag:s0] =	ssyncadd.tile.s32 @!p0 $0x1;
	_ =	shalt  }
.Lfunc_end2:
_tile_overlayer_lowered:
.L_overlay_start_2:
0x231: {  	(tag) =	ssettag $0x2  }
0x232: {  	s0 =	rddreg [dreg:$0x0];
	s2 =	stileid.u32  }
0x233: {  	s1 =	rddreg [dreg:$0x1];
	p0 =	sne.s32 s2, $0x0  }
0x234: {  	s3 =	rddreg [dreg:$0x2];
	[bflag:$0x3] =	sbarrier.arrive $0xFFFF;
	s2 =	simm.s32 @!p0 $0x1C05  }
0x235: {  	[timem:s3], [sflag:s2] =	dma.local @!p0 [hbm:s0], s1  }
0x236: {  	s0 =	simm.s32 @!p0 $0x5  }
0x237: {  	_ =	swait.ge @!p0 [sflag:s0], s1  }
0x238: {  	s1 =	ssub.s32 @!p0 $0x0, s1;
	[sflag:s0] =	ssyncset.done @!p0 $0x0  }
0x239: {  	[sflag:s0] =	ssyncadd.s32 @!p0 s1  }
0x23a: {  	[bflag:$0x3] =	sbarrier.arrive $0xFFFF  }
0x23b: {  	_ =	shalt  }

// kernel: sparse-core-data-format-call.cloned.1.call-start
scs
called_computation_lowered:
.L_overlay_start_0:
0x0: {  	s2 =	sld [smem:$0x3FD9]  }
0x1: {  	s3 =	sld [smem:$0x3FFE];
	_ =	sdelay $0x1  }
0x2: {  	s1 =	srdreg.scid  }
0x3: {  	s0 =	sand.u32 $0x1, s1  }
0x4: {  	s18 =	sshll.u32 s0, $0xA;
	s2 =	sadd.s32 s3, s2  }
0x5: {  	s2 =	sadd.s32 s2, s18  }
0x6: {  	[smem:$0x3FC5] =	sst s2  }
0x7: {  	_ = 	snop  }
0x8: {  	s2 =	sld [smem:$0x3FD0];
	(tm) =	ssettm $0x1  }
0x9: {  	s19 =	sld [smem:$0x3FFB];
	_ =	sdelay $0x3  }
0xa: {  	_ =	strace s19  }
0xb: {  	s3 =	sld [smem:$0x3FFC];
	_ =	sdelay $0x3  }
0xc: {  	_ =	strace s3  }
0xd: {  	s3 =	sld [smem:$0x3FFD];
	_ =	sdelay $0x3  }
0xe: {  	_ =	strace s3  }
0xf: {  	_ =	strace $0x8FFFFFFF  }
0x10: {  	s20 =	sld [smem:$0x3FDB];
	_ =	sdelay $0x1  }
0x11: {  	s4 =	simm.s32 $_scs_section_size  }
0x12: {  	s5 =	simm.s32 $_size__tile_overlayer_lowered;
	s6 =	simm.s32 $_tile_overlayer_lowered  }
0x13: {  	s23 =	simm.s32 $0x1BFF;
	s22 =	sshll.u32 s6, $0x1;
	s3 =	sadd.s32 s4, s20  }
0x14: {  	s7 =	simm.s32 $0x0;
	s21 =	sshll.u32 s5, $0x1;
	s5 =	sadd.s32 s22, s3  }
0x15: {  	[timem:s7], [sflag:s23] =	dma.local [hbm:s5], s21  }
0x16: {  	_ =	swait.ge [sflag:s23], s21  }
0x17: {  	s4 =	ssub.s32 $0x0, s21;
	[sflag:s23] =	ssyncset.done $0x0  }
0x18: {  	[sflag:s23] =	ssyncadd.s32 s4;
	_ =	sdelay $0x1  }
0x19: {  	s24 =	simm.s32 $0x1B8B  }
0x1a: {  	_ =	swait.ge [sflag:s24], $0x1  }
0x1b: {  	[sflag:s24] =	ssyncset.done $0x0  }
0x1c: {  	s26 =	simm.s32 $0x1B8E;
	s25 =	sld [smem:$0x3FFE];
	[sflag:s24] =	ssyncadd.s32 $0xFFFFFFFF  }
0x1d: {  	s27 =	simm.s32 $execute0_lowered;
	[smem:$0x3FD2] =	sst s26  }
0x1e: {  	s5 =	sshll.u32 s27, $0x1;
	_ =	strace $0x80000049;
	[dreg:$0x1] =	wrdreg $0xFFFFFFFF  }
0x1f: {  	s28 =	simm.s32 $_size_execute0_lowered;
	s3 =	sadd.s32 s3, s5;
	[dreg:$0x0] =	wrdreg $0x0  }
0x20: {  	s5 =	sshll.u32 s28, $0x1;
	[dreg:$0x2] =	wrdreg s3  }
0x21: {  	[dreg:$0x3] =	wrdreg s5  }
0x22: {  	[dreg:$0x4] =	wrdreg $0xC0  }
0x23: {  	_ =	task [dreg:s7], $0x5FFFF  }
0x24: {  	[dreg:$0x1] =	wrdreg $0xFFFFFFFF  }
0x25: {  	[dreg:$0x0] =	wrdreg $0x60  }
0x26: {  	[dreg:$0x2] =	wrdreg s25  }
0x27: {  	[dreg:$0x3] =	wrdreg s2  }
0x28: {  	[dreg:$0x4] =	wrdreg $0x9  }
0x29: {  	_ =	task.clear_ibuf [dreg:s7], $0x5FFFF;
	_ =	strace $0x90000049  }
0x2a: {  	s29 =	simm.s32 $0x9;
	_ =	strace $0x8000004B  }
0x2b: {  	_ =	swait.ge [sflag:s29], $0x1  }
0x2c: {  	[sflag:s29] =	ssyncadd.s32 $0xFFFFFFFF  }
0x2d: {  	_ =	strace $0x9000004B  }
0x2e: {  	_ =	sfence  }
0x2f: {  	s30 =	sld [smem:$0x0];
	_ =	sdelay $0x2  }
0x30: {  	s31 =	sshll.u32 s1, $0xD;
	s1 =	sshrl.u32 s1, $0x2  }
0x31: {  	s3 =	sand.u32 $0x4000, s31;
	s1 =	sadd.s32 s1, s30  }
0x32: {  	s0 =	sor.u32 s3, s0;
	s1 =	sshll.u32 s1, $0x11  }
0x33: {  	s0 =	sor.u32 s1, s0  }
0x34: {  	s0 =	sadd.s32 $0x8F2B, s0  }
0x35: {  	[sflag:s0] =	ssyncadd.remote.s32 $0x1  }
0x36: {  	_ =	sfence.sel $0xFFFF  }
0x37: {  	[dreg:$0x0] =	wrdreg $0xFFFFFFFF;
	(pc) =	sbr.abs _section_cstart, $3  }
0x38: {  	[dreg:$0x1] =	wrdreg $0xFFFFFFFF  }
0x39: {  	_ =	task.clear_ibuf [dreg:s7], $0x2FFFF;
	_ =	strace $0x9FFFFFFF  }
0x3a: {  	(tm) =	ssettm $0x7FFFFFFF  }
0x3b: {  	_ =	shalt  }
tec
execute0_lowered:
.L_overlay_start_1:
0x0: {  	(tag) =	ssettag $0x1  }
0x1: {  	s4 =	rddreg [dreg:$0x0]  }
0x2: {  	s2 =	rddreg [dreg:$0x1]  }
0x3: {  	s1 =	stileid.u32;
	s0 =	rddreg [dreg:$0x2];
	_ =	strace $0x8000004A  }
0x4: {  	s5 =	srdreg.scid;
	s8 =	simm.s32 $0x2;
	s17 =	simm.s32 $0x0  }
0x5: {  	p0 =	por $0x0, $0x0;
	s9 =	simm.s32 $0xC00;
	s18 =	simm.s32 $0x0  }
0x6: {  	s19 =	simm.s32 $0x0;
	s10 =	simm.s32 $0x0;
	s11 =	simm.s32 $0x0  }
0x7: {  	s12 =	simm.s32 $0x0;
	s13 =	simm.s32 $0x0;
	s3 =	sand.u32 $0x1, s1  }
0x8: {  	s16 =	simm.s32 $0x0;
	s5 =	sshll.u32 s5, $0x4;
	s6 =	ssub.s32 $0x2, s3  }
.Ltmp0:
0x9: {  	s7 =	sshrl.u32 s6, $0x1;
	s6 =	sand.u32 $0x1, s6;
	(pc) =	sbr.rel .LBB1_1-.Ltmp0, $4  }
0xa: {  	s4 =	sadd.s32 $0x377400, s4;
	s5 =	sand.u32 $0x10, s5;
	s6 =	sadd.s32 s6, s7  }
0xb: {  	s31 =	sor.u32 s1, s5;
	s5 =	simm.s32 $0x1;
	s6 =	smul.u32 $0x48, s6  }
0xc: {  	s15 =	smov.u32 s3;
	s7 =	sshrl.u32 s31, $0x1;
	[sflag:s5] =	ssyncpa.u1 $0x0  }
0xd: {  	[sflag:s8] =	ssyncpa.u1 $0x0;
	s14 =	smov.u32 s7;
	s8 =	sor.u32 $0x1, s6  }
.LBB1_4:
0xe: {  	s25 =	sshll.u32 s10, $0x3  }
0xf: {  	s26 =	sand.u32 $0x7F, s10;
	[tilespmem:s22+$0x2040 ss:$0x81] =	vst.msk $0xffff, v4;
	s25 =	sand.u32 $0xFFFFFC00, s25  }
0x10: {  	s24 =	sshra.s32 s24, $0x2;
	[tilespmem:s22+$0x2850 ss:$0x81] =	vst.msk $0xffff, v3;
	s26 =	sor.u32 s26, s25;
	s25 =	smulhi.u32 $0xAAAAAAAB, s25  }
0x11: {  	p1 =	sgt.s32 s12, $0x1;
	s29 =	sshra.s32 s12, $0x1F;
	[tilespmem:s22+$0x3060 ss:$0x81] =	vst.msk $0xffff, v2;
	s27 =	smulhi.u32 $0xAAAAAAAB, s26  }
0x12: {  	s31 =	sshra.s32 s11, $0x1F;
	[tilespmem:s22+$0x0 ss:$0x81] =	vst.msk $0xffff, v1;
	s22 =	smov.u32 s10;
	s25 =	sshrl.u32 s25, $0x8  }
0x13: {  	s23 =	sadd.s32 s24, s23;
	s30 =	sshrl.u32 s27, $0x8;
	s28 =	smulhi.u32 $0x2AAAAAB, s25  }
0x14: {  	s29 =	sand.u32 s29, s12;
	s27 =	smov.u32 s12;
	s24 =	smul.u32 $0x180, s30  }
0x15: {  	s27 =	simm.s32 @!p1 $0x1;
	p1 =	sgt.s32 s11, $0x17F;
	s30 =	smov.u32 s11  }
0x16: {  	s31 =	sand.u32 s31, s11;
	s29 =	sxor.u32 $0xFFFFFFFF, s29;
	s30 =	simm.s32 @!p1 $0x17F  }
0x17: {  	v5 =	vld [tilespmem:s21+$0xFFFFFFD0];
	s27 =	sadd.s32 s29, s27;
	s28 =	smul.u32 $0x60, s28;
	s31 =	ssub.s32 s30, s31  }
0x18: {  	v58 =	vld [tilespmem:s21+$0xFFFFFFE0];
	p1 =	sgt.s32 s27, $0x0;
	s27 =	ssub.s32 $0x1, s27;
	s30 =	sadd.s32 $0xFFFFFE81, s31  }
0x19: {  	v59 =	vld [tilespmem:s21+$0xFFFFFFF0];
	s29 =	ssub.s32 $0x180, s31;
	s27 =	smul.u32 $0x60, s27;
	p2 =	sgt.s32 s30, $0x0  }
0x1a: {  	v60 =	vld [tilespmem:s21+$0x0];
	s31 =	sshra.s32 s10, $0x1F;
	s29 =	simm.s32 @p2 $0x0;
	p2 =	sgt.s32 s10, $0x100  }
0x1b: {  	v61 =	vld [tilespmem:s21+$0x10];
	[tilespmem:s23+$0x3870 ss:$0x81] =	vst.msk $0xffff, v0;
	s24 =	ssub.s32 s26, s24;
	s30 =	sand.u32 s31, s10;
	s22 =	simm.s32 @!p2 $0x100  }
0x1c: {  	v62 =	vld [tilespmem:s21+$0x20];
	[tilespmem:s23+$0x810 ss:$0x81] =	vst.msk $0xffff, v5;
	s31 =	smul.u32 $0x1B0000, s12;
	s27 =	simm.s32 @p1 $0x0;
	s22 =	ssub.s32 s22, s30  }
0x1d: {  	v63 =	vld [tilespmem:s21+$0xFFFFFFC0];
	[tilespmem:s23+$0x1020 ss:$0x81] =	vst.msk $0xffff, v58;
	s26 =	smul.u32 s29, s27;
	s29 =	ssub.s32 s25, s28;
	s30 =	sadd.s32 $0xFFFFFF00, s22  }
0x1e: {  	[tilespmem:s23+$0x1830 ss:$0x81] =	vst.msk $0xffff, v59;
	s28 =	smul.u32 $0x1200, s11;
	s22 =	ssub.s32 $0x180, s22;
	p1 =	sgt.s32 s30, $0x7F  }
0x1f: {  	[tilespmem:s23+$0x2040 ss:$0x81] =	vst.msk $0xffff, v60;
	s27 =	sadd.s32 s2, s31;
	s21 =	smul.u32 $0x30, s29;
	s22 =	simm.s32 @p1 $0x0  }
0x20: {  	[tilespmem:s23+$0x2850 ss:$0x81] =	vst.msk $0xffff, v61;
	s29 =	sand.u32 $0x7, s24;
	s25 =	sadd.s32 s28, s27;
	s22 =	smul.u32 s22, s26  }
0x21: {  	[tilespmem:s23+$0x3060 ss:$0x81] =	vst.msk $0xffff, v62;
	s24 =	sshrl.u32 s24, $0x3;
	s21 =	sadd.s32 s21, s25;
	s30 =	sshll.u32 s29, $0x12  }
0x22: {  	[tilespmem:s23+$0x0 ss:$0x81] =	vst.msk $0xffff, v63;
	s21 =	sadd.s32 s24, s21;
	s31 =	sor.u32 $0x400, s30;
	s22 =	sand.u32 $0x3FFFFFE0, s22  }
0x23: {  	[hbm4b:s21+s31] =	stream.strided.scatter [tilespmem:s20], [sflag:$0x2], s22, s9, s31, $0x20;
	[tilespmem:$0x10100] =	vst v63  }
.LBB1_5:
0x24: {  	p1 =	slt.u32 s16, $0x2;
	s21 =	smov.u32 s19  }
0x25: {  	p2 =	sgt.s32 @!p1 s19, $0x1;
	s20 =	sshra.s32 @!p1 s19, $0x1F;
	s22 =	sshra.s32 @!p1 s17, $0x1F  }
0x26: {  	p2 =	por !p2, p1;
	s19 =	sand.u32 @!p1 s20, s19;
	s20 =	smov.u32 s18  }
0x27: {  	s21 =	simm.s32 @p2 $0x1;
	s19 =	sxor.u32 @!p1 $0xFFFFFFFF, s19;
	p2 =	sgt.s32 @!p1 s18, $0x17F  }
0x28: {  	s19 =	sadd.s32 @!p1 s19, s21;
	p3 =	por !p2, p1;
	s21 =	sshra.s32 @!p1 s18, $0x1F  }
0x29: {  	p2 =	sgt.s32 @!p1 s19, $0x0;
	s20 =	simm.s32 @p3 $0x17F;
	s18 =	sand.u32 @!p1 s21, s18  }
0x2a: {  	s19 =	ssub.s32 @!p1 $0x1, s19;
	p3 =	sgt.s32 @!p1 s17, $0x100;
	s21 =	smov.u32 s17  }
0x2b: {  	s17 =	sand.u32 @!p1 s22, s17;
	s18 =	ssub.s32 @!p1 s20, s18;
	p3 =	por !p3, p1  }
0x2c: {  	s19 =	smul.u32 @!p1 $0x60, s19;
	s20 =	sadd.s32 @!p1 $0xFFFFFE81, s18;
	s21 =	simm.s32 @p3 $0x100  }
0x2d: {  	p2 =	por !p2, p1;
	p3 =	sgt.s32 @!p1 s20, $0x0;
	s17 =	ssub.s32 @!p1 s21, s17  }
0x2e: {  	s18 =	ssub.s32 @!p1 $0x180, s18;
	p3 =	por !p3, p1;
	s20 =	sadd.s32 @!p1 $0xFFFFFF00, s17  }
0x2f: {  	s19 =	simm.s32 @!p2 $0x0;
	s18 =	simm.s32 @!p3 $0x0;
	p3 =	sgt.s32 @!p1 s20, $0x7F  }
0x30: {  	s17 =	ssub.s32 @!p1 $0x180, s17;
	p2 =	por !p3, p1;
	s18 =	smul.u32 @!p1 s18, s19  }
0x31: {  	s21 =	smov.u32 s14;
	s20 =	sadd.s32 $0x80, s13;
	s17 =	simm.s32 @!p2 $0x0  }
0x32: {  	p2 =	sgt.s32 s20, $0x17F;
	s17 =	smul.u32 @!p1 s17, s18;
	s18 =	sadd.s32 $0x10, s14  }
0x33: {  	s21 =	smov.u32 @p2 s18  }
0x34: {  	s23 =	smov.u32 s15;
	s18 =	sadd.s32 $0x2, s15;
	p3 =	sgt.s32 s21, $0x17F  }
0x35: {  	p0 =	por !p0, !p0;
	s22 =	simm.s32 @!p1 $0x2;
	s23 =	smov.u32 @p3 s18  }
0x36: {  	s19 =	smov.u32 s12;
	s20 =	simm.s32 @p2 $0x0;
	p2 =	sgt.s32 s23, $0x1  }
0x37: {  	s17 =	sand.u32 @!p1 $0x3FFFFFE0, s17;
	s23 =	smov.u32 @p2 s3;
	p2 =	sne.s32 s16, s8  }
.Ltmp1:
0x38: {  	s12 =	smov.u32 s15;
	_ =	swait.ge @!p1 [sflag:s22], s17;
	(pc) =	sbr.rel @!p2 .LBB1_6-.Ltmp1, $4  }
0x39: {  	s24 =	ssub.s32 @!p1 $0x0, s17;
	s21 =	smov.u32 @p3 s7;
	s17 =	smov.u32 s10  }
0x3a: {  	s18 =	smov.u32 s11;
	s10 =	smov.u32 s13;
	s11 =	smov.u32 s14  }
0x3b: {  	s13 =	smov.u32 s20;
	[sflag:s22] =	ssyncset.done @!p1 $0x0;
	s14 =	smov.u32 s21  }
0x3c: {  	s16 =	sadd.s32 $0x1, s16;
	[sflag:s22] =	ssyncadd.s32 @!p1 s24;
	s15 =	smov.u32 s23  }
.LBB1_1:
0x3d: {  	p1 =	sge.u32 s16, s6  }
0x3e: {  	s20 =	sand.u32 @!p1 $0x1FFFFFF, s13  }
0x3f: {  	s21 =	smulhi.u32 @!p1 $0xAAAAAB, s20  }
0x40: {  	s22 =	smul.u32 @!p1 $0x240000, s15  }
0x41: {  	s21 =	smul.u32 @!p1 $0x180, s21  }
0x42: {  	s31 =	sadd.s32 $0xFFFFFFFF, s16;
	s23 =	smul.u32 @!p1 $0x1800, s14  }
0x43: {  	s22 =	sadd.s32 @!p1 s4, s22;
	s20 =	ssub.s32 @!p1 s20, s21;
	s21 =	sxor.u32 @!p1 $0xFFFFFFFF, s16  }
0x44: {  	s22 =	sadd.s32 @!p1 s23, s22;
	s21 =	sshll.u32 @!p1 s21, $0xE;
	s20 =	sshll.u32 @!p1 s20, $0x4  }
0x45: {  	s21 =	sand.u32 @!p1 $0x4000, s21;
	s20 =	sadd.s32 @!p1 s20, s22;
	s22 =	simm.s32 @!p1 $0x0  }
0x46: {  	[tilespmem:s21], [sflag:$0x1] =	stream.linear.gather @!p1 [hbm4b:s20+s22], $0x4000, $0x38;
	[tilespmem:$0x10100] =	vst v63  }
0x47: {  	p1 =	sge.u32 s31, s6  }
.Ltmp2:
0x48: {  	_ = 	snop;
	(pc) =	sbr.rel @p1 .LBB1_5-.Ltmp2, $1  }
0x49: {  	_ =	sdelay $0x3  }
0x4a: {  	s20 =	simm.s32 $0x1  }
0x4b: {  	_ =	swait.ge [sflag:s5], $0x4000;
	s20 =	simm.s32 @!p0 $0x0  }
0x4c: {  	[sflag:s5] =	ssyncset.done $0x0;
	s21 =	sshll.u32 s20, $0xE  }
0x4d: {  	[sflag:s5] =	ssyncadd.s32 $0xFFFFC000;
	s21 =	sor.u32 $0x40, s21  }
0x4e: {  	s20 =	smul.u32 $0x10200, s20;
	v0 =	vld [tilespmem:s21+$0x30]  }
0x4f: {  	v1 =	vld [tilespmem:s21+$0xFFFFFFD0]  }
0x50: {  	s20 =	sshrl.u32 s20, $0x2;
	v5 =	vld [tilespmem:s21+$0xFFFFFFE0]  }
0x51: {  	v6 =	vld [tilespmem:s21+$0xFFFFFFF0];
	s23 =	sor.u32 $0x8000, s20  }
0x52: {  	s31 =	sand.u32 $0x1, s16;
	v4 =	vld [tilespmem:s21+$0x0];
	s22 =	sadd.s32 $0x0, s23  }
0x53: {  	v3 =	vld [tilespmem:s21+$0x10];
	s20 =	smul.u32 $0x10200, s31;
	[tilespmem:s22+$0x3870 ss:$0x81] =	vst.msk $0xffff, v0  }
0x54: {  	v2 =	vld [tilespmem:s21+$0x20];
	[tilespmem:s22+$0x810 ss:$0x81] =	vst.msk $0xffff, v1  }
0x55: {  	s20 =	sshrl.u32 s20, $0x2;
	v1 =	vld [tilespmem:s21+$0xFFFFFFC0];
	[tilespmem:s22+$0x1020 ss:$0x81] =	vst.msk $0xffff, v5;
	s21 =	sadd.s32 $0x80, s21  }
0x56: {  	s24 =	simm.s32 $0x4;
	s25 =	simm.s32 $0x8;
	s20 =	sor.u32 $0x8000, s20;
	[tilespmem:s22+$0x1830 ss:$0x81] =	vst.msk $0xffff, v6;
	v0 =	vld [tilespmem:s21+$0x30]  }
.LBB1_3:
0x57: {  	p1 =	sne.s32 s25, $0x1FC;
	v5 =	vld [tilespmem:s21+$0xFFFFFFD0];
	[tilespmem:s22+$0x2040 ss:$0x81] =	vst.msk $0xffff, v4  }
0x58: {  	v6 =	vld [tilespmem:s21+$0xFFFFFFE0];
	[tilespmem:s22+$0x2850 ss:$0x81] =	vst.msk $0xffff, v3  }
0x59: {  	s26 =	sshra.s32 s24, $0x2;
	s24 =	smov.u32 s25;
	v7 =	vld [tilespmem:s21+$0xFFFFFFF0];
	[tilespmem:s22+$0x3060 ss:$0x81] =	vst.msk $0xffff, v2  }
.Ltmp3:
0x5a: {  	v4 =	vld [tilespmem:s21+$0x0];
	[tilespmem:s22+$0x0 ss:$0x81] =	vst.msk $0xffff, v1;
	s22 =	sadd.s32 s26, s23;
	(pc) =	sbr.rel @p1 .LBB1_3-.Ltmp3, $4  }
0x5b: {  	v3 =	vld [tilespmem:s21+$0x10];
	[tilespmem:s22+$0x3870 ss:$0x81] =	vst.msk $0xffff, v0  }
0x5c: {  	[tilespmem:s22+$0x810 ss:$0x81] =	vst.msk $0xffff, v5;
	v2 =	vld [tilespmem:s21+$0x20]  }
0x5d: {  	v1 =	vld [tilespmem:s21+$0xFFFFFFC0];
	[tilespmem:s22+$0x1020 ss:$0x81] =	vst.msk $0xffff, v6;
	s21 =	sadd.s32 $0x80, s21  }
0x5e: {  	s25 =	sadd.s32 $0x4, s25;
	v0 =	vld [tilespmem:s21+$0x30];
	[tilespmem:s22+$0x1830 ss:$0x81] =	vst.msk $0xffff, v7  }
.Ltmp4:
0x5f: {  	_ = 	snop;
	(pc) =	sbr.rel .LBB1_4-.Ltmp4, $1  }
0x60: {  	_ =	sdelay $0x3  }
.LBB1_6:
0x61: {  	_ =	sfence.sel $0x180000  }
0x62: {  	s2 =	simm.s32 $0x1;
	[bflag:$0x0] =	sbarrier.arrive $0xFFFF  }
0x63: {  	s31 =	simm.s32 $0x2;
	[sflag:s2] =	ssyncpa.u1 $0x1  }
0x64: {  	[sflag:s31] =	ssyncpa.u1 $0x1  }
0x65: {  	p0 =	sne.s32 s1, $0x0;
	_ =	strace $0x9000004A  }
0x66: {  	s0 =	sadd.s32 @!p0 $0x100000, s0;
	[bflag:$0x2] =	sbarrier.arrive $0xFFFF  }
0x67: {  	[sflag:s0] =	ssyncadd.tile.s32 @!p0 $0x1;
	_ =	shalt  }
.Lfunc_end1:
_tile_overlayer_lowered:
.L_overlay_start_2:
0x68: {  	(tag) =	ssettag $0x2  }
0x69: {  	s0 =	rddreg [dreg:$0x0];
	s2 =	stileid.u32  }
0x6a: {  	s1 =	rddreg [dreg:$0x1];
	p0 =	sne.s32 s2, $0x0  }
0x6b: {  	s3 =	rddreg [dreg:$0x2];
	[bflag:$0x3] =	sbarrier.arrive $0xFFFF;
	s2 =	simm.s32 @!p0 $0x1C01  }
0x6c: {  	[timem:s3], [sflag:s2] =	dma.local @!p0 [hbm:s0], s1  }
0x6d: {  	s0 =	simm.s32 @!p0 $0x1  }
0x6e: {  	_ =	swait.ge @!p0 [sflag:s0], s1  }
0x6f: {  	s1 =	ssub.s32 @!p0 $0x0, s1;
	[sflag:s0] =	ssyncset.done @!p0 $0x0  }
0x70: {  	[sflag:s0] =	ssyncadd.s32 @!p0 s1  }
0x71: {  	[bflag:$0x3] =	sbarrier.arrive $0xFFFF  }
0x72: {  	_ =	shalt  }

</sc_bundles>
